<compile_context>
chip_gen: v7x
topology: tpu7x:2x2x1
jax: 0.10.2.dev20260603
libtpu: 0.0.44.dev20260713+nightly
codegen_flags: <defaults>
</compile_context>

<pallas_src>
import functools
import math

import jax
import jax.numpy as jnp
from jax import lax
from jax.experimental import pallas as pl
from jax.experimental.pallas import tpu as pltpu
from jax.experimental.pallas import tpu_sc as plsc

_SMOOTHING = 0.1
_ROWS_PER_BLOCK = 128
_CHUNK = 128


def _tc_body(t_ref, ii_ref, x_ref, loss_ref):
    pi = pl.program_id(0)
    R, V = x_ref.shape
    C = _CHUNK
    t = t_ref[...]
    ii = ii_ref[0, 0]
    lane = lax.broadcasted_iota(jnp.int32, (R, C), 1)
    tb = jnp.broadcast_to(t, (R, C))

    acc_e = jnp.zeros((R, C), jnp.float32)
    acc_s = jnp.zeros((R, C), jnp.float32)
    acc_p = jnp.zeros((R, C), jnp.float32)
    for ci in range(V // C):
        v = x_ref[:, ci * C:(ci + 1) * C]
        acc_e = acc_e + jnp.exp(v)
        acc_s = acc_s + v
        acc_p = acc_p + jnp.where(lane == (tb - ci * C), v, 0.0)
    se = jnp.sum(acc_e, axis=1)
    s = jnp.sum(acc_s, axis=1)
    pt = jnp.sum(acc_p, axis=1)
    lse = jnp.log(se)

    u = _SMOOTHING / (V - 1)
    c = 1.0 - _SMOOTHING
    K = c * math.log(c) + (V - 1) * u * math.log(u)
    loss = K - u * s + (u * V + (c - u)) * lse - (c - u) * pt

    pad = t[:, 0] == ii
    loss = jnp.where(pad, 0.0, loss)

    @pl.when(pi == 0)
    def _():
        loss_ref[...] = jnp.zeros((1, 1), jnp.float32)

    loss_ref[...] += jnp.sum(loss).reshape(1, 1)


def _sc_nonpad_count(t, ii16, N):
    info = plsc.get_sparse_core_info()
    NC, NS, L = info.num_cores, info.num_subcores, info.num_lanes
    NW = NC * NS
    CHUNK = N // NW

    @functools.partial(
        pl.kernel,
        mesh=plsc.VectorSubcoreMesh(core_axis_name="c", subcore_axis_name="s"),
        out_type=jax.ShapeDtypeStruct((NW, L), jnp.float32),
        scratch_types=[
            pltpu.VMEM((CHUNK,), jnp.int32),
            pltpu.VMEM((L,), jnp.int32),
            pltpu.VMEM((L,), jnp.float32),
        ],
    )
    def sc_kernel(t_hbm, ii_hbm, out_hbm, t_v, ii_v, acc_v):
        ci = lax.axis_index("c")
        si = lax.axis_index("s")
        wid = si * NC + ci
        base = wid * CHUNK
        pltpu.sync_copy(t_hbm.at[pl.ds(base, CHUNK)], t_v)
        pltpu.sync_copy(ii_hbm, ii_v)
        acc = jnp.zeros((L,), jnp.float32)
        for j in range(CHUNK // L):
            tt = t_v[pl.ds(j * L, L)]
            acc = acc + jnp.where(tt == ii_v[...], 0.0, 1.0)
        acc_v[...] = acc
        pltpu.sync_copy(acc_v, out_hbm.at[wid])

    return sc_kernel(t, ii16)


def kernel(pred, target, ignore_index):
    B, S, V = pred.shape
    N = B * S
    R = _ROWS_PER_BLOCK
    x = pred.reshape(N, V)
    tflat = target.reshape(N).astype(jnp.int32)
    t = tflat.reshape(N, 1)
    ii = jnp.asarray(ignore_index, jnp.int32).reshape(1, 1)
    ii16 = jnp.full((16,), ignore_index, jnp.int32)

    cnt_partials = _sc_nonpad_count(tflat, ii16, N)

    (loss_sum,) = pl.pallas_call(
        _tc_body,
        grid=(N // R,),
        in_specs=[
            pl.BlockSpec((R, 1), lambda i: (i, 0)),
            pl.BlockSpec(memory_space=pltpu.SMEM),
            pl.BlockSpec((R, V), lambda i: (i, 0)),
        ],
        out_specs=[
            pl.BlockSpec((1, 1), lambda i: (0, 0)),
        ],
        out_shape=[
            jax.ShapeDtypeStruct((1, 1), jnp.float32),
        ],
    )(t, ii, x)

    return (loss_sum[0, 0] / jnp.sum(cnt_partials)).astype(jnp.float32)

# --- scband reference (transcript-rebuilt; emitter-appended) ---
"""Pipeline reference for scband-label-smoothing-loss-67585605370151 (READ-ONLY COPY).

The authoritative reference and input builder live on the scoring server;
editing this copy changes nothing except your own understanding.
"""

import jax, jax.numpy as jnp
import numpy as np

SMOOTHING = 0.1
B, S, V = 2, 2048, 32000


def setup_inputs(seed: int = 0) -> dict:
    key = jax.random.key(seed)
    k1, k2 = jax.random.split(key)
    pred = jax.random.normal(k1, (B, S, V), dtype=jnp.float32)
    target = jax.random.randint(k2, (B, S), 0, V, dtype=jnp.int32)
    return {"pred": pred, "target": target, "ignore_index": 0}


def reference(pred, target, ignore_index):
    # log_softmax over classes
    logp = jax.nn.log_softmax(pred, axis=-1)
    num_classes = pred.shape[-1]
    uniform_confidence = SMOOTHING / (num_classes - 1)
    confidence = 1.0 - SMOOTHING
    # model_prob = uniform everywhere, scatter confidence at target index (dim=2)
    onehot = jax.nn.one_hot(target, num_classes, dtype=jnp.bool_)
    model_prob = jnp.where(onehot, confidence, uniform_confidence).astype(jnp.float32)
    # zero out padded positions
    pads = (target == ignore_index)
    model_prob = jnp.where(pads[..., None], 0.0, model_prob)
    # KLDivLoss(reduction='none'): p * (log p - logp), with 0*log0 := 0
    safe_p = jnp.where(model_prob > 0, model_prob, 1.0)
    tot_loss = jnp.where(model_prob > 0, model_prob * (jnp.log(safe_p) - logp), 0.0)
    # masked_fill pads again (matches original)
    tot_loss = jnp.where(pads[..., None], 0.0, tot_loss)
    num_non_pads = (~pads).sum().astype(jnp.float32)
    return tot_loss.sum() / num_non_pads

if __name__ == "__main__":
    import jax
    _d = setup_inputs()
    print(jax.jit(kernel)(*tuple(_d.values())))

</pallas_src>

<mosaic_0001>
#map = affine_map<(d0, d1) -> (0)>
#map1 = affine_map<(d0, d1) -> (0, 0)>
module attributes {stable_mosaic.version = 14 : i64} {
  func.func @sc_kernel(%arg0: i32, %arg1: i32, %arg2: memref<4096xi32, #tpu.memory_space<hbm>>, %arg3: memref<16xi32, #tpu.memory_space<hbm>>, %arg4: memref<32x16xf32, #tpu.memory_space<hbm>>, %arg5: memref<128xi32, #tpu.memory_space<vmem>>, %arg6: memref<16xi32, #tpu.memory_space<vmem>>, %arg7: memref<16xf32, #tpu.memory_space<vmem>>) attributes {dimension_semantics = [#tpu.dimension_semantics<core_parallel>, #tpu.dimension_semantics<subcore_parallel>], iteration_bounds = array<i64: 2, 16>, scalar_prefetch = 0 : i64, scratch_operands = 3 : i64, tpu.core_type = #tpu.core_type<sc_vector_subcore>, window_params = [{transform_indices = #map}, {transform_indices = #map}, {transform_indices = #map1}]} {
    %mul3A = arith.constant 2 : i32
    %mul3A_0 = arith.muli %arg1, %mul3A : i32
    %add3A = arith.addi %mul3A_0, %arg0 : i32
    %mul3A_1 = arith.constant 128 : i32
    %mul3A_2 = arith.muli %add3A, %mul3A_1 : i32
    "tpu.region"() ({
      %run_scoped3A = tpu.sem_alloc : memref<!tpu.dma_semaphore, #tpu.memory_space<semaphore_mem>>
      %dma_start3A = tpu.memref_slice %arg2[%mul3A_2] : memref<4096xi32, #tpu.memory_space<hbm>> -> memref<128xi32, #tpu.memory_space<hbm>>
      %dma_start3A_107 = tpu.memref_slice %arg2[%mul3A_2] : memref<4096xi32, #tpu.memory_space<hbm>> -> memref<128xi32, #tpu.memory_space<hbm>>
      tpu.enqueue_dma source(%dma_start3A_107 : memref<128xi32, #tpu.memory_space<hbm>>) target(%arg5 : memref<128xi32, #tpu.memory_space<vmem>>) target_semaphore(%run_scoped3A : memref<!tpu.dma_semaphore, #tpu.memory_space<semaphore_mem>>)
      %dma_wait3A = tpu.memref_slice %arg2[%mul3A_2] : memref<4096xi32, #tpu.memory_space<hbm>> -> memref<128xi32, #tpu.memory_space<hbm>>
      %dma_wait3A_108 = tpu.memref_slice %arg2[%mul3A_2] : memref<4096xi32, #tpu.memory_space<hbm>> -> memref<128xi32, #tpu.memory_space<hbm>>
      tpu.wait_dma2 semaphore(%run_scoped3A : memref<!tpu.dma_semaphore, #tpu.memory_space<semaphore_mem>>) src(%dma_wait3A_108 : memref<128xi32, #tpu.memory_space<hbm>>) dst(%arg5 : memref<128xi32, #tpu.memory_space<vmem>>)
      tpu.yield
    }) : () -> ()
    "tpu.region"() ({
      %run_scoped3A = tpu.sem_alloc : memref<!tpu.dma_semaphore, #tpu.memory_space<semaphore_mem>>
      tpu.enqueue_dma source(%arg3 : memref<16xi32, #tpu.memory_space<hbm>>) target(%arg6 : memref<16xi32, #tpu.memory_space<vmem>>) target_semaphore(%run_scoped3A : memref<!tpu.dma_semaphore, #tpu.memory_space<semaphore_mem>>)
      tpu.wait_dma2 semaphore(%run_scoped3A : memref<!tpu.dma_semaphore, #tpu.memory_space<semaphore_mem>>) src(%arg3 : memref<16xi32, #tpu.memory_space<hbm>>) dst(%arg6 : memref<16xi32, #tpu.memory_space<vmem>>)
      tpu.yield
    }) : () -> ()
    %broadcast_in_dim3A = arith.constant 0.000000e+00 : f32
    %broadcast_in_dim3A_3 = vector.broadcast %broadcast_in_dim3A : f32 to vector<16xf32>
    %get3A = arith.constant 0 : index
    %get3A_4 = tpu.vector_load %arg5[%get3A] {strides = array<i32>} : memref<128xi32, #tpu.memory_space<vmem>>, vector<16xi32>,
    %get3A_5 = vector.shape_cast %get3A_4 : vector<16xi32> to vector<16xi32>
    %get3A_6 = arith.constant 0 : index
    %get3A_7 = tpu.vector_load %arg6[%get3A_6] {strides = array<i32>} : memref<16xi32, #tpu.memory_space<vmem>>, vector<16xi32>,
    %get3A_8 = vector.shape_cast %get3A_7 : vector<16xi32> to vector<16xi32>
    %eq3A = arith.cmpi eq, %get3A_5, %get3A_8 : vector<16xi32>
    %jit3A = arith.constant 0.000000e+00 : f32
    %jit3A_9 = arith.constant 1.000000e+00 : f32
    %broadcast_in_dim3A_10 = vector.broadcast %jit3A : f32 to vector<16xf32>
    %broadcast_in_dim3A_11 = vector.broadcast %jit3A_9 : f32 to vector<16xf32>
    %select_n3A = arith.select %eq3A, %broadcast_in_dim3A_10, %broadcast_in_dim3A_11 : vector<16xi1>, vector<16xf32>
    %add3A_12 = arith.addf %broadcast_in_dim3A_3, %select_n3A : vector<16xf32>
    %get3A_13 = arith.constant 16 : index
    %get3A_14 = tpu.vector_load %arg5[%get3A_13] {strides = array<i32>} : memref<128xi32, #tpu.memory_space<vmem>>, vector<16xi32>,
    %get3A_15 = vector.shape_cast %get3A_14 : vector<16xi32> to vector<16xi32>
    %get3A_16 = arith.constant 0 : index
    %get3A_17 = tpu.vector_load %arg6[%get3A_16] {strides = array<i32>} : memref<16xi32, #tpu.memory_space<vmem>>, vector<16xi32>,
    %get3A_18 = vector.shape_cast %get3A_17 : vector<16xi32> to vector<16xi32>
    %eq3A_19 = arith.cmpi eq, %get3A_15, %get3A_18 : vector<16xi32>
    %jit3A_20 = arith.constant 0.000000e+00 : f32
    %jit3A_21 = arith.constant 1.000000e+00 : f32
    %broadcast_in_dim3A_22 = vector.broadcast %jit3A_20 : f32 to vector<16xf32>
    %broadcast_in_dim3A_23 = vector.broadcast %jit3A_21 : f32 to vector<16xf32>
    %select_n3A_24 = arith.select %eq3A_19, %broadcast_in_dim3A_22, %broadcast_in_dim3A_23 : vector<16xi1>, vector<16xf32>
    %add3A_25 = arith.addf %add3A_12, %select_n3A_24 : vector<16xf32>
    %get3A_26 = arith.constant 32 : index
    %get3A_27 = tpu.vector_load %arg5[%get3A_26] {strides = array<i32>} : memref<128xi32, #tpu.memory_space<vmem>>, vector<16xi32>,
    %get3A_28 = vector.shape_cast %get3A_27 : vector<16xi32> to vector<16xi32>
    %get3A_29 = arith.constant 0 : index
    %get3A_30 = tpu.vector_load %arg6[%get3A_29] {strides = array<i32>} : memref<16xi32, #tpu.memory_space<vmem>>, vector<16xi32>,
    %get3A_31 = vector.shape_cast %get3A_30 : vector<16xi32> to vector<16xi32>
    %eq3A_32 = arith.cmpi eq, %get3A_28, %get3A_31 : vector<16xi32>
    %jit3A_33 = arith.constant 0.000000e+00 : f32
    %jit3A_34 = arith.constant 1.000000e+00 : f32
    %broadcast_in_dim3A_35 = vector.broadcast %jit3A_33 : f32 to vector<16xf32>
    %broadcast_in_dim3A_36 = vector.broadcast %jit3A_34 : f32 to vector<16xf32>
    %select_n3A_37 = arith.select %eq3A_32, %broadcast_in_dim3A_35, %broadcast_in_dim3A_36 : vector<16xi1>, vector<16xf32>
    %add3A_38 = arith.addf %add3A_25, %select_n3A_37 : vector<16xf32>
    %get3A_39 = arith.constant 48 : index
    %get3A_40 = tpu.vector_load %arg5[%get3A_39] {strides = array<i32>} : memref<128xi32, #tpu.memory_space<vmem>>, vector<16xi32>,
    %get3A_41 = vector.shape_cast %get3A_40 : vector<16xi32> to vector<16xi32>
    %get3A_42 = arith.constant 0 : index
    %get3A_43 = tpu.vector_load %arg6[%get3A_42] {strides = array<i32>} : memref<16xi32, #tpu.memory_space<vmem>>, vector<16xi32>,
    %get3A_44 = vector.shape_cast %get3A_43 : vector<16xi32> to vector<16xi32>
    %eq3A_45 = arith.cmpi eq, %get3A_41, %get3A_44 : vector<16xi32>
    %jit3A_46 = arith.constant 0.000000e+00 : f32
    %jit3A_47 = arith.constant 1.000000e+00 : f32
    %broadcast_in_dim3A_48 = vector.broadcast %jit3A_46 : f32 to vector<16xf32>
    %broadcast_in_dim3A_49 = vector.broadcast %jit3A_47 : f32 to vector<16xf32>
    %select_n3A_50 = arith.select %eq3A_45, %broadcast_in_dim3A_48, %broadcast_in_dim3A_49 : vector<16xi1>, vector<16xf32>
    %add3A_51 = arith.addf %add3A_38, %select_n3A_50 : vector<16xf32>
    %get3A_52 = arith.constant 64 : index
    %get3A_53 = tpu.vector_load %arg5[%get3A_52] {strides = array<i32>} : memref<128xi32, #tpu.memory_space<vmem>>, vector<16xi32>,
    %get3A_54 = vector.shape_cast %get3A_53 : vector<16xi32> to vector<16xi32>
    %get3A_55 = arith.constant 0 : index
    %get3A_56 = tpu.vector_load %arg6[%get3A_55] {strides = array<i32>} : memref<16xi32, #tpu.memory_space<vmem>>, vector<16xi32>,
    %get3A_57 = vector.shape_cast %get3A_56 : vector<16xi32> to vector<16xi32>
    %eq3A_58 = arith.cmpi eq, %get3A_54, %get3A_57 : vector<16xi32>
    %jit3A_59 = arith.constant 0.000000e+00 : f32
    %jit3A_60 = arith.constant 1.000000e+00 : f32
    %broadcast_in_dim3A_61 = vector.broadcast %jit3A_59 : f32 to vector<16xf32>
    %broadcast_in_dim3A_62 = vector.broadcast %jit3A_60 : f32 to vector<16xf32>
    %select_n3A_63 = arith.select %eq3A_58, %broadcast_in_dim3A_61, %broadcast_in_dim3A_62 : vector<16xi1>, vector<16xf32>
    %add3A_64 = arith.addf %add3A_51, %select_n3A_63 : vector<16xf32>
    %get3A_65 = arith.constant 80 : index
    %get3A_66 = tpu.vector_load %arg5[%get3A_65] {strides = array<i32>} : memref<128xi32, #tpu.memory_space<vmem>>, vector<16xi32>,
    %get3A_67 = vector.shape_cast %get3A_66 : vector<16xi32> to vector<16xi32>
    %get3A_68 = arith.constant 0 : index
    %get3A_69 = tpu.vector_load %arg6[%get3A_68] {strides = array<i32>} : memref<16xi32, #tpu.memory_space<vmem>>, vector<16xi32>,
    %get3A_70 = vector.shape_cast %get3A_69 : vector<16xi32> to vector<16xi32>
    %eq3A_71 = arith.cmpi eq, %get3A_67, %get3A_70 : vector<16xi32>
    %jit3A_72 = arith.constant 0.000000e+00 : f32
    %jit3A_73 = arith.constant 1.000000e+00 : f32
    %broadcast_in_dim3A_74 = vector.broadcast %jit3A_72 : f32 to vector<16xf32>
    %broadcast_in_dim3A_75 = vector.broadcast %jit3A_73 : f32 to vector<16xf32>
    %select_n3A_76 = arith.select %eq3A_71, %broadcast_in_dim3A_74, %broadcast_in_dim3A_75 : vector<16xi1>, vector<16xf32>
    %add3A_77 = arith.addf %add3A_64, %select_n3A_76 : vector<16xf32>
    %get3A_78 = arith.constant 96 : index
    %get3A_79 = tpu.vector_load %arg5[%get3A_78] {strides = array<i32>} : memref<128xi32, #tpu.memory_space<vmem>>, vector<16xi32>,
    %get3A_80 = vector.shape_cast %get3A_79 : vector<16xi32> to vector<16xi32>
    %get3A_81 = arith.constant 0 : index
    %get3A_82 = tpu.vector_load %arg6[%get3A_81] {strides = array<i32>} : memref<16xi32, #tpu.memory_space<vmem>>, vector<16xi32>,
    %get3A_83 = vector.shape_cast %get3A_82 : vector<16xi32> to vector<16xi32>
    %eq3A_84 = arith.cmpi eq, %get3A_80, %get3A_83 : vector<16xi32>
    %jit3A_85 = arith.constant 0.000000e+00 : f32
    %jit3A_86 = arith.constant 1.000000e+00 : f32
    %broadcast_in_dim3A_87 = vector.broadcast %jit3A_85 : f32 to vector<16xf32>
    %broadcast_in_dim3A_88 = vector.broadcast %jit3A_86 : f32 to vector<16xf32>
    %select_n3A_89 = arith.select %eq3A_84, %broadcast_in_dim3A_87, %broadcast_in_dim3A_88 : vector<16xi1>, vector<16xf32>
    %add3A_90 = arith.addf %add3A_77, %select_n3A_89 : vector<16xf32>
    %get3A_91 = arith.constant 112 : index
    %get3A_92 = tpu.vector_load %arg5[%get3A_91] {strides = array<i32>} : memref<128xi32, #tpu.memory_space<vmem>>, vector<16xi32>,
    %get3A_93 = vector.shape_cast %get3A_92 : vector<16xi32> to vector<16xi32>
    %get3A_94 = arith.constant 0 : index
    %get3A_95 = tpu.vector_load %arg6[%get3A_94] {strides = array<i32>} : memref<16xi32, #tpu.memory_space<vmem>>, vector<16xi32>,
    %get3A_96 = vector.shape_cast %get3A_95 : vector<16xi32> to vector<16xi32>
    %eq3A_97 = arith.cmpi eq, %get3A_93, %get3A_96 : vector<16xi32>
    %jit3A_98 = arith.constant 0.000000e+00 : f32
    %jit3A_99 = arith.constant 1.000000e+00 : f32
    %broadcast_in_dim3A_100 = vector.broadcast %jit3A_98 : f32 to vector<16xf32>
    %broadcast_in_dim3A_101 = vector.broadcast %jit3A_99 : f32 to vector<16xf32>
    %select_n3A_102 = arith.select %eq3A_97, %broadcast_in_dim3A_100, %broadcast_in_dim3A_101 : vector<16xi1>, vector<16xf32>
    %add3A_103 = arith.addf %add3A_90, %select_n3A_102 : vector<16xf32>
    %swap3A = arith.constant 0 : index
    %swap3A_104 = tpu.vector_load %arg7[%swap3A] {strides = array<i32>} : memref<16xf32, #tpu.memory_space<vmem>>, vector<16xf32>,
    %swap3A_105 = vector.shape_cast %swap3A_104 : vector<16xf32> to vector<16xf32>
    %swap3A_106 = vector.shape_cast %add3A_103 : vector<16xf32> to vector<16xf32>
    tpu.vector_store %arg7[%swap3A], %swap3A_106 {strides = array<i32>} : memref<16xf32, #tpu.memory_space<vmem>>, vector<16xf32>,
    "tpu.region"() ({
      %run_scoped3A = tpu.sem_alloc : memref<!tpu.dma_semaphore, #tpu.memory_space<semaphore_mem>>
      %dma_start3A = arith.constant 0 : i32
      %dma_start3A_107 = tpu.memref_slice %arg4[%add3A, %dma_start3A] : memref<32x16xf32, #tpu.memory_space<hbm>> -> memref<1x16xf32, #tpu.memory_space<hbm>>
      %dma_start3A_108 = tpu.memref_squeeze %dma_start3A_107 : memref<1x16xf32, #tpu.memory_space<hbm>> -> memref<16xf32, #tpu.memory_space<hbm>>
      %dma_start3A_109 = arith.constant 0 : i32
      %dma_start3A_110 = tpu.memref_slice %arg4[%add3A, %dma_start3A_109] : memref<32x16xf32, #tpu.memory_space<hbm>> -> memref<1x16xf32, #tpu.memory_space<hbm>>
      %dma_start3A_111 = tpu.memref_squeeze %dma_start3A_110 : memref<1x16xf32, #tpu.memory_space<hbm>> -> memref<16xf32, #tpu.memory_space<hbm>>
      tpu.enqueue_dma source(%arg7 : memref<16xf32, #tpu.memory_space<vmem>>) target(%dma_start3A_111 : memref<16xf32, #tpu.memory_space<hbm>>) target_semaphore(%run_scoped3A : memref<!tpu.dma_semaphore, #tpu.memory_space<semaphore_mem>>)
      %dma_wait3A = arith.constant 0 : i32
      %dma_wait3A_112 = tpu.memref_slice %arg4[%add3A, %dma_wait3A] : memref<32x16xf32, #tpu.memory_space<hbm>> -> memref<1x16xf32, #tpu.memory_space<hbm>>
      %dma_wait3A_113 = tpu.memref_squeeze %dma_wait3A_112 : memref<1x16xf32, #tpu.memory_space<hbm>> -> memref<16xf32, #tpu.memory_space<hbm>>
      %dma_wait3A_114 = arith.constant 0 : i32
      %dma_wait3A_115 = tpu.memref_slice %arg4[%add3A, %dma_wait3A_114] : memref<32x16xf32, #tpu.memory_space<hbm>> -> memref<1x16xf32, #tpu.memory_space<hbm>>
      %dma_wait3A_116 = tpu.memref_squeeze %dma_wait3A_115 : memref<1x16xf32, #tpu.memory_space<hbm>> -> memref<16xf32, #tpu.memory_space<hbm>>
      tpu.wait_dma2 semaphore(%run_scoped3A : memref<!tpu.dma_semaphore, #tpu.memory_space<semaphore_mem>>) src(%arg7 : memref<16xf32, #tpu.memory_space<vmem>>) dst(%dma_wait3A_116 : memref<16xf32, #tpu.memory_space<hbm>>)
      tpu.yield
    }) : () -> ()
    return
  }
}

module attributes {stable_mosaic.version = 14 : i64} {
  func.func @_tc_body(%arg0: i32, %arg1: memref<128x1xi32, #tpu.memory_space<vmem>>, %arg2: memref<1x1xi32, #tpu.memory_space<smem>>, %arg3: memref<128x32000xf32, #tpu.memory_space<vmem>>, %arg4: memref<1x1xf32, #tpu.memory_space<vmem>>) attributes {dimension_semantics = [#tpu.dimension_semantics<arbitrary>], iteration_bounds = array<i64: 32>, scalar_prefetch = 0 : i64, scratch_operands = 0 : i64, tpu.core_type = #tpu.core_type<tc>, window_params = [{transform_indices = @transform_0, window_bounds = array<i64: 128, 1>}, {transform_indices = @transform_1, window_bounds = array<i64: 1, 1>}, {transform_indices = @transform_2, window_bounds = array<i64: 128, 32000>}, {pipeline_mode = #tpu.pipeline_mode<synchronous>, transform_indices = @transform_3, window_bounds = array<i64: 1, 1>}]} {
    %get3A = arith.constant 0 : index
    %get3A_0 = arith.constant 0 : index
    %get3A_1 = vector.load %arg1[%get3A, %get3A_0] : memref<128x1xi32, #tpu.memory_space<vmem>>, vector<128x1xi32>
    %get3A_2 = arith.constant 0 : index
    %get3A_3 = arith.constant 0 : index
    %get3A_4 = memref.load %arg2[%get3A_2, %get3A_3] : memref<1x1xi32, #tpu.memory_space<smem>>
    %iota3A = tpu.iota {dimensions = array<i32: 1>} : vector<128x128xi32>
    %broadcast_in_dim3A = vector.shape_cast %get3A_1 : vector<128x1xi32> to vector<128x1xi32>
    %broadcast_in_dim3A_5 = vector.broadcast %broadcast_in_dim3A : vector<128x1xi32> to vector<128x128xi32>
    %broadcast_in_dim3A_6 = arith.constant 0.000000e+00 : f32
    %broadcast_in_dim3A_7 = vector.broadcast %broadcast_in_dim3A_6 : f32 to vector<128x128xf32>
    %broadcast_in_dim3A_8 = arith.constant 0.000000e+00 : f32
    %broadcast_in_dim3A_9 = vector.broadcast %broadcast_in_dim3A_8 : f32 to vector<128x128xf32>
    %broadcast_in_dim3A_10 = arith.constant 0.000000e+00 : f32
    %broadcast_in_dim3A_11 = vector.broadcast %broadcast_in_dim3A_10 : f32 to vector<128x128xf32>
    %get3A_12 = arith.constant 0 : index
    %get3A_13 = arith.constant 0 : index
    %get3A_14 = vector.load %arg3[%get3A_12, %get3A_13] : memref<128x32000xf32, #tpu.memory_space<vmem>>, vector<128x128xf32>
    %exp3A = math.exp %get3A_14 : vector<128x128xf32>
    %add3A = arith.addf %broadcast_in_dim3A_7, %exp3A : vector<128x128xf32>
    %add3A_15 = arith.addf %broadcast_in_dim3A_9, %get3A_14 : vector<128x128xf32>
    %sub3A = arith.constant 0 : i32
    %sub3A_16 = vector.broadcast %sub3A : i32 to vector<128x128xi32>
    %sub3A_17 = arith.subi %broadcast_in_dim3A_5, %sub3A_16 : vector<128x128xi32>
    %eq3A = arith.cmpi eq, %iota3A, %sub3A_17 : vector<128x128xi32>
    %jit3A = arith.constant 0.000000e+00 : f32
    %broadcast_in_dim3A_18 = vector.broadcast %jit3A : f32 to vector<128x128xf32>
    %select_n3A = arith.select %eq3A, %get3A_14, %broadcast_in_dim3A_18 : vector<128x128xi1>, vector<128x128xf32>
    %add3A_19 = arith.addf %broadcast_in_dim3A_11, %select_n3A : vector<128x128xf32>
    %get3A_20 = arith.constant 0 : index
    %get3A_21 = arith.constant 128 : index
    %get3A_22 = vector.load %arg3[%get3A_20, %get3A_21] : memref<128x32000xf32, #tpu.memory_space<vmem>>, vector<128x128xf32>
    %exp3A_23 = math.exp %get3A_22 : vector<128x128xf32>
    %add3A_24 = arith.addf %add3A, %exp3A_23 : vector<128x128xf32>
    %add3A_25 = arith.addf %add3A_15, %get3A_22 : vector<128x128xf32>
    %sub3A_26 = arith.constant 128 : i32
    %sub3A_27 = vector.broadcast %sub3A_26 : i32 to vector<128x128xi32>
    %sub3A_28 = arith.subi %broadcast_in_dim3A_5, %sub3A_27 : vector<128x128xi32>
    %eq3A_29 = arith.cmpi eq, %iota3A, %sub3A_28 : vector<128x128xi32>
    %jit3A_30 = arith.constant 0.000000e+00 : f32
    %broadcast_in_dim3A_31 = vector.broadcast %jit3A_30 : f32 to vector<128x128xf32>
    %select_n3A_32 = arith.select %eq3A_29, %get3A_22, %broadcast_in_dim3A_31 : vector<128x128xi1>, vector<128x128xf32>
    %add3A_33 = arith.addf %add3A_19, %select_n3A_32 : vector<128x128xf32>
    %get3A_34 = arith.constant 0 : index
    %get3A_35 = arith.constant 256 : index
    %get3A_36 = vector.load %arg3[%get3A_34, %get3A_35] : memref<128x32000xf32, #tpu.memory_space<vmem>>, vector<128x128xf32>
    %exp3A_37 = math.exp %get3A_36 : vector<128x128xf32>
    %add3A_38 = arith.addf %add3A_24, %exp3A_37 : vector<128x128xf32>
    %add3A_39 = arith.addf %add3A_25, %get3A_36 : vector<128x128xf32>
    %sub3A_40 = arith.constant 256 : i32
    %sub3A_41 = vector.broadcast %sub3A_40 : i32 to vector<128x128xi32>
    %sub3A_42 = arith.subi %broadcast_in_dim3A_5, %sub3A_41 : vector<128x128xi32>
    %eq3A_43 = arith.cmpi eq, %iota3A, %sub3A_42 : vector<128x128xi32>
    %jit3A_44 = arith.constant 0.000000e+00 : f32
    %broadcast_in_dim3A_45 = vector.broadcast %jit3A_44 : f32 to vector<128x128xf32>
    %select_n3A_46 = arith.select %eq3A_43, %get3A_36, %broadcast_in_dim3A_45 : vector<128x128xi1>, vector<128x128xf32>
    %add3A_47 = arith.addf %add3A_33, %select_n3A_46 : vector<128x128xf32>
    %get3A_48 = arith.constant 0 : index
    %get3A_49 = arith.constant 384 : index
    %get3A_50 = vector.load %arg3[%get3A_48, %get3A_49] : memref<128x32000xf32, #tpu.memory_space<vmem>>, vector<128x128xf32>
    %exp3A_51 = math.exp %get3A_50 : vector<128x128xf32>
    %add3A_52 = arith.addf %add3A_38, %exp3A_51 : vector<128x128xf32>
    %add3A_53 = arith.addf %add3A_39, %get3A_50 : vector<128x128xf32>
    %sub3A_54 = arith.constant 384 : i32
    %sub3A_55 = vector.broadcast %sub3A_54 : i32 to vector<128x128xi32>
    %sub3A_56 = arith.subi %broadcast_in_dim3A_5, %sub3A_55 : vector<128x128xi32>
    %eq3A_57 = arith.cmpi eq, %iota3A, %sub3A_56 : vector<128x128xi32>
    %jit3A_58 = arith.constant 0.000000e+00 : f32
    %broadcast_in_dim3A_59 = vector.broadcast %jit3A_58 : f32 to vector<128x128xf32>
    %select_n3A_60 = arith.select %eq3A_57, %get3A_50, %broadcast_in_dim3A_59 : vector<128x128xi1>, vector<128x128xf32>
    %add3A_61 = arith.addf %add3A_47, %select_n3A_60 : vector<128x128xf32>
    %get3A_62 = arith.constant 0 : index
    %get3A_63 = arith.constant 512 : index
    %get3A_64 = vector.load %arg3[%get3A_62, %get3A_63] : memref<128x32000xf32, #tpu.memory_space<vmem>>, vector<128x128xf32>
    %exp3A_65 = math.exp %get3A_64 : vector<128x128xf32>
    %add3A_66 = arith.addf %add3A_52, %exp3A_65 : vector<128x128xf32>
    %add3A_67 = arith.addf %add3A_53, %get3A_64 : vector<128x128xf32>
    %sub3A_68 = arith.constant 512 : i32
    %sub3A_69 = vector.broadcast %sub3A_68 : i32 to vector<128x128xi32>
    %sub3A_70 = arith.subi %broadcast_in_dim3A_5, %sub3A_69 : vector<128x128xi32>
    %eq3A_71 = arith.cmpi eq, %iota3A, %sub3A_70 : vector<128x128xi32>
    %jit3A_72 = arith.constant 0.000000e+00 : f32
    %broadcast_in_dim3A_73 = vector.broadcast %jit3A_72 : f32 to vector<128x128xf32>
    %select_n3A_74 = arith.select %eq3A_71, %get3A_64, %broadcast_in_dim3A_73 : vector<128x128xi1>, vector<128x128xf32>
    %add3A_75 = arith.addf %add3A_61, %select_n3A_74 : vector<128x128xf32>
    %get3A_76 = arith.constant 0 : index
    %get3A_77 = arith.constant 640 : index
    %get3A_78 = vector.load %arg3[%get3A_76, %get3A_77] : memref<128x32000xf32, #tpu.memory_space<vmem>>, vector<128x128xf32>
    %exp3A_79 = math.exp %get3A_78 : vector<128x128xf32>
    %add3A_80 = arith.addf %add3A_66, %exp3A_79 : vector<128x128xf32>
    %add3A_81 = arith.addf %add3A_67, %get3A_78 : vector<128x128xf32>
    %sub3A_82 = arith.constant 640 : i32
    %sub3A_83 = vector.broadcast %sub3A_82 : i32 to vector<128x128xi32>
    %sub3A_84 = arith.subi %broadcast_in_dim3A_5, %sub3A_83 : vector<128x128xi32>
    %eq3A_85 = arith.cmpi eq, %iota3A, %sub3A_84 : vector<128x128xi32>
    %jit3A_86 = arith.constant 0.000000e+00 : f32
    %broadcast_in_dim3A_87 = vector.broadcast %jit3A_86 : f32 to vector<128x128xf32>
    %select_n3A_88 = arith.select %eq3A_85, %get3A_78, %broadcast_in_dim3A_87 : vector<128x128xi1>, vector<128x128xf32>
    %add3A_89 = arith.addf %add3A_75, %select_n3A_88 : vector<128x128xf32>
    %get3A_90 = arith.constant 0 : index
    %get3A_91 = arith.constant 768 : index
    %get3A_92 = vector.load %arg3[%get3A_90, %get3A_91] : memref<128x32000xf32, #tpu.memory_space<vmem>>, vector<128x128xf32>
    %exp3A_93 = math.exp %get3A_92 : vector<128x128xf32>
    %add3A_94 = arith.addf %add3A_80, %exp3A_93 : vector<128x128xf32>
    %add3A_95 = arith.addf %add3A_81, %get3A_92 : vector<128x128xf32>
    %sub3A_96 = arith.constant 768 : i32
    %sub3A_97 = vector.broadcast %sub3A_96 : i32 to vector<128x128xi32>
    %sub3A_98 = arith.subi %broadcast_in_dim3A_5, %sub3A_97 : vector<128x128xi32>
    %eq3A_99 = arith.cmpi eq, %iota3A, %sub3A_98 : vector<128x128xi32>
    %jit3A_100 = arith.constant 0.000000e+00 : f32
    %broadcast_in_dim3A_101 = vector.broadcast %jit3A_100 : f32 to vector<128x128xf32>
    %select_n3A_102 = arith.select %eq3A_99, %get3A_92, %broadcast_in_dim3A_101 : vector<128x128xi1>, vector<128x128xf32>
    %add3A_103 = arith.addf %add3A_89, %select_n3A_102 : vector<128x128xf32>
    %get3A_104 = arith.constant 0 : index
    %get3A_105 = arith.constant 896 : index
    %get3A_106 = vector.load %arg3[%get3A_104, %get3A_105] : memref<128x32000xf32, #tpu.memory_space<vmem>>, vector<128x128xf32>
    %exp3A_107 = math.exp %get3A_106 : vector<128x128xf32>
    %add3A_108 = arith.addf %add3A_94, %exp3A_107 : vector<128x128xf32>
    %add3A_109 = arith.addf %add3A_95, %get3A_106 : vector<128x128xf32>
    %sub3A_110 = arith.constant 896 : i32
    %sub3A_111 = vector.broadcast %sub3A_110 : i32 to vector<128x128xi32>
    %sub3A_112 = arith.subi %broadcast_in_dim3A_5, %sub3A_111 : vector<128x128xi32>
    %eq3A_113 = arith.cmpi eq, %iota3A, %sub3A_112 : vector<128x128xi32>
    %jit3A_114 = arith.constant 0.000000e+00 : f32
    %broadcast_in_dim3A_115 = vector.broadcast %jit3A_114 : f32 to vector<128x128xf32>
    %select_n3A_116 = arith.select %eq3A_113, %get3A_106, %broadcast_in_dim3A_115 : vector<128x128xi1>, vector<128x128xf32>
    %add3A_117 = arith.addf %add3A_103, %select_n3A_116 : vector<128x128xf32>
    %get3A_118 = arith.constant 0 : index
    %get3A_119 = arith.constant 1024 : index
    %get3A_120 = vector.load %arg3[%get3A_118, %get3A_119] : memref<128x32000xf32, #tpu.memory_space<vmem>>, vector<128x128xf32>
    %exp3A_121 = math.exp %get3A_120 : vector<128x128xf32>
    %add3A_122 = arith.addf %add3A_108, %exp3A_121 : vector<128x128xf32>
    %add3A_123 = arith.addf %add3A_109, %get3A_120 : vector<128x128xf32>
    %sub3A_124 = arith.constant 1024 : i32
    %sub3A_125 = vector.broadcast %sub3A_124 : i32 to vector<128x128xi32>
    %sub3A_126 = arith.subi %broadcast_in_dim3A_5, %sub3A_125 : vector<128x128xi32>
    %eq3A_127 = arith.cmpi eq, %iota3A, %sub3A_126 : vector<128x128xi32>
    %jit3A_128 = arith.constant 0.000000e+00 : f32
    %broadcast_in_dim3A_129 = vector.broadcast %jit3A_128 : f32 to vector<128x128xf32>
    %select_n3A_130 = arith.select %eq3A_127, %get3A_120, %broadcast_in_dim3A_129 : vector<128x128xi1>, vector<128x128xf32>
    %add3A_131 = arith.addf %add3A_117, %select_n3A_130 : vector<128x128xf32>
    %get3A_132 = arith.constant 0 : index
    %get3A_133 = arith.constant 1152 : index
    %get3A_134 = vector.load %arg3[%get3A_132, %get3A_133] : memref<128x32000xf32, #tpu.memory_space<vmem>>, vector<128x128xf32>
    %exp3A_135 = math.exp %get3A_134 : vector<128x128xf32>
    %add3A_136 = arith.addf %add3A_122, %exp3A_135 : vector<128x128xf32>
    %add3A_137 = arith.addf %add3A_123, %get3A_134 : vector<128x128xf32>
    %sub3A_138 = arith.constant 1152 : i32
    %sub3A_139 = vector.broadcast %sub3A_138 : i32 to vector<128x128xi32>
    %sub3A_140 = arith.subi %broadcast_in_dim3A_5, %sub3A_139 : vector<128x128xi32>
    %eq3A_141 = arith.cmpi eq, %iota3A, %sub3A_140 : vector<128x128xi32>
    %jit3A_142 = arith.constant 0.000000e+00 : f32
    %broadcast_in_dim3A_143 = vector.broadcast %jit3A_142 : f32 to vector<128x128xf32>
    %select_n3A_144 = arith.select %eq3A_141, %get3A_134, %broadcast_in_dim3A_143 : vector<128x128xi1>, vector<128x128xf32>
    %add3A_145 = arith.addf %add3A_131, %select_n3A_144 : vector<128x128xf32>
    %get3A_146 = arith.constant 0 : index
    %get3A_147 = arith.constant 1280 : index
    %get3A_148 = vector.load %arg3[%get3A_146, %get3A_147] : memref<128x32000xf32, #tpu.memory_space<vmem>>, vector<128x128xf32>
    %exp3A_149 = math.exp %get3A_148 : vector<128x128xf32>
    %add3A_150 = arith.addf %add3A_136, %exp3A_149 : vector<128x128xf32>
    %add3A_151 = arith.addf %add3A_137, %get3A_148 : vector<128x128xf32>
    %sub3A_152 = arith.constant 1280 : i32
    %sub3A_153 = vector.broadcast %sub3A_152 : i32 to vector<128x128xi32>
    %sub3A_154 = arith.subi %broadcast_in_dim3A_5, %sub3A_153 : vector<128x128xi32>
    %eq3A_155 = arith.cmpi eq, %iota3A, %sub3A_154 : vector<128x128xi32>
    %jit3A_156 = arith.constant 0.000000e+00 : f32
    %broadcast_in_dim3A_157 = vector.broadcast %jit3A_156 : f32 to vector<128x128xf32>
    %select_n3A_158 = arith.select %eq3A_155, %get3A_148, %broadcast_in_dim3A_157 : vector<128x128xi1>, vector<128x128xf32>
    %add3A_159 = arith.addf %add3A_145, %select_n3A_158 : vector<128x128xf32>
    %get3A_160 = arith.constant 0 : index
    %get3A_161 = arith.constant 1408 : index
    %get3A_162 = vector.load %arg3[%get3A_160, %get3A_161] : memref<128x32000xf32, #tpu.memory_space<vmem>>, vector<128x128xf32>
    %exp3A_163 = math.exp %get3A_162 : vector<128x128xf32>
    %add3A_164 = arith.addf %add3A_150, %exp3A_163 : vector<128x128xf32>
    %add3A_165 = arith.addf %add3A_151, %get3A_162 : vector<128x128xf32>
    %sub3A_166 = arith.constant 1408 : i32
    %sub3A_167 = vector.broadcast %sub3A_166 : i32 to vector<128x128xi32>
    %sub3A_168 = arith.subi %broadcast_in_dim3A_5, %sub3A_167 : vector<128x128xi32>
    %eq3A_169 = arith.cmpi eq, %iota3A, %sub3A_168 : vector<128x128xi32>
    %jit3A_170 = arith.constant 0.000000e+00 : f32
    %broadcast_in_dim3A_171 = vector.broadcast %jit3A_170 : f32 to vector<128x128xf32>
    %select_n3A_172 = arith.select %eq3A_169, %get3A_162, %broadcast_in_dim3A_171 : vector<128x128xi1>, vector<128x128xf32>
    %add3A_173 = arith.addf %add3A_159, %select_n3A_172 : vector<128x128xf32>
    %get3A_174 = arith.constant 0 : index
    %get3A_175 = arith.constant 1536 : index
    %get3A_176 = vector.load %arg3[%get3A_174, %get3A_175] : memref<128x32000xf32, #tpu.memory_space<vmem>>, vector<128x128xf32>
    %exp3A_177 = math.exp %get3A_176 : vector<128x128xf32>
    %add3A_178 = arith.addf %add3A_164, %exp3A_177 : vector<128x128xf32>
    %add3A_179 = arith.addf %add3A_165, %get3A_176 : vector<128x128xf32>
    %sub3A_180 = arith.constant 1536 : i32
    %sub3A_181 = vector.broadcast %sub3A_180 : i32 to vector<128x128xi32>
    %sub3A_182 = arith.subi %broadcast_in_dim3A_5, %sub3A_181 : vector<128x128xi32>
    %eq3A_183 = arith.cmpi eq, %iota3A, %sub3A_182 : vector<128x128xi32>
    %jit3A_184 = arith.constant 0.000000e+00 : f32
    %broadcast_in_dim3A_185 = vector.broadcast %jit3A_184 : f32 to vector<128x128xf32>
    %select_n3A_186 = arith.select %eq3A_183, %get3A_176, %broadcast_in_dim3A_185 : vector<128x128xi1>, vector<128x128xf32>
    %add3A_187 = arith.addf %add3A_173, %select_n3A_186 : vector<128x128xf32>
    %get3A_188 = arith.constant 0 : index
    %get3A_189 = arith.constant 1664 : index
    %get3A_190 = vector.load %arg3[%get3A_188, %get3A_189] : memref<128x32000xf32, #tpu.memory_space<vmem>>, vector<128x128xf32>
    %exp3A_191 = math.exp %get3A_190 : vector<128x128xf32>
    %add3A_192 = arith.addf %add3A_178, %exp3A_191 : vector<128x128xf32>
    %add3A_193 = arith.addf %add3A_179, %get3A_190 : vector<128x128xf32>
    %sub3A_194 = arith.constant 1664 : i32
    %sub3A_195 = vector.broadcast %sub3A_194 : i32 to vector<128x128xi32>
    %sub3A_196 = arith.subi %broadcast_in_dim3A_5, %sub3A_195 : vector<128x128xi32>
    %eq3A_197 = arith.cmpi eq, %iota3A, %sub3A_196 : vector<128x128xi32>
    %jit3A_198 = arith.constant 0.000000e+00 : f32
    %broadcast_in_dim3A_199 = vector.broadcast %jit3A_198 : f32 to vector<128x128xf32>
    %select_n3A_200 = arith.select %eq3A_197, %get3A_190, %broadcast_in_dim3A_199 : vector<128x128xi1>, vector<128x128xf32>
    %add3A_201 = arith.addf %add3A_187, %select_n3A_200 : vector<128x128xf32>
    %get3A_202 = arith.constant 0 : index
    %get3A_203 = arith.constant 1792 : index
    %get3A_204 = vector.load %arg3[%get3A_202, %get3A_203] : memref<128x32000xf32, #tpu.memory_space<vmem>>, vector<128x128xf32>
    %exp3A_205 = math.exp %get3A_204 : vector<128x128xf32>
    %add3A_206 = arith.addf %add3A_192, %exp3A_205 : vector<128x128xf32>
    %add3A_207 = arith.addf %add3A_193, %get3A_204 : vector<128x128xf32>
    %sub3A_208 = arith.constant 1792 : i32
    %sub3A_209 = vector.broadcast %sub3A_208 : i32 to vector<128x128xi32>
    %sub3A_210 = arith.subi %broadcast_in_dim3A_5, %sub3A_209 : vector<128x128xi32>
    %eq3A_211 = arith.cmpi eq, %iota3A, %sub3A_210 : vector<128x128xi32>
    %jit3A_212 = arith.constant 0.000000e+00 : f32
    %broadcast_in_dim3A_213 = vector.broadcast %jit3A_212 : f32 to vector<128x128xf32>
    %select_n3A_214 = arith.select %eq3A_211, %get3A_204, %broadcast_in_dim3A_213 : vector<128x128xi1>, vector<128x128xf32>
    %add3A_215 = arith.addf %add3A_201, %select_n3A_214 : vector<128x128xf32>
    %get3A_216 = arith.constant 0 : index
    %get3A_217 = arith.constant 1920 : index
    %get3A_218 = vector.load %arg3[%get3A_216, %get3A_217] : memref<128x32000xf32, #tpu.memory_space<vmem>>, vector<128x128xf32>
    %exp3A_219 = math.exp %get3A_218 : vector<128x128xf32>
    %add3A_220 = arith.addf %add3A_206, %exp3A_219 : vector<128x128xf32>
    %add3A_221 = arith.addf %add3A_207, %get3A_218 : vector<128x128xf32>
    %sub3A_222 = arith.constant 1920 : i32
    %sub3A_223 = vector.broadcast %sub3A_222 : i32 to vector<128x128xi32>
    %sub3A_224 = arith.subi %broadcast_in_dim3A_5, %sub3A_223 : vector<128x128xi32>
    %eq3A_225 = arith.cmpi eq, %iota3A, %sub3A_224 : vector<128x128xi32>
    %jit3A_226 = arith.constant 0.000000e+00 : f32
    %broadcast_in_dim3A_227 = vector.broadcast %jit3A_226 : f32 to vector<128x128xf32>
    %select_n3A_228 = arith.select %eq3A_225, %get3A_218, %broadcast_in_dim3A_227 : vector<128x128xi1>, vector<128x128xf32>
    %add3A_229 = arith.addf %add3A_215, %select_n3A_228 : vector<128x128xf32>
    %get3A_230 = arith.constant 0 : index
    %get3A_231 = arith.constant 2048 : index
    %get3A_232 = vector.load %arg3[%get3A_230, %get3A_231] : memref<128x32000xf32, #tpu.memory_space<vmem>>, vector<128x128xf32>
    %exp3A_233 = math.exp %get3A_232 : vector<128x128xf32>
    %add3A_234 = arith.addf %add3A_220, %exp3A_233 : vector<128x128xf32>
    %add3A_235 = arith.addf %add3A_221, %get3A_232 : vector<128x128xf32>
    %sub3A_236 = arith.constant 2048 : i32
    %sub3A_237 = vector.broadcast %sub3A_236 : i32 to vector<128x128xi32>
    %sub3A_238 = arith.subi %broadcast_in_dim3A_5, %sub3A_237 : vector<128x128xi32>
    %eq3A_239 = arith.cmpi eq, %iota3A, %sub3A_238 : vector<128x128xi32>
    %jit3A_240 = arith.constant 0.000000e+00 : f32
    %broadcast_in_dim3A_241 = vector.broadcast %jit3A_240 : f32 to vector<128x128xf32>
    %select_n3A_242 = arith.select %eq3A_239, %get3A_232, %broadcast_in_dim3A_241 : vector<128x128xi1>, vector<128x128xf32>
    %add3A_243 = arith.addf %add3A_229, %select_n3A_242 : vector<128x128xf32>
    %get3A_244 = arith.constant 0 : index
    %get3A_245 = arith.constant 2176 : index
    %get3A_246 = vector.load %arg3[%get3A_244, %get3A_245] : memref<128x32000xf32, #tpu.memory_space<vmem>>, vector<128x128xf32>
    %exp3A_247 = math.exp %get3A_246 : vector<128x128xf32>
    %add3A_248 = arith.addf %add3A_234, %exp3A_247 : vector<128x128xf32>
    %add3A_249 = arith.addf %add3A_235, %get3A_246 : vector<128x128xf32>
    %sub3A_250 = arith.constant 2176 : i32
    %sub3A_251 = vector.broadcast %sub3A_250 : i32 to vector<128x128xi32>
    %sub3A_252 = arith.subi %broadcast_in_dim3A_5, %sub3A_251 : vector<128x128xi32>
    %eq3A_253 = arith.cmpi eq, %iota3A, %sub3A_252 : vector<128x128xi32>
    %jit3A_254 = arith.constant 0.000000e+00 : f32
    %broadcast_in_dim3A_255 = vector.broadcast %jit3A_254 : f32 to vector<128x128xf32>
    %select_n3A_256 = arith.select %eq3A_253, %get3A_246, %broadcast_in_dim3A_255 : vector<128x128xi1>, vector<128x128xf32>
    %add3A_257 = arith.addf %add3A_243, %select_n3A_256 : vector<128x128xf32>
    %get3A_258 = arith.constant 0 : index
    %get3A_259 = arith.constant 2304 : index
    %get3A_260 = vector.load %arg3[%get3A_258, %get3A_259] : memref<128x32000xf32, #tpu.memory_space<vmem>>, vector<128x128xf32>
    %exp3A_261 = math.exp %get3A_260 : vector<128x128xf32>
    %add3A_262 = arith.addf %add3A_248, %exp3A_261 : vector<128x128xf32>
    %add3A_263 = arith.addf %add3A_249, %get3A_260 : vector<128x128xf32>
    %sub3A_264 = arith.constant 2304 : i32
    %sub3A_265 = vector.broadcast %sub3A_264 : i32 to vector<128x128xi32>
    %sub3A_266 = arith.subi %broadcast_in_dim3A_5, %sub3A_265 : vector<128x128xi32>
    %eq3A_267 = arith.cmpi eq, %iota3A, %sub3A_266 : vector<128x128xi32>
    %jit3A_268 = arith.constant 0.000000e+00 : f32
    %broadcast_in_dim3A_269 = vector.broadcast %jit3A_268 : f32 to vector<128x128xf32>
    %select_n3A_270 = arith.select %eq3A_267, %get3A_260, %broadcast_in_dim3A_269 : vector<128x128xi1>, vector<128x128xf32>
    %add3A_271 = arith.addf %add3A_257, %select_n3A_270 : vector<128x128xf32>
    %get3A_272 = arith.constant 0 : index
    %get3A_273 = arith.constant 2432 : index
    %get3A_274 = vector.load %arg3[%get3A_272, %get3A_273] : memref<128x32000xf32, #tpu.memory_space<vmem>>, vector<128x128xf32>
    %exp3A_275 = math.exp %get3A_274 : vector<128x128xf32>
    %add3A_276 = arith.addf %add3A_262, %exp3A_275 : vector<128x128xf32>
    %add3A_277 = arith.addf %add3A_263, %get3A_274 : vector<128x128xf32>
    %sub3A_278 = arith.constant 2432 : i32
    %sub3A_279 = vector.broadcast %sub3A_278 : i32 to vector<128x128xi32>
    %sub3A_280 = arith.subi %broadcast_in_dim3A_5, %sub3A_279 : vector<128x128xi32>
    %eq3A_281 = arith.cmpi eq, %iota3A, %sub3A_280 : vector<128x128xi32>
    %jit3A_282 = arith.constant 0.000000e+00 : f32
    %broadcast_in_dim3A_283 = vector.broadcast %jit3A_282 : f32 to vector<128x128xf32>
    %select_n3A_284 = arith.select %eq3A_281, %get3A_274, %broadcast_in_dim3A_283 : vector<128x128xi1>, vector<128x128xf32>
    %add3A_285 = arith.addf %add3A_271, %select_n3A_284 : vector<128x128xf32>
    %get3A_286 = arith.constant 0 : index
    %get3A_287 = arith.constant 2560 : index
    %get3A_288 = vector.load %arg3[%get3A_286, %get3A_287] : memref<128x32000xf32, #tpu.memory_space<vmem>>, vector<128x128xf32>
    %exp3A_289 = math.exp %get3A_288 : vector<128x128xf32>
    %add3A_290 = arith.addf %add3A_276, %exp3A_289 : vector<128x128xf32>
    %add3A_291 = arith.addf %add3A_277, %get3A_288 : vector<128x128xf32>
    %sub3A_292 = arith.constant 2560 : i32
    %sub3A_293 = vector.broadcast %sub3A_292 : i32 to vector<128x128xi32>
    %sub3A_294 = arith.subi %broadcast_in_dim3A_5, %sub3A_293 : vector<128x128xi32>
    %eq3A_295 = arith.cmpi eq, %iota3A, %sub3A_294 : vector<128x128xi32>
    %jit3A_296 = arith.constant 0.000000e+00 : f32
    %broadcast_in_dim3A_297 = vector.broadcast %jit3A_296 : f32 to vector<128x128xf32>
    %select_n3A_298 = arith.select %eq3A_295, %get3A_288, %broadcast_in_dim3A_297 : vector<128x128xi1>, vector<128x128xf32>
    %add3A_299 = arith.addf %add3A_285, %select_n3A_298 : vector<128x128xf32>
    %get3A_300 = arith.constant 0 : index
    %get3A_301 = arith.constant 2688 : index
    %get3A_302 = vector.load %arg3[%get3A_300, %get3A_301] : memref<128x32000xf32, #tpu.memory_space<vmem>>, vector<128x128xf32>
    %exp3A_303 = math.exp %get3A_302 : vector<128x128xf32>
    %add3A_304 = arith.addf %add3A_290, %exp3A_303 : vector<128x128xf32>
    %add3A_305 = arith.addf %add3A_291, %get3A_302 : vector<128x128xf32>
    %sub3A_306 = arith.constant 2688 : i32
    %sub3A_307 = vector.broadcast %sub3A_306 : i32 to vector<128x128xi32>
    %sub3A_308 = arith.subi %broadcast_in_dim3A_5, %sub3A_307 : vector<128x128xi32>
    %eq3A_309 = arith.cmpi eq, %iota3A, %sub3A_308 : vector<128x128xi32>
    %jit3A_310 = arith.constant 0.000000e+00 : f32
    %broadcast_in_dim3A_311 = vector.broadcast %jit3A_310 : f32 to vector<128x128xf32>
    %select_n3A_312 = arith.select %eq3A_309, %get3A_302, %broadcast_in_dim3A_311 : vector<128x128xi1>, vector<128x128xf32>
    %add3A_313 = arith.addf %add3A_299, %select_n3A_312 : vector<128x128xf32>
    %get3A_314 = arith.constant 0 : index
    %get3A_315 = arith.constant 2816 : index
    %get3A_316 = vector.load %arg3[%get3A_314, %get3A_315] : memref<128x32000xf32, #tpu.memory_space<vmem>>, vector<128x128xf32>
    %exp3A_317 = math.exp %get3A_316 : vector<128x128xf32>
    %add3A_318 = arith.addf %add3A_304, %exp3A_317 : vector<128x128xf32>
    %add3A_319 = arith.addf %add3A_305, %get3A_316 : vector<128x128xf32>
    %sub3A_320 = arith.constant 2816 : i32
    %sub3A_321 = vector.broadcast %sub3A_320 : i32 to vector<128x128xi32>
    %sub3A_322 = arith.subi %broadcast_in_dim3A_5, %sub3A_321 : vector<128x128xi32>
    %eq3A_323 = arith.cmpi eq, %iota3A, %sub3A_322 : vector<128x128xi32>
    %jit3A_324 = arith.constant 0.000000e+00 : f32
    %broadcast_in_dim3A_325 = vector.broadcast %jit3A_324 : f32 to vector<128x128xf32>
    %select_n3A_326 = arith.select %eq3A_323, %get3A_316, %broadcast_in_dim3A_325 : vector<128x128xi1>, vector<128x128xf32>
    %add3A_327 = arith.addf %add3A_313, %select_n3A_326 : vector<128x128xf32>
    %get3A_328 = arith.constant 0 : index
    %get3A_329 = arith.constant 2944 : index
    %get3A_330 = vector.load %arg3[%get3A_328, %get3A_329] : memref<128x32000xf32, #tpu.memory_space<vmem>>, vector<128x128xf32>
    %exp3A_331 = math.exp %get3A_330 : vector<128x128xf32>
    %add3A_332 = arith.addf %add3A_318, %exp3A_331 : vector<128x128xf32>
    %add3A_333 = arith.addf %add3A_319, %get3A_330 : vector<128x128xf32>
    %sub3A_334 = arith.constant 2944 : i32
    %sub3A_335 = vector.broadcast %sub3A_334 : i32 to vector<128x128xi32>
    %sub3A_336 = arith.subi %broadcast_in_dim3A_5, %sub3A_335 : vector<128x128xi32>
    %eq3A_337 = arith.cmpi eq, %iota3A, %sub3A_336 : vector<128x128xi32>
    %jit3A_338 = arith.constant 0.000000e+00 : f32
    %broadcast_in_dim3A_339 = vector.broadcast %jit3A_338 : f32 to vector<128x128xf32>
    %select_n3A_340 = arith.select %eq3A_337, %get3A_330, %broadcast_in_dim3A_339 : vector<128x128xi1>, vector<128x128xf32>
    %add3A_341 = arith.addf %add3A_327, %select_n3A_340 : vector<128x128xf32>
    %get3A_342 = arith.constant 0 : index
    %get3A_343 = arith.constant 3072 : index
    %get3A_344 = vector.load %arg3[%get3A_342, %get3A_343] : memref<128x32000xf32, #tpu.memory_space<vmem>>, vector<128x128xf32>
    %exp3A_345 = math.exp %get3A_344 : vector<128x128xf32>
    %add3A_346 = arith.addf %add3A_332, %exp3A_345 : vector<128x128xf32>
    %add3A_347 = arith.addf %add3A_333, %get3A_344 : vector<128x128xf32>
    %sub3A_348 = arith.constant 3072 : i32
    %sub3A_349 = vector.broadcast %sub3A_348 : i32 to vector<128x128xi32>
    %sub3A_350 = arith.subi %broadcast_in_dim3A_5, %sub3A_349 : vector<128x128xi32>
    %eq3A_351 = arith.cmpi eq, %iota3A, %sub3A_350 : vector<128x128xi32>
    %jit3A_352 = arith.constant 0.000000e+00 : f32
    %broadcast_in_dim3A_353 = vector.broadcast %jit3A_352 : f32 to vector<128x128xf32>
    %select_n3A_354 = arith.select %eq3A_351, %get3A_344, %broadcast_in_dim3A_353 : vector<128x128xi1>, vector<128x128xf32>
    %add3A_355 = arith.addf %add3A_341, %select_n3A_354 : vector<128x128xf32>
    %get3A_356 = arith.constant 0 : index
    %get3A_357 = arith.constant 3200 : index
    %get3A_358 = vector.load %arg3[%get3A_356, %get3A_357] : memref<128x32000xf32, #tpu.memory_space<vmem>>, vector<128x128xf32>
    %exp3A_359 = math.exp %get3A_358 : vector<128x128xf32>
    %add3A_360 = arith.addf %add3A_346, %exp3A_359 : vector<128x128xf32>
    %add3A_361 = arith.addf %add3A_347, %get3A_358 : vector<128x128xf32>
    %sub3A_362 = arith.constant 3200 : i32
    %sub3A_363 = vector.broadcast %sub3A_362 : i32 to vector<128x128xi32>
    %sub3A_364 = arith.subi %broadcast_in_dim3A_5, %sub3A_363 : vector<128x128xi32>
    %eq3A_365 = arith.cmpi eq, %iota3A, %sub3A_364 : vector<128x128xi32>
    %jit3A_366 = arith.constant 0.000000e+00 : f32
    %broadcast_in_dim3A_367 = vector.broadcast %jit3A_366 : f32 to vector<128x128xf32>
    %select_n3A_368 = arith.select %eq3A_365, %get3A_358, %broadcast_in_dim3A_367 : vector<128x128xi1>, vector<128x128xf32>
    %add3A_369 = arith.addf %add3A_355, %select_n3A_368 : vector<128x128xf32>
    %get3A_370 = arith.constant 0 : index
    %get3A_371 = arith.constant 3328 : index
    %get3A_372 = vector.load %arg3[%get3A_370, %get3A_371] : memref<128x32000xf32, #tpu.memory_space<vmem>>, vector<128x128xf32>
    %exp3A_373 = math.exp %get3A_372 : vector<128x128xf32>
    %add3A_374 = arith.addf %add3A_360, %exp3A_373 : vector<128x128xf32>
    %add3A_375 = arith.addf %add3A_361, %get3A_372 : vector<128x128xf32>
    %sub3A_376 = arith.constant 3328 : i32
    %sub3A_377 = vector.broadcast %sub3A_376 : i32 to vector<128x128xi32>
    %sub3A_378 = arith.subi %broadcast_in_dim3A_5, %sub3A_377 : vector<128x128xi32>
    %eq3A_379 = arith.cmpi eq, %iota3A, %sub3A_378 : vector<128x128xi32>
    %jit3A_380 = arith.constant 0.000000e+00 : f32
    %broadcast_in_dim3A_381 = vector.broadcast %jit3A_380 : f32 to vector<128x128xf32>
    %select_n3A_382 = arith.select %eq3A_379, %get3A_372, %broadcast_in_dim3A_381 : vector<128x128xi1>, vector<128x128xf32>
    %add3A_383 = arith.addf %add3A_369, %select_n3A_382 : vector<128x128xf32>
    %get3A_384 = arith.constant 0 : index
    %get3A_385 = arith.constant 3456 : index
    %get3A_386 = vector.load %arg3[%get3A_384, %get3A_385] : memref<128x32000xf32, #tpu.memory_space<vmem>>, vector<128x128xf32>
    %exp3A_387 = math.exp %get3A_386 : vector<128x128xf32>
    %add3A_388 = arith.addf %add3A_374, %exp3A_387 : vector<128x128xf32>
    %add3A_389 = arith.addf %add3A_375, %get3A_386 : vector<128x128xf32>
    %sub3A_390 = arith.constant 3456 : i32
    %sub3A_391 = vector.broadcast %sub3A_390 : i32 to vector<128x128xi32>
    %sub3A_392 = arith.subi %broadcast_in_dim3A_5, %sub3A_391 : vector<128x128xi32>
    %eq3A_393 = arith.cmpi eq, %iota3A, %sub3A_392 : vector<128x128xi32>
    %jit3A_394 = arith.constant 0.000000e+00 : f32
    %broadcast_in_dim3A_395 = vector.broadcast %jit3A_394 : f32 to vector<128x128xf32>
    %select_n3A_396 = arith.select %eq3A_393, %get3A_386, %broadcast_in_dim3A_395 : vector<128x128xi1>, vector<128x128xf32>
    %add3A_397 = arith.addf %add3A_383, %select_n3A_396 : vector<128x128xf32>
    %get3A_398 = arith.constant 0 : index
    %get3A_399 = arith.constant 3584 : index
    %get3A_400 = vector.load %arg3[%get3A_398, %get3A_399] : memref<128x32000xf32, #tpu.memory_space<vmem>>, vector<128x128xf32>
    %exp3A_401 = math.exp %get3A_400 : vector<128x128xf32>
    %add3A_402 = arith.addf %add3A_388, %exp3A_401 : vector<128x128xf32>
    %add3A_403 = arith.addf %add3A_389, %get3A_400 : vector<128x128xf32>
    %sub3A_404 = arith.constant 3584 : i32
    %sub3A_405 = vector.broadcast %sub3A_404 : i32 to vector<128x128xi32>
    %sub3A_406 = arith.subi %broadcast_in_dim3A_5, %sub3A_405 : vector<128x128xi32>
    %eq3A_407 = arith.cmpi eq, %iota3A, %sub3A_406 : vector<128x128xi32>
    %jit3A_408 = arith.constant 0.000000e+00 : f32
    %broadcast_in_dim3A_409 = vector.broadcast %jit3A_408 : f32 to vector<128x128xf32>
    %select_n3A_410 = arith.select %eq3A_407, %get3A_400, %broadcast_in_dim3A_409 : vector<128x128xi1>, vector<128x128xf32>
    %add3A_411 = arith.addf %add3A_397, %select_n3A_410 : vector<128x128xf32>
    %get3A_412 = arith.constant 0 : index
    %get3A_413 = arith.constant 3712 : index
    %get3A_414 = vector.load %arg3[%get3A_412, %get3A_413] : memref<128x32000xf32, #tpu.memory_space<vmem>>, vector<128x128xf32>
    %exp3A_415 = math.exp %get3A_414 : vector<128x128xf32>
    %add3A_416 = arith.addf %add3A_402, %exp3A_415 : vector<128x128xf32>
    %add3A_417 = arith.addf %add3A_403, %get3A_414 : vector<128x128xf32>
    %sub3A_418 = arith.constant 3712 : i32
    %sub3A_419 = vector.broadcast %sub3A_418 : i32 to vector<128x128xi32>
    %sub3A_420 = arith.subi %broadcast_in_dim3A_5, %sub3A_419 : vector<128x128xi32>
    %eq3A_421 = arith.cmpi eq, %iota3A, %sub3A_420 : vector<128x128xi32>
    %jit3A_422 = arith.constant 0.000000e+00 : f32
    %broadcast_in_dim3A_423 = vector.broadcast %jit3A_422 : f32 to vector<128x128xf32>
    %select_n3A_424 = arith.select %eq3A_421, %get3A_414, %broadcast_in_dim3A_423 : vector<128x128xi1>, vector<128x128xf32>
    %add3A_425 = arith.addf %add3A_411, %select_n3A_424 : vector<128x128xf32>
    %get3A_426 = arith.constant 0 : index
    %get3A_427 = arith.constant 3840 : index
    %get3A_428 = vector.load %arg3[%get3A_426, %get3A_427] : memref<128x32000xf32, #tpu.memory_space<vmem>>, vector<128x128xf32>
    %exp3A_429 = math.exp %get3A_428 : vector<128x128xf32>
    %add3A_430 = arith.addf %add3A_416, %exp3A_429 : vector<128x128xf32>
    %add3A_431 = arith.addf %add3A_417, %get3A_428 : vector<128x128xf32>
    %sub3A_432 = arith.constant 3840 : i32
    %sub3A_433 = vector.broadcast %sub3A_432 : i32 to vector<128x128xi32>
    %sub3A_434 = arith.subi %broadcast_in_dim3A_5, %sub3A_433 : vector<128x128xi32>
    %eq3A_435 = arith.cmpi eq, %iota3A, %sub3A_434 : vector<128x128xi32>
    %jit3A_436 = arith.constant 0.000000e+00 : f32
    %broadcast_in_dim3A_437 = vector.broadcast %jit3A_436 : f32 to vector<128x128xf32>
    %select_n3A_438 = arith.select %eq3A_435, %get3A_428, %broadcast_in_dim3A_437 : vector<128x128xi1>, vector<128x128xf32>
    %add3A_439 = arith.addf %add3A_425, %select_n3A_438 : vector<128x128xf32>
    %get3A_440 = arith.constant 0 : index
    %get3A_441 = arith.constant 3968 : index
    %get3A_442 = vector.load %arg3[%get3A_440, %get3A_441] : memref<128x32000xf32, #tpu.memory_space<vmem>>, vector<128x128xf32>
    %exp3A_443 = math.exp %get3A_442 : vector<128x128xf32>
    %add3A_444 = arith.addf %add3A_430, %exp3A_443 : vector<128x128xf32>
    %add3A_445 = arith.addf %add3A_431, %get3A_442 : vector<128x128xf32>
    %sub3A_446 = arith.constant 3968 : i32
    %sub3A_447 = vector.broadcast %sub3A_446 : i32 to vector<128x128xi32>
    %sub3A_448 = arith.subi %broadcast_in_dim3A_5, %sub3A_447 : vector<128x128xi32>
    %eq3A_449 = arith.cmpi eq, %iota3A, %sub3A_448 : vector<128x128xi32>
    %jit3A_450 = arith.constant 0.000000e+00 : f32
    %broadcast_in_dim3A_451 = vector.broadcast %jit3A_450 : f32 to vector<128x128xf32>
    %select_n3A_452 = arith.select %eq3A_449, %get3A_442, %broadcast_in_dim3A_451 : vector<128x128xi1>, vector<128x128xf32>
    %add3A_453 = arith.addf %add3A_439, %select_n3A_452 : vector<128x128xf32>
    %get3A_454 = arith.constant 0 : index
    %get3A_455 = arith.constant 4096 : index
    %get3A_456 = vector.load %arg3[%get3A_454, %get3A_455] : memref<128x32000xf32, #tpu.memory_space<vmem>>, vector<128x128xf32>
    %exp3A_457 = math.exp %get3A_456 : vector<128x128xf32>
    %add3A_458 = arith.addf %add3A_444, %exp3A_457 : vector<128x128xf32>
    %add3A_459 = arith.addf %add3A_445, %get3A_456 : vector<128x128xf32>
    %sub3A_460 = arith.constant 4096 : i32
    %sub3A_461 = vector.broadcast %sub3A_460 : i32 to vector<128x128xi32>
    %sub3A_462 = arith.subi %broadcast_in_dim3A_5, %sub3A_461 : vector<128x128xi32>
    %eq3A_463 = arith.cmpi eq, %iota3A, %sub3A_462 : vector<128x128xi32>
    %jit3A_464 = arith.constant 0.000000e+00 : f32
    %broadcast_in_dim3A_465 = vector.broadcast %jit3A_464 : f32 to vector<128x128xf32>
    %select_n3A_466 = arith.select %eq3A_463, %get3A_456, %broadcast_in_dim3A_465 : vector<128x128xi1>, vector<128x128xf32>
    %add3A_467 = arith.addf %add3A_453, %select_n3A_466 : vector<128x128xf32>
    %get3A_468 = arith.constant 0 : index
    %get3A_469 = arith.constant 4224 : index
    %get3A_470 = vector.load %arg3[%get3A_468, %get3A_469] : memref<128x32000xf32, #tpu.memory_space<vmem>>, vector<128x128xf32>
    %exp3A_471 = math.exp %get3A_470 : vector<128x128xf32>
    %add3A_472 = arith.addf %add3A_458, %exp3A_471 : vector<128x128xf32>
    %add3A_473 = arith.addf %add3A_459, %get3A_470 : vector<128x128xf32>
    %sub3A_474 = arith.constant 4224 : i32
    %sub3A_475 = vector.broadcast %sub3A_474 : i32 to vector<128x128xi32>
    %sub3A_476 = arith.subi %broadcast_in_dim3A_5, %sub3A_475 : vector<128x128xi32>
    %eq3A_477 = arith.cmpi eq, %iota3A, %sub3A_476 : vector<128x128xi32>
    %jit3A_478 = arith.constant 0.000000e+00 : f32
    %broadcast_in_dim3A_479 = vector.broadcast %jit3A_478 : f32 to vector<128x128xf32>
    %select_n3A_480 = arith.select %eq3A_477, %get3A_470, %broadcast_in_dim3A_479 : vector<128x128xi1>, vector<128x128xf32>
    %add3A_481 = arith.addf %add3A_467, %select_n3A_480 : vector<128x128xf32>
    %get3A_482 = arith.constant 0 : index
    %get3A_483 = arith.constant 4352 : index
    %get3A_484 = vector.load %arg3[%get3A_482, %get3A_483] : memref<128x32000xf32, #tpu.memory_space<vmem>>, vector<128x128xf32>
    %exp3A_485 = math.exp %get3A_484 : vector<128x128xf32>
    %add3A_486 = arith.addf %add3A_472, %exp3A_485 : vector<128x128xf32>
    %add3A_487 = arith.addf %add3A_473, %get3A_484 : vector<128x128xf32>
    %sub3A_488 = arith.constant 4352 : i32
    %sub3A_489 = vector.broadcast %sub3A_488 : i32 to vector<128x128xi32>
    %sub3A_490 = arith.subi %broadcast_in_dim3A_5, %sub3A_489 : vector<128x128xi32>
    %eq3A_491 = arith.cmpi eq, %iota3A, %sub3A_490 : vector<128x128xi32>
    %jit3A_492 = arith.constant 0.000000e+00 : f32
    %broadcast_in_dim3A_493 = vector.broadcast %jit3A_492 : f32 to vector<128x128xf32>
    %select_n3A_494 = arith.select %eq3A_491, %get3A_484, %broadcast_in_dim3A_493 : vector<128x128xi1>, vector<128x128xf32>
    %add3A_495 = arith.addf %add3A_481, %select_n3A_494 : vector<128x128xf32>
    %get3A_496 = arith.constant 0 : index
    %get3A_497 = arith.constant 4480 : index
    %get3A_498 = vector.load %arg3[%get3A_496, %get3A_497] : memref<128x32000xf32, #tpu.memory_space<vmem>>, vector<128x128xf32>
    %exp3A_499 = math.exp %get3A_498 : vector<128x128xf32>
    %add3A_500 = arith.addf %add3A_486, %exp3A_499 : vector<128x128xf32>
    %add3A_501 = arith.addf %add3A_487, %get3A_498 : vector<128x128xf32>
    %sub3A_502 = arith.constant 4480 : i32
    %sub3A_503 = vector.broadcast %sub3A_502 : i32 to vector<128x128xi32>
    %sub3A_504 = arith.subi %broadcast_in_dim3A_5, %sub3A_503 : vector<128x128xi32>
    %eq3A_505 = arith.cmpi eq, %iota3A, %sub3A_504 : vector<128x128xi32>
    %jit3A_506 = arith.constant 0.000000e+00 : f32
    %broadcast_in_dim3A_507 = vector.broadcast %jit3A_506 : f32 to vector<128x128xf32>
    %select_n3A_508 = arith.select %eq3A_505, %get3A_498, %broadcast_in_dim3A_507 : vector<128x128xi1>, vector<128x128xf32>
    %add3A_509 = arith.addf %add3A_495, %select_n3A_508 : vector<128x128xf32>
    %get3A_510 = arith.constant 0 : index
    %get3A_511 = arith.constant 4608 : index
    %get3A_512 = vector.load %arg3[%get3A_510, %get3A_511] : memref<128x32000xf32, #tpu.memory_space<vmem>>, vector<128x128xf32>
    %exp3A_513 = math.exp %get3A_512 : vector<128x128xf32>
    %add3A_514 = arith.addf %add3A_500, %exp3A_513 : vector<128x128xf32>
    %add3A_515 = arith.addf %add3A_501, %get3A_512 : vector<128x128xf32>
    %sub3A_516 = arith.constant 4608 : i32
    %sub3A_517 = vector.broadcast %sub3A_516 : i32 to vector<128x128xi32>
    %sub3A_518 = arith.subi %broadcast_in_dim3A_5, %sub3A_517 : vector<128x128xi32>
    %eq3A_519 = arith.cmpi eq, %iota3A, %sub3A_518 : vector<128x128xi32>
    %jit3A_520 = arith.constant 0.000000e+00 : f32
    %broadcast_in_dim3A_521 = vector.broadcast %jit3A_520 : f32 to vector<128x128xf32>
    %select_n3A_522 = arith.select %eq3A_519, %get3A_512, %broadcast_in_dim3A_521 : vector<128x128xi1>, vector<128x128xf32>
    %add3A_523 = arith.addf %add3A_509, %select_n3A_522 : vector<128x128xf32>
    %get3A_524 = arith.constant 0 : index
    %get3A_525 = arith.constant 4736 : index
    %get3A_526 = vector.load %arg3[%get3A_524, %get3A_525] : memref<128x32000xf32, #tpu.memory_space<vmem>>, vector<128x128xf32>
    %exp3A_527 = math.exp %get3A_526 : vector<128x128xf32>
    %add3A_528 = arith.addf %add3A_514, %exp3A_527 : vector<128x128xf32>
    %add3A_529 = arith.addf %add3A_515, %get3A_526 : vector<128x128xf32>
    %sub3A_530 = arith.constant 4736 : i32
    %sub3A_531 = vector.broadcast %sub3A_530 : i32 to vector<128x128xi32>
    %sub3A_532 = arith.subi %broadcast_in_dim3A_5, %sub3A_531 : vector<128x128xi32>
    %eq3A_533 = arith.cmpi eq, %iota3A, %sub3A_532 : vector<128x128xi32>
    %jit3A_534 = arith.constant 0.000000e+00 : f32
    %broadcast_in_dim3A_535 = vector.broadcast %jit3A_534 : f32 to vector<128x128xf32>
    %select_n3A_536 = arith.select %eq3A_533, %get3A_526, %broadcast_in_dim3A_535 : vector<128x128xi1>, vector<128x128xf32>
    %add3A_537 = arith.addf %add3A_523, %select_n3A_536 : vector<128x128xf32>
    %get3A_538 = arith.constant 0 : index
    %get3A_539 = arith.constant 4864 : index
    %get3A_540 = vector.load %arg3[%get3A_538, %get3A_539] : memref<128x32000xf32, #tpu.memory_space<vmem>>, vector<128x128xf32>
    %exp3A_541 = math.exp %get3A_540 : vector<128x128xf32>
    %add3A_542 = arith.addf %add3A_528, %exp3A_541 : vector<128x128xf32>
    %add3A_543 = arith.addf %add3A_529, %get3A_540 : vector<128x128xf32>
    %sub3A_544 = arith.constant 4864 : i32
    %sub3A_545 = vector.broadcast %sub3A_544 : i32 to vector<128x128xi32>
    %sub3A_546 = arith.subi %broadcast_in_dim3A_5, %sub3A_545 : vector<128x128xi32>
    %eq3A_547 = arith.cmpi eq, %iota3A, %sub3A_546 : vector<128x128xi32>
    %jit3A_548 = arith.constant 0.000000e+00 : f32
    %broadcast_in_dim3A_549 = vector.broadcast %jit3A_548 : f32 to vector<128x128xf32>
    %select_n3A_550 = arith.select %eq3A_547, %get3A_540, %broadcast_in_dim3A_549 : vector<128x128xi1>, vector<128x128xf32>
    %add3A_551 = arith.addf %add3A_537, %select_n3A_550 : vector<128x128xf32>
    %get3A_552 = arith.constant 0 : index
    %get3A_553 = arith.constant 4992 : index
    %get3A_554 = vector.load %arg3[%get3A_552, %get3A_553] : memref<128x32000xf32, #tpu.memory_space<vmem>>, vector<128x128xf32>
    %exp3A_555 = math.exp %get3A_554 : vector<128x128xf32>
    %add3A_556 = arith.addf %add3A_542, %exp3A_555 : vector<128x128xf32>
    %add3A_557 = arith.addf %add3A_543, %get3A_554 : vector<128x128xf32>
    %sub3A_558 = arith.constant 4992 : i32
    %sub3A_559 = vector.broadcast %sub3A_558 : i32 to vector<128x128xi32>
    %sub3A_560 = arith.subi %broadcast_in_dim3A_5, %sub3A_559 : vector<128x128xi32>
    %eq3A_561 = arith.cmpi eq, %iota3A, %sub3A_560 : vector<128x128xi32>
    %jit3A_562 = arith.constant 0.000000e+00 : f32
    %broadcast_in_dim3A_563 = vector.broadcast %jit3A_562 : f32 to vector<128x128xf32>
    %select_n3A_564 = arith.select %eq3A_561, %get3A_554, %broadcast_in_dim3A_563 : vector<128x128xi1>, vector<128x128xf32>
    %add3A_565 = arith.addf %add3A_551, %select_n3A_564 : vector<128x128xf32>
    %get3A_566 = arith.constant 0 : index
    %get3A_567 = arith.constant 5120 : index
    %get3A_568 = vector.load %arg3[%get3A_566, %get3A_567] : memref<128x32000xf32, #tpu.memory_space<vmem>>, vector<128x128xf32>
    %exp3A_569 = math.exp %get3A_568 : vector<128x128xf32>
    %add3A_570 = arith.addf %add3A_556, %exp3A_569 : vector<128x128xf32>
    %add3A_571 = arith.addf %add3A_557, %get3A_568 : vector<128x128xf32>
    %sub3A_572 = arith.constant 5120 : i32
    %sub3A_573 = vector.broadcast %sub3A_572 : i32 to vector<128x128xi32>
    %sub3A_574 = arith.subi %broadcast_in_dim3A_5, %sub3A_573 : vector<128x128xi32>
    %eq3A_575 = arith.cmpi eq, %iota3A, %sub3A_574 : vector<128x128xi32>
    %jit3A_576 = arith.constant 0.000000e+00 : f32
    %broadcast_in_dim3A_577 = vector.broadcast %jit3A_576 : f32 to vector<128x128xf32>
    %select_n3A_578 = arith.select %eq3A_575, %get3A_568, %broadcast_in_dim3A_577 : vector<128x128xi1>, vector<128x128xf32>
    %add3A_579 = arith.addf %add3A_565, %select_n3A_578 : vector<128x128xf32>
    %get3A_580 = arith.constant 0 : index
    %get3A_581 = arith.constant 5248 : index
    %get3A_582 = vector.load %arg3[%get3A_580, %get3A_581] : memref<128x32000xf32, #tpu.memory_space<vmem>>, vector<128x128xf32>
    %exp3A_583 = math.exp %get3A_582 : vector<128x128xf32>
    %add3A_584 = arith.addf %add3A_570, %exp3A_583 : vector<128x128xf32>
    %add3A_585 = arith.addf %add3A_571, %get3A_582 : vector<128x128xf32>
    %sub3A_586 = arith.constant 5248 : i32
    %sub3A_587 = vector.broadcast %sub3A_586 : i32 to vector<128x128xi32>
    %sub3A_588 = arith.subi %broadcast_in_dim3A_5, %sub3A_587 : vector<128x128xi32>
    %eq3A_589 = arith.cmpi eq, %iota3A, %sub3A_588 : vector<128x128xi32>
    %jit3A_590 = arith.constant 0.000000e+00 : f32
    %broadcast_in_dim3A_591 = vector.broadcast %jit3A_590 : f32 to vector<128x128xf32>
    %select_n3A_592 = arith.select %eq3A_589, %get3A_582, %broadcast_in_dim3A_591 : vector<128x128xi1>, vector<128x128xf32>
    %add3A_593 = arith.addf %add3A_579, %select_n3A_592 : vector<128x128xf32>
    %get3A_594 = arith.constant 0 : index
    %get3A_595 = arith.constant 5376 : index
    %get3A_596 = vector.load %arg3[%get3A_594, %get3A_595] : memref<128x32000xf32, #tpu.memory_space<vmem>>, vector<128x128xf32>
    %exp3A_597 = math.exp %get3A_596 : vector<128x128xf32>
    %add3A_598 = arith.addf %add3A_584, %exp3A_597 : vector<128x128xf32>
    %add3A_599 = arith.addf %add3A_585, %get3A_596 : vector<128x128xf32>
    %sub3A_600 = arith.constant 5376 : i32
    %sub3A_601 = vector.broadcast %sub3A_600 : i32 to vector<128x128xi32>
    %sub3A_602 = arith.subi %broadcast_in_dim3A_5, %sub3A_601 : vector<128x128xi32>
    %eq3A_603 = arith.cmpi eq, %iota3A, %sub3A_602 : vector<128x128xi32>
    %jit3A_604 = arith.constant 0.000000e+00 : f32
    %broadcast_in_dim3A_605 = vector.broadcast %jit3A_604 : f32 to vector<128x128xf32>
    %select_n3A_606 = arith.select %eq3A_603, %get3A_596, %broadcast_in_dim3A_605 : vector<128x128xi1>, vector<128x128xf32>
    %add3A_607 = arith.addf %add3A_593, %select_n3A_606 : vector<128x128xf32>
    %get3A_608 = arith.constant 0 : index
    %get3A_609 = arith.constant 5504 : index
    %get3A_610 = vector.load %arg3[%get3A_608, %get3A_609] : memref<128x32000xf32, #tpu.memory_space<vmem>>, vector<128x128xf32>
    %exp3A_611 = math.exp %get3A_610 : vector<128x128xf32>
    %add3A_612 = arith.addf %add3A_598, %exp3A_611 : vector<128x128xf32>
    %add3A_613 = arith.addf %add3A_599, %get3A_610 : vector<128x128xf32>
    %sub3A_614 = arith.constant 5504 : i32
    %sub3A_615 = vector.broadcast %sub3A_614 : i32 to vector<128x128xi32>
    %sub3A_616 = arith.subi %broadcast_in_dim3A_5, %sub3A_615 : vector<128x128xi32>
    %eq3A_617 = arith.cmpi eq, %iota3A, %sub3A_616 : vector<128x128xi32>
    %jit3A_618 = arith.constant 0.000000e+00 : f32
    %broadcast_in_dim3A_619 = vector.broadcast %jit3A_618 : f32 to vector<128x128xf32>
    %select_n3A_620 = arith.select %eq3A_617, %get3A_610, %broadcast_in_dim3A_619 : vector<128x128xi1>, vector<128x128xf32>
    %add3A_621 = arith.addf %add3A_607, %select_n3A_620 : vector<128x128xf32>
    %get3A_622 = arith.constant 0 : index
    %get3A_623 = arith.constant 5632 : index
    %get3A_624 = vector.load %arg3[%get3A_622, %get3A_623] : memref<128x32000xf32, #tpu.memory_space<vmem>>, vector<128x128xf32>
    %exp3A_625 = math.exp %get3A_624 : vector<128x128xf32>
    %add3A_626 = arith.addf %add3A_612, %exp3A_625 : vector<128x128xf32>
    %add3A_627 = arith.addf %add3A_613, %get3A_624 : vector<128x128xf32>
    %sub3A_628 = arith.constant 5632 : i32
    %sub3A_629 = vector.broadcast %sub3A_628 : i32 to vector<128x128xi32>
    %sub3A_630 = arith.subi %broadcast_in_dim3A_5, %sub3A_629 : vector<128x128xi32>
    %eq3A_631 = arith.cmpi eq, %iota3A, %sub3A_630 : vector<128x128xi32>
    %jit3A_632 = arith.constant 0.000000e+00 : f32
    %broadcast_in_dim3A_633 = vector.broadcast %jit3A_632 : f32 to vector<128x128xf32>
    %select_n3A_634 = arith.select %eq3A_631, %get3A_624, %broadcast_in_dim3A_633 : vector<128x128xi1>, vector<128x128xf32>
    %add3A_635 = arith.addf %add3A_621, %select_n3A_634 : vector<128x128xf32>
    %get3A_636 = arith.constant 0 : index
    %get3A_637 = arith.constant 5760 : index
    %get3A_638 = vector.load %arg3[%get3A_636, %get3A_637] : memref<128x32000xf32, #tpu.memory_space<vmem>>, vector<128x128xf32>
    %exp3A_639 = math.exp %get3A_638 : vector<128x128xf32>
    %add3A_640 = arith.addf %add3A_626, %exp3A_639 : vector<128x128xf32>
    %add3A_641 = arith.addf %add3A_627, %get3A_638 : vector<128x128xf32>
    %sub3A_642 = arith.constant 5760 : i32
    %sub3A_643 = vector.broadcast %sub3A_642 : i32 to vector<128x128xi32>
    %sub3A_644 = arith.subi %broadcast_in_dim3A_5, %sub3A_643 : vector<128x128xi32>
    %eq3A_645 = arith.cmpi eq, %iota3A, %sub3A_644 : vector<128x128xi32>
    %jit3A_646 = arith.constant 0.000000e+00 : f32
    %broadcast_in_dim3A_647 = vector.broadcast %jit3A_646 : f32 to vector<128x128xf32>
    %select_n3A_648 = arith.select %eq3A_645, %get3A_638, %broadcast_in_dim3A_647 : vector<128x128xi1>, vector<128x128xf32>
    %add3A_649 = arith.addf %add3A_635, %select_n3A_648 : vector<128x128xf32>
    %get3A_650 = arith.constant 0 : index
    %get3A_651 = arith.constant 5888 : index
    %get3A_652 = vector.load %arg3[%get3A_650, %get3A_651] : memref<128x32000xf32, #tpu.memory_space<vmem>>, vector<128x128xf32>
    %exp3A_653 = math.exp %get3A_652 : vector<128x128xf32>
    %add3A_654 = arith.addf %add3A_640, %exp3A_653 : vector<128x128xf32>
    %add3A_655 = arith.addf %add3A_641, %get3A_652 : vector<128x128xf32>
    %sub3A_656 = arith.constant 5888 : i32
    %sub3A_657 = vector.broadcast %sub3A_656 : i32 to vector<128x128xi32>
    %sub3A_658 = arith.subi %broadcast_in_dim3A_5, %sub3A_657 : vector<128x128xi32>
    %eq3A_659 = arith.cmpi eq, %iota3A, %sub3A_658 : vector<128x128xi32>
    %jit3A_660 = arith.constant 0.000000e+00 : f32
    %broadcast_in_dim3A_661 = vector.broadcast %jit3A_660 : f32 to vector<128x128xf32>
    %select_n3A_662 = arith.select %eq3A_659, %get3A_652, %broadcast_in_dim3A_661 : vector<128x128xi1>, vector<128x128xf32>
    %add3A_663 = arith.addf %add3A_649, %select_n3A_662 : vector<128x128xf32>
    %get3A_664 = arith.constant 0 : index
    %get3A_665 = arith.constant 6016 : index
    %get3A_666 = vector.load %arg3[%get3A_664, %get3A_665] : memref<128x32000xf32, #tpu.memory_space<vmem>>, vector<128x128xf32>
    %exp3A_667 = math.exp %get3A_666 : vector<128x128xf32>
    %add3A_668 = arith.addf %add3A_654, %exp3A_667 : vector<128x128xf32>
    %add3A_669 = arith.addf %add3A_655, %get3A_666 : vector<128x128xf32>
    %sub3A_670 = arith.constant 6016 : i32
    %sub3A_671 = vector.broadcast %sub3A_670 : i32 to vector<128x128xi32>
    %sub3A_672 = arith.subi %broadcast_in_dim3A_5, %sub3A_671 : vector<128x128xi32>
    %eq3A_673 = arith.cmpi eq, %iota3A, %sub3A_672 : vector<128x128xi32>
    %jit3A_674 = arith.constant 0.000000e+00 : f32
    %broadcast_in_dim3A_675 = vector.broadcast %jit3A_674 : f32 to vector<128x128xf32>
    %select_n3A_676 = arith.select %eq3A_673, %get3A_666, %broadcast_in_dim3A_675 : vector<128x128xi1>, vector<128x128xf32>
    %add3A_677 = arith.addf %add3A_663, %select_n3A_676 : vector<128x128xf32>
    %get3A_678 = arith.constant 0 : index
    %get3A_679 = arith.constant 6144 : index
    %get3A_680 = vector.load %arg3[%get3A_678, %get3A_679] : memref<128x32000xf32, #tpu.memory_space<vmem>>, vector<128x128xf32>
    %exp3A_681 = math.exp %get3A_680 : vector<128x128xf32>
    %add3A_682 = arith.addf %add3A_668, %exp3A_681 : vector<128x128xf32>
    %add3A_683 = arith.addf %add3A_669, %get3A_680 : vector<128x128xf32>
    %sub3A_684 = arith.constant 6144 : i32
    %sub3A_685 = vector.broadcast %sub3A_684 : i32 to vector<128x128xi32>
    %sub3A_686 = arith.subi %broadcast_in_dim3A_5, %sub3A_685 : vector<128x128xi32>
    %eq3A_687 = arith.cmpi eq, %iota3A, %sub3A_686 : vector<128x128xi32>
    %jit3A_688 = arith.constant 0.000000e+00 : f32
    %broadcast_in_dim3A_689 = vector.broadcast %jit3A_688 : f32 to vector<128x128xf32>
    %select_n3A_690 = arith.select %eq3A_687, %get3A_680, %broadcast_in_dim3A_689 : vector<128x128xi1>, vector<128x128xf32>
    %add3A_691 = arith.addf %add3A_677, %select_n3A_690 : vector<128x128xf32>
    %get3A_692 = arith.constant 0 : index
    %get3A_693 = arith.constant 6272 : index
    %get3A_694 = vector.load %arg3[%get3A_692, %get3A_693] : memref<128x32000xf32, #tpu.memory_space<vmem>>, vector<128x128xf32>
    %exp3A_695 = math.exp %get3A_694 : vector<128x128xf32>
    %add3A_696 = arith.addf %add3A_682, %exp3A_695 : vector<128x128xf32>
    %add3A_697 = arith.addf %add3A_683, %get3A_694 : vector<128x128xf32>
    %sub3A_698 = arith.constant 6272 : i32
    %sub3A_699 = vector.broadcast %sub3A_698 : i32 to vector<128x128xi32>
    %sub3A_700 = arith.subi %broadcast_in_dim3A_5, %sub3A_699 : vector<128x128xi32>
    %eq3A_701 = arith.cmpi eq, %iota3A, %sub3A_700 : vector<128x128xi32>
    %jit3A_702 = arith.constant 0.000000e+00 : f32
    %broadcast_in_dim3A_703 = vector.broadcast %jit3A_702 : f32 to vector<128x128xf32>
    %select_n3A_704 = arith.select %eq3A_701, %get3A_694, %broadcast_in_dim3A_703 : vector<128x128xi1>, vector<128x128xf32>
    %add3A_705 = arith.addf %add3A_691, %select_n3A_704 : vector<128x128xf32>
    %get3A_706 = arith.constant 0 : index
    %get3A_707 = arith.constant 6400 : index
    %get3A_708 = vector.load %arg3[%get3A_706, %get3A_707] : memref<128x32000xf32, #tpu.memory_space<vmem>>, vector<128x128xf32>
    %exp3A_709 = math.exp %get3A_708 : vector<128x128xf32>
    %add3A_710 = arith.addf %add3A_696, %exp3A_709 : vector<128x128xf32>
    %add3A_711 = arith.addf %add3A_697, %get3A_708 : vector<128x128xf32>
    %sub3A_712 = arith.constant 6400 : i32
    %sub3A_713 = vector.broadcast %sub3A_712 : i32 to vector<128x128xi32>
    %sub3A_714 = arith.subi %broadcast_in_dim3A_5, %sub3A_713 : vector<128x128xi32>
    %eq3A_715 = arith.cmpi eq, %iota3A, %sub3A_714 : vector<128x128xi32>
    %jit3A_716 = arith.constant 0.000000e+00 : f32
    %broadcast_in_dim3A_717 = vector.broadcast %jit3A_716 : f32 to vector<128x128xf32>
    %select_n3A_718 = arith.select %eq3A_715, %get3A_708, %broadcast_in_dim3A_717 : vector<128x128xi1>, vector<128x128xf32>
    %add3A_719 = arith.addf %add3A_705, %select_n3A_718 : vector<128x128xf32>
    %get3A_720 = arith.constant 0 : index
    %get3A_721 = arith.constant 6528 : index
    %get3A_722 = vector.load %arg3[%get3A_720, %get3A_721] : memref<128x32000xf32, #tpu.memory_space<vmem>>, vector<128x128xf32>
    %exp3A_723 = math.exp %get3A_722 : vector<128x128xf32>
    %add3A_724 = arith.addf %add3A_710, %exp3A_723 : vector<128x128xf32>
    %add3A_725 = arith.addf %add3A_711, %get3A_722 : vector<128x128xf32>
    %sub3A_726 = arith.constant 6528 : i32
    %sub3A_727 = vector.broadcast %sub3A_726 : i32 to vector<128x128xi32>
    %sub3A_728 = arith.subi %broadcast_in_dim3A_5, %sub3A_727 : vector<128x128xi32>
    %eq3A_729 = arith.cmpi eq, %iota3A, %sub3A_728 : vector<128x128xi32>
    %jit3A_730 = arith.constant 0.000000e+00 : f32
    %broadcast_in_dim3A_731 = vector.broadcast %jit3A_730 : f32 to vector<128x128xf32>
    %select_n3A_732 = arith.select %eq3A_729, %get3A_722, %broadcast_in_dim3A_731 : vector<128x128xi1>, vector<128x128xf32>
    %add3A_733 = arith.addf %add3A_719, %select_n3A_732 : vector<128x128xf32>
    %get3A_734 = arith.constant 0 : index
    %get3A_735 = arith.constant 6656 : index
    %get3A_736 = vector.load %arg3[%get3A_734, %get3A_735] : memref<128x32000xf32, #tpu.memory_space<vmem>>, vector<128x128xf32>
    %exp3A_737 = math.exp %get3A_736 : vector<128x128xf32>
    %add3A_738 = arith.addf %add3A_724, %exp3A_737 : vector<128x128xf32>
    %add3A_739 = arith.addf %add3A_725, %get3A_736 : vector<128x128xf32>
    %sub3A_740 = arith.constant 6656 : i32
    %sub3A_741 = vector.broadcast %sub3A_740 : i32 to vector<128x128xi32>
    %sub3A_742 = arith.subi %broadcast_in_dim3A_5, %sub3A_741 : vector<128x128xi32>
    %eq3A_743 = arith.cmpi eq, %iota3A, %sub3A_742 : vector<128x128xi32>
    %jit3A_744 = arith.constant 0.000000e+00 : f32
    %broadcast_in_dim3A_745 = vector.broadcast %jit3A_744 : f32 to vector<128x128xf32>
    %select_n3A_746 = arith.select %eq3A_743, %get3A_736, %broadcast_in_dim3A_745 : vector<128x128xi1>, vector<128x128xf32>
    %add3A_747 = arith.addf %add3A_733, %select_n3A_746 : vector<128x128xf32>
    %get3A_748 = arith.constant 0 : index
    %get3A_749 = arith.constant 6784 : index
    %get3A_750 = vector.load %arg3[%get3A_748, %get3A_749] : memref<128x32000xf32, #tpu.memory_space<vmem>>, vector<128x128xf32>
    %exp3A_751 = math.exp %get3A_750 : vector<128x128xf32>
    %add3A_752 = arith.addf %add3A_738, %exp3A_751 : vector<128x128xf32>
    %add3A_753 = arith.addf %add3A_739, %get3A_750 : vector<128x128xf32>
    %sub3A_754 = arith.constant 6784 : i32
    %sub3A_755 = vector.broadcast %sub3A_754 : i32 to vector<128x128xi32>
    %sub3A_756 = arith.subi %broadcast_in_dim3A_5, %sub3A_755 : vector<128x128xi32>
    %eq3A_757 = arith.cmpi eq, %iota3A, %sub3A_756 : vector<128x128xi32>
    %jit3A_758 = arith.constant 0.000000e+00 : f32
    %broadcast_in_dim3A_759 = vector.broadcast %jit3A_758 : f32 to vector<128x128xf32>
    %select_n3A_760 = arith.select %eq3A_757, %get3A_750, %broadcast_in_dim3A_759 : vector<128x128xi1>, vector<128x128xf32>
    %add3A_761 = arith.addf %add3A_747, %select_n3A_760 : vector<128x128xf32>
    %get3A_762 = arith.constant 0 : index
    %get3A_763 = arith.constant 6912 : index
    %get3A_764 = vector.load %arg3[%get3A_762, %get3A_763] : memref<128x32000xf32, #tpu.memory_space<vmem>>, vector<128x128xf32>
    %exp3A_765 = math.exp %get3A_764 : vector<128x128xf32>
    %add3A_766 = arith.addf %add3A_752, %exp3A_765 : vector<128x128xf32>
    %add3A_767 = arith.addf %add3A_753, %get3A_764 : vector<128x128xf32>
    %sub3A_768 = arith.constant 6912 : i32
    %sub3A_769 = vector.broadcast %sub3A_768 : i32 to vector<128x128xi32>
    %sub3A_770 = arith.subi %broadcast_in_dim3A_5, %sub3A_769 : vector<128x128xi32>
    %eq3A_771 = arith.cmpi eq, %iota3A, %sub3A_770 : vector<128x128xi32>
    %jit3A_772 = arith.constant 0.000000e+00 : f32
    %broadcast_in_dim3A_773 = vector.broadcast %jit3A_772 : f32 to vector<128x128xf32>
    %select_n3A_774 = arith.select %eq3A_771, %get3A_764, %broadcast_in_dim3A_773 : vector<128x128xi1>, vector<128x128xf32>
    %add3A_775 = arith.addf %add3A_761, %select_n3A_774 : vector<128x128xf32>
    %get3A_776 = arith.constant 0 : index
    %get3A_777 = arith.constant 7040 : index
    %get3A_778 = vector.load %arg3[%get3A_776, %get3A_777] : memref<128x32000xf32, #tpu.memory_space<vmem>>, vector<128x128xf32>
    %exp3A_779 = math.exp %get3A_778 : vector<128x128xf32>
    %add3A_780 = arith.addf %add3A_766, %exp3A_779 : vector<128x128xf32>
    %add3A_781 = arith.addf %add3A_767, %get3A_778 : vector<128x128xf32>
    %sub3A_782 = arith.constant 7040 : i32
    %sub3A_783 = vector.broadcast %sub3A_782 : i32 to vector<128x128xi32>
    %sub3A_784 = arith.subi %broadcast_in_dim3A_5, %sub3A_783 : vector<128x128xi32>
    %eq3A_785 = arith.cmpi eq, %iota3A, %sub3A_784 : vector<128x128xi32>
    %jit3A_786 = arith.constant 0.000000e+00 : f32
    %broadcast_in_dim3A_787 = vector.broadcast %jit3A_786 : f32 to vector<128x128xf32>
    %select_n3A_788 = arith.select %eq3A_785, %get3A_778, %broadcast_in_dim3A_787 : vector<128x128xi1>, vector<128x128xf32>
    %add3A_789 = arith.addf %add3A_775, %select_n3A_788 : vector<128x128xf32>
    %get3A_790 = arith.constant 0 : index
    %get3A_791 = arith.constant 7168 : index
    %get3A_792 = vector.load %arg3[%get3A_790, %get3A_791] : memref<128x32000xf32, #tpu.memory_space<vmem>>, vector<128x128xf32>
    %exp3A_793 = math.exp %get3A_792 : vector<128x128xf32>
    %add3A_794 = arith.addf %add3A_780, %exp3A_793 : vector<128x128xf32>
    %add3A_795 = arith.addf %add3A_781, %get3A_792 : vector<128x128xf32>
    %sub3A_796 = arith.constant 7168 : i32
    %sub3A_797 = vector.broadcast %sub3A_796 : i32 to vector<128x128xi32>
    %sub3A_798 = arith.subi %broadcast_in_dim3A_5, %sub3A_797 : vector<128x128xi32>
    %eq3A_799 = arith.cmpi eq, %iota3A, %sub3A_798 : vector<128x128xi32>
    %jit3A_800 = arith.constant 0.000000e+00 : f32
    %broadcast_in_dim3A_801 = vector.broadcast %jit3A_800 : f32 to vector<128x128xf32>
    %select_n3A_802 = arith.select %eq3A_799, %get3A_792, %broadcast_in_dim3A_801 : vector<128x128xi1>, vector<128x128xf32>
    %add3A_803 = arith.addf %add3A_789, %select_n3A_802 : vector<128x128xf32>
    %get3A_804 = arith.constant 0 : index
    %get3A_805 = arith.constant 7296 : index
    %get3A_806 = vector.load %arg3[%get3A_804, %get3A_805] : memref<128x32000xf32, #tpu.memory_space<vmem>>, vector<128x128xf32>
    %exp3A_807 = math.exp %get3A_806 : vector<128x128xf32>
    %add3A_808 = arith.addf %add3A_794, %exp3A_807 : vector<128x128xf32>
    %add3A_809 = arith.addf %add3A_795, %get3A_806 : vector<128x128xf32>
    %sub3A_810 = arith.constant 7296 : i32
    %sub3A_811 = vector.broadcast %sub3A_810 : i32 to vector<128x128xi32>
    %sub3A_812 = arith.subi %broadcast_in_dim3A_5, %sub3A_811 : vector<128x128xi32>
    %eq3A_813 = arith.cmpi eq, %iota3A, %sub3A_812 : vector<128x128xi32>
    %jit3A_814 = arith.constant 0.000000e+00 : f32
    %broadcast_in_dim3A_815 = vector.broadcast %jit3A_814 : f32 to vector<128x128xf32>
    %select_n3A_816 = arith.select %eq3A_813, %get3A_806, %broadcast_in_dim3A_815 : vector<128x128xi1>, vector<128x128xf32>
    %add3A_817 = arith.addf %add3A_803, %select_n3A_816 : vector<128x128xf32>
    %get3A_818 = arith.constant 0 : index
    %get3A_819 = arith.constant 7424 : index
    %get3A_820 = vector.load %arg3[%get3A_818, %get3A_819] : memref<128x32000xf32, #tpu.memory_space<vmem>>, vector<128x128xf32>
    %exp3A_821 = math.exp %get3A_820 : vector<128x128xf32>
    %add3A_822 = arith.addf %add3A_808, %exp3A_821 : vector<128x128xf32>
    %add3A_823 = arith.addf %add3A_809, %get3A_820 : vector<128x128xf32>
    %sub3A_824 = arith.constant 7424 : i32
    %sub3A_825 = vector.broadcast %sub3A_824 : i32 to vector<128x128xi32>
    %sub3A_826 = arith.subi %broadcast_in_dim3A_5, %sub3A_825 : vector<128x128xi32>
    %eq3A_827 = arith.cmpi eq, %iota3A, %sub3A_826 : vector<128x128xi32>
    %jit3A_828 = arith.constant 0.000000e+00 : f32
    %broadcast_in_dim3A_829 = vector.broadcast %jit3A_828 : f32 to vector<128x128xf32>
    %select_n3A_830 = arith.select %eq3A_827, %get3A_820, %broadcast_in_dim3A_829 : vector<128x128xi1>, vector<128x128xf32>
    %add3A_831 = arith.addf %add3A_817, %select_n3A_830 : vector<128x128xf32>
    %get3A_832 = arith.constant 0 : index
    %get3A_833 = arith.constant 7552 : index
    %get3A_834 = vector.load %arg3[%get3A_832, %get3A_833] : memref<128x32000xf32, #tpu.memory_space<vmem>>, vector<128x128xf32>
    %exp3A_835 = math.exp %get3A_834 : vector<128x128xf32>
    %add3A_836 = arith.addf %add3A_822, %exp3A_835 : vector<128x128xf32>
    %add3A_837 = arith.addf %add3A_823, %get3A_834 : vector<128x128xf32>
    %sub3A_838 = arith.constant 7552 : i32
    %sub3A_839 = vector.broadcast %sub3A_838 : i32 to vector<128x128xi32>
    %sub3A_840 = arith.subi %broadcast_in_dim3A_5, %sub3A_839 : vector<128x128xi32>
    %eq3A_841 = arith.cmpi eq, %iota3A, %sub3A_840 : vector<128x128xi32>
    %jit3A_842 = arith.constant 0.000000e+00 : f32
    %broadcast_in_dim3A_843 = vector.broadcast %jit3A_842 : f32 to vector<128x128xf32>
    %select_n3A_844 = arith.select %eq3A_841, %get3A_834, %broadcast_in_dim3A_843 : vector<128x128xi1>, vector<128x128xf32>
    %add3A_845 = arith.addf %add3A_831, %select_n3A_844 : vector<128x128xf32>
    %get3A_846 = arith.constant 0 : index
    %get3A_847 = arith.constant 7680 : index
    %get3A_848 = vector.load %arg3[%get3A_846, %get3A_847] : memref<128x32000xf32, #tpu.memory_space<vmem>>, vector<128x128xf32>
    %exp3A_849 = math.exp %get3A_848 : vector<128x128xf32>
    %add3A_850 = arith.addf %add3A_836, %exp3A_849 : vector<128x128xf32>
    %add3A_851 = arith.addf %add3A_837, %get3A_848 : vector<128x128xf32>
    %sub3A_852 = arith.constant 7680 : i32
    %sub3A_853 = vector.broadcast %sub3A_852 : i32 to vector<128x128xi32>
    %sub3A_854 = arith.subi %broadcast_in_dim3A_5, %sub3A_853 : vector<128x128xi32>
    %eq3A_855 = arith.cmpi eq, %iota3A, %sub3A_854 : vector<128x128xi32>
    %jit3A_856 = arith.constant 0.000000e+00 : f32
    %broadcast_in_dim3A_857 = vector.broadcast %jit3A_856 : f32 to vector<128x128xf32>
    %select_n3A_858 = arith.select %eq3A_855, %get3A_848, %broadcast_in_dim3A_857 : vector<128x128xi1>, vector<128x128xf32>
    %add3A_859 = arith.addf %add3A_845, %select_n3A_858 : vector<128x128xf32>
    %get3A_860 = arith.constant 0 : index
    %get3A_861 = arith.constant 7808 : index
    %get3A_862 = vector.load %arg3[%get3A_860, %get3A_861] : memref<128x32000xf32, #tpu.memory_space<vmem>>, vector<128x128xf32>
    %exp3A_863 = math.exp %get3A_862 : vector<128x128xf32>
    %add3A_864 = arith.addf %add3A_850, %exp3A_863 : vector<128x128xf32>
    %add3A_865 = arith.addf %add3A_851, %get3A_862 : vector<128x128xf32>
    %sub3A_866 = arith.constant 7808 : i32
    %sub3A_867 = vector.broadcast %sub3A_866 : i32 to vector<128x128xi32>
    %sub3A_868 = arith.subi %broadcast_in_dim3A_5, %sub3A_867 : vector<128x128xi32>
    %eq3A_869 = arith.cmpi eq, %iota3A, %sub3A_868 : vector<128x128xi32>
    %jit3A_870 = arith.constant 0.000000e+00 : f32
    %broadcast_in_dim3A_871 = vector.broadcast %jit3A_870 : f32 to vector<128x128xf32>
    %select_n3A_872 = arith.select %eq3A_869, %get3A_862, %broadcast_in_dim3A_871 : vector<128x128xi1>, vector<128x128xf32>
    %add3A_873 = arith.addf %add3A_859, %select_n3A_872 : vector<128x128xf32>
    %get3A_874 = arith.constant 0 : index
    %get3A_875 = arith.constant 7936 : index
    %get3A_876 = vector.load %arg3[%get3A_874, %get3A_875] : memref<128x32000xf32, #tpu.memory_space<vmem>>, vector<128x128xf32>
    %exp3A_877 = math.exp %get3A_876 : vector<128x128xf32>
    %add3A_878 = arith.addf %add3A_864, %exp3A_877 : vector<128x128xf32>
    %add3A_879 = arith.addf %add3A_865, %get3A_876 : vector<128x128xf32>
    %sub3A_880 = arith.constant 7936 : i32
    %sub3A_881 = vector.broadcast %sub3A_880 : i32 to vector<128x128xi32>
    %sub3A_882 = arith.subi %broadcast_in_dim3A_5, %sub3A_881 : vector<128x128xi32>
    %eq3A_883 = arith.cmpi eq, %iota3A, %sub3A_882 : vector<128x128xi32>
    %jit3A_884 = arith.constant 0.000000e+00 : f32
    %broadcast_in_dim3A_885 = vector.broadcast %jit3A_884 : f32 to vector<128x128xf32>
    %select_n3A_886 = arith.select %eq3A_883, %get3A_876, %broadcast_in_dim3A_885 : vector<128x128xi1>, vector<128x128xf32>
    %add3A_887 = arith.addf %add3A_873, %select_n3A_886 : vector<128x128xf32>
    %get3A_888 = arith.constant 0 : index
    %get3A_889 = arith.constant 8064 : index
    %get3A_890 = vector.load %arg3[%get3A_888, %get3A_889] : memref<128x32000xf32, #tpu.memory_space<vmem>>, vector<128x128xf32>
    %exp3A_891 = math.exp %get3A_890 : vector<128x128xf32>
    %add3A_892 = arith.addf %add3A_878, %exp3A_891 : vector<128x128xf32>
    %add3A_893 = arith.addf %add3A_879, %get3A_890 : vector<128x128xf32>
    %sub3A_894 = arith.constant 8064 : i32
    %sub3A_895 = vector.broadcast %sub3A_894 : i32 to vector<128x128xi32>
    %sub3A_896 = arith.subi %broadcast_in_dim3A_5, %sub3A_895 : vector<128x128xi32>
    %eq3A_897 = arith.cmpi eq, %iota3A, %sub3A_896 : vector<128x128xi32>
    %jit3A_898 = arith.constant 0.000000e+00 : f32
    %broadcast_in_dim3A_899 = vector.broadcast %jit3A_898 : f32 to vector<128x128xf32>
    %select_n3A_900 = arith.select %eq3A_897, %get3A_890, %broadcast_in_dim3A_899 : vector<128x128xi1>, vector<128x128xf32>
    %add3A_901 = arith.addf %add3A_887, %select_n3A_900 : vector<128x128xf32>
    %get3A_902 = arith.constant 0 : index
    %get3A_903 = arith.constant 8192 : index
    %get3A_904 = vector.load %arg3[%get3A_902, %get3A_903] : memref<128x32000xf32, #tpu.memory_space<vmem>>, vector<128x128xf32>
    %exp3A_905 = math.exp %get3A_904 : vector<128x128xf32>
    %add3A_906 = arith.addf %add3A_892, %exp3A_905 : vector<128x128xf32>
    %add3A_907 = arith.addf %add3A_893, %get3A_904 : vector<128x128xf32>
    %sub3A_908 = arith.constant 8192 : i32
    %sub3A_909 = vector.broadcast %sub3A_908 : i32 to vector<128x128xi32>
    %sub3A_910 = arith.subi %broadcast_in_dim3A_5, %sub3A_909 : vector<128x128xi32>
    %eq3A_911 = arith.cmpi eq, %iota3A, %sub3A_910 : vector<128x128xi32>
    %jit3A_912 = arith.constant 0.000000e+00 : f32
    %broadcast_in_dim3A_913 = vector.broadcast %jit3A_912 : f32 to vector<128x128xf32>
    %select_n3A_914 = arith.select %eq3A_911, %get3A_904, %broadcast_in_dim3A_913 : vector<128x128xi1>, vector<128x128xf32>
    %add3A_915 = arith.addf %add3A_901, %select_n3A_914 : vector<128x128xf32>
    %get3A_916 = arith.constant 0 : index
    %get3A_917 = arith.constant 8320 : index
    %get3A_918 = vector.load %arg3[%get3A_916, %get3A_917] : memref<128x32000xf32, #tpu.memory_space<vmem>>, vector<128x128xf32>
    %exp3A_919 = math.exp %get3A_918 : vector<128x128xf32>
    %add3A_920 = arith.addf %add3A_906, %exp3A_919 : vector<128x128xf32>
    %add3A_921 = arith.addf %add3A_907, %get3A_918 : vector<128x128xf32>
    %sub3A_922 = arith.constant 8320 : i32
    %sub3A_923 = vector.broadcast %sub3A_922 : i32 to vector<128x128xi32>
    %sub3A_924 = arith.subi %broadcast_in_dim3A_5, %sub3A_923 : vector<128x128xi32>
    %eq3A_925 = arith.cmpi eq, %iota3A, %sub3A_924 : vector<128x128xi32>
    %jit3A_926 = arith.constant 0.000000e+00 : f32
    %broadcast_in_dim3A_927 = vector.broadcast %jit3A_926 : f32 to vector<128x128xf32>
    %select_n3A_928 = arith.select %eq3A_925, %get3A_918, %broadcast_in_dim3A_927 : vector<128x128xi1>, vector<128x128xf32>
    %add3A_929 = arith.addf %add3A_915, %select_n3A_928 : vector<128x128xf32>
    %get3A_930 = arith.constant 0 : index
    %get3A_931 = arith.constant 8448 : index
    %get3A_932 = vector.load %arg3[%get3A_930, %get3A_931] : memref<128x32000xf32, #tpu.memory_space<vmem>>, vector<128x128xf32>
    %exp3A_933 = math.exp %get3A_932 : vector<128x128xf32>
    %add3A_934 = arith.addf %add3A_920, %exp3A_933 : vector<128x128xf32>
    %add3A_935 = arith.addf %add3A_921, %get3A_932 : vector<128x128xf32>
    %sub3A_936 = arith.constant 8448 : i32
    %sub3A_937 = vector.broadcast %sub3A_936 : i32 to vector<128x128xi32>
    %sub3A_938 = arith.subi %broadcast_in_dim3A_5, %sub3A_937 : vector<128x128xi32>
    %eq3A_939 = arith.cmpi eq, %iota3A, %sub3A_938 : vector<128x128xi32>
    %jit3A_940 = arith.constant 0.000000e+00 : f32
    %broadcast_in_dim3A_941 = vector.broadcast %jit3A_940 : f32 to vector<128x128xf32>
    %select_n3A_942 = arith.select %eq3A_939, %get3A_932, %broadcast_in_dim3A_941 : vector<128x128xi1>, vector<128x128xf32>
    %add3A_943 = arith.addf %add3A_929, %select_n3A_942 : vector<128x128xf32>
    %get3A_944 = arith.constant 0 : index
    %get3A_945 = arith.constant 8576 : index
    %get3A_946 = vector.load %arg3[%get3A_944, %get3A_945] : memref<128x32000xf32, #tpu.memory_space<vmem>>, vector<128x128xf32>
    %exp3A_947 = math.exp %get3A_946 : vector<128x128xf32>
    %add3A_948 = arith.addf %add3A_934, %exp3A_947 : vector<128x128xf32>
    %add3A_949 = arith.addf %add3A_935, %get3A_946 : vector<128x128xf32>
    %sub3A_950 = arith.constant 8576 : i32
    %sub3A_951 = vector.broadcast %sub3A_950 : i32 to vector<128x128xi32>
    %sub3A_952 = arith.subi %broadcast_in_dim3A_5, %sub3A_951 : vector<128x128xi32>
    %eq3A_953 = arith.cmpi eq, %iota3A, %sub3A_952 : vector<128x128xi32>
    %jit3A_954 = arith.constant 0.000000e+00 : f32
    %broadcast_in_dim3A_955 = vector.broadcast %jit3A_954 : f32 to vector<128x128xf32>
    %select_n3A_956 = arith.select %eq3A_953, %get3A_946, %broadcast_in_dim3A_955 : vector<128x128xi1>, vector<128x128xf32>
    %add3A_957 = arith.addf %add3A_943, %select_n3A_956 : vector<128x128xf32>
    %get3A_958 = arith.constant 0 : index
    %get3A_959 = arith.constant 8704 : index
    %get3A_960 = vector.load %arg3[%get3A_958, %get3A_959] : memref<128x32000xf32, #tpu.memory_space<vmem>>, vector<128x128xf32>
    %exp3A_961 = math.exp %get3A_960 : vector<128x128xf32>
    %add3A_962 = arith.addf %add3A_948, %exp3A_961 : vector<128x128xf32>
    %add3A_963 = arith.addf %add3A_949, %get3A_960 : vector<128x128xf32>
    %sub3A_964 = arith.constant 8704 : i32
    %sub3A_965 = vector.broadcast %sub3A_964 : i32 to vector<128x128xi32>
    %sub3A_966 = arith.subi %broadcast_in_dim3A_5, %sub3A_965 : vector<128x128xi32>
    %eq3A_967 = arith.cmpi eq, %iota3A, %sub3A_966 : vector<128x128xi32>
    %jit3A_968 = arith.constant 0.000000e+00 : f32
    %broadcast_in_dim3A_969 = vector.broadcast %jit3A_968 : f32 to vector<128x128xf32>
    %select_n3A_970 = arith.select %eq3A_967, %get3A_960, %broadcast_in_dim3A_969 : vector<128x128xi1>, vector<128x128xf32>
    %add3A_971 = arith.addf %add3A_957, %select_n3A_970 : vector<128x128xf32>
    %get3A_972 = arith.constant 0 : index
    %get3A_973 = arith.constant 8832 : index
    %get3A_974 = vector.load %arg3[%get3A_972, %get3A_973] : memref<128x32000xf32, #tpu.memory_space<vmem>>, vector<128x128xf32>
    %exp3A_975 = math.exp %get3A_974 : vector<128x128xf32>
    %add3A_976 = arith.addf %add3A_962, %exp3A_975 : vector<128x128xf32>
    %add3A_977 = arith.addf %add3A_963, %get3A_974 : vector<128x128xf32>
    %sub3A_978 = arith.constant 8832 : i32
    %sub3A_979 = vector.broadcast %sub3A_978 : i32 to vector<128x128xi32>
    %sub3A_980 = arith.subi %broadcast_in_dim3A_5, %sub3A_979 : vector<128x128xi32>
    %eq3A_981 = arith.cmpi eq, %iota3A, %sub3A_980 : vector<128x128xi32>
    %jit3A_982 = arith.constant 0.000000e+00 : f32
    %broadcast_in_dim3A_983 = vector.broadcast %jit3A_982 : f32 to vector<128x128xf32>
    %select_n3A_984 = arith.select %eq3A_981, %get3A_974, %broadcast_in_dim3A_983 : vector<128x128xi1>, vector<128x128xf32>
    %add3A_985 = arith.addf %add3A_971, %select_n3A_984 : vector<128x128xf32>
    %get3A_986 = arith.constant 0 : index
    %get3A_987 = arith.constant 8960 : index
    %get3A_988 = vector.load %arg3[%get3A_986, %get3A_987] : memref<128x32000xf32, #tpu.memory_space<vmem>>, vector<128x128xf32>
    %exp3A_989 = math.exp %get3A_988 : vector<128x128xf32>
    %add3A_990 = arith.addf %add3A_976, %exp3A_989 : vector<128x128xf32>
    %add3A_991 = arith.addf %add3A_977, %get3A_988 : vector<128x128xf32>
    %sub3A_992 = arith.constant 8960 : i32
    %sub3A_993 = vector.broadcast %sub3A_992 : i32 to vector<128x128xi32>
    %sub3A_994 = arith.subi %broadcast_in_dim3A_5, %sub3A_993 : vector<128x128xi32>
    %eq3A_995 = arith.cmpi eq, %iota3A, %sub3A_994 : vector<128x128xi32>
    %jit3A_996 = arith.constant 0.000000e+00 : f32
    %broadcast_in_dim3A_997 = vector.broadcast %jit3A_996 : f32 to vector<128x128xf32>
    %select_n3A_998 = arith.select %eq3A_995, %get3A_988, %broadcast_in_dim3A_997 : vector<128x128xi1>, vector<128x128xf32>
    %add3A_999 = arith.addf %add3A_985, %select_n3A_998 : vector<128x128xf32>
    %get3A_1000 = arith.constant 0 : index
    %get3A_1001 = arith.constant 9088 : index
    %get3A_1002 = vector.load %arg3[%get3A_1000, %get3A_1001] : memref<128x32000xf32, #tpu.memory_space<vmem>>, vector<128x128xf32>
    %exp3A_1003 = math.exp %get3A_1002 : vector<128x128xf32>
    %add3A_1004 = arith.addf %add3A_990, %exp3A_1003 : vector<128x128xf32>
    %add3A_1005 = arith.addf %add3A_991, %get3A_1002 : vector<128x128xf32>
    %sub3A_1006 = arith.constant 9088 : i32
    %sub3A_1007 = vector.broadcast %sub3A_1006 : i32 to vector<128x128xi32>
    %sub3A_1008 = arith.subi %broadcast_in_dim3A_5, %sub3A_1007 : vector<128x128xi32>
    %eq3A_1009 = arith.cmpi eq, %iota3A, %sub3A_1008 : vector<128x128xi32>
    %jit3A_1010 = arith.constant 0.000000e+00 : f32
    %broadcast_in_dim3A_1011 = vector.broadcast %jit3A_1010 : f32 to vector<128x128xf32>
    %select_n3A_1012 = arith.select %eq3A_1009, %get3A_1002, %broadcast_in_dim3A_1011 : vector<128x128xi1>, vector<128x128xf32>
    %add3A_1013 = arith.addf %add3A_999, %select_n3A_1012 : vector<128x128xf32>
    %get3A_1014 = arith.constant 0 : index
    %get3A_1015 = arith.constant 9216 : index
    %get3A_1016 = vector.load %arg3[%get3A_1014, %get3A_1015] : memref<128x32000xf32, #tpu.memory_space<vmem>>, vector<128x128xf32>
    %exp3A_1017 = math.exp %get3A_1016 : vector<128x128xf32>
    %add3A_1018 = arith.addf %add3A_1004, %exp3A_1017 : vector<128x128xf32>
    %add3A_1019 = arith.addf %add3A_1005, %get3A_1016 : vector<128x128xf32>
    %sub3A_1020 = arith.constant 9216 : i32
    %sub3A_1021 = vector.broadcast %sub3A_1020 : i32 to vector<128x128xi32>
    %sub3A_1022 = arith.subi %broadcast_in_dim3A_5, %sub3A_1021 : vector<128x128xi32>
    %eq3A_1023 = arith.cmpi eq, %iota3A, %sub3A_1022 : vector<128x128xi32>
    %jit3A_1024 = arith.constant 0.000000e+00 : f32
    %broadcast_in_dim3A_1025 = vector.broadcast %jit3A_1024 : f32 to vector<128x128xf32>
    %select_n3A_1026 = arith.select %eq3A_1023, %get3A_1016, %broadcast_in_dim3A_1025 : vector<128x128xi1>, vector<128x128xf32>
    %add3A_1027 = arith.addf %add3A_1013, %select_n3A_1026 : vector<128x128xf32>
    %get3A_1028 = arith.constant 0 : index
    %get3A_1029 = arith.constant 9344 : index
    %get3A_1030 = vector.load %arg3[%get3A_1028, %get3A_1029] : memref<128x32000xf32, #tpu.memory_space<vmem>>, vector<128x128xf32>
    %exp3A_1031 = math.exp %get3A_1030 : vector<128x128xf32>
    %add3A_1032 = arith.addf %add3A_1018, %exp3A_1031 : vector<128x128xf32>
    %add3A_1033 = arith.addf %add3A_1019, %get3A_1030 : vector<128x128xf32>
    %sub3A_1034 = arith.constant 9344 : i32
    %sub3A_1035 = vector.broadcast %sub3A_1034 : i32 to vector<128x128xi32>
    %sub3A_1036 = arith.subi %broadcast_in_dim3A_5, %sub3A_1035 : vector<128x128xi32>
    %eq3A_1037 = arith.cmpi eq, %iota3A, %sub3A_1036 : vector<128x128xi32>
    %jit3A_1038 = arith.constant 0.000000e+00 : f32
    %broadcast_in_dim3A_1039 = vector.broadcast %jit3A_1038 : f32 to vector<128x128xf32>
    %select_n3A_1040 = arith.select %eq3A_1037, %get3A_1030, %broadcast_in_dim3A_1039 : vector<128x128xi1>, vector<128x128xf32>
    %add3A_1041 = arith.addf %add3A_1027, %select_n3A_1040 : vector<128x128xf32>
    %get3A_1042 = arith.constant 0 : index
    %get3A_1043 = arith.constant 9472 : index
    %get3A_1044 = vector.load %arg3[%get3A_1042, %get3A_1043] : memref<128x32000xf32, #tpu.memory_space<vmem>>, vector<128x128xf32>
    %exp3A_1045 = math.exp %get3A_1044 : vector<128x128xf32>
    %add3A_1046 = arith.addf %add3A_1032, %exp3A_1045 : vector<128x128xf32>
    %add3A_1047 = arith.addf %add3A_1033, %get3A_1044 : vector<128x128xf32>
    %sub3A_1048 = arith.constant 9472 : i32
    %sub3A_1049 = vector.broadcast %sub3A_1048 : i32 to vector<128x128xi32>
    %sub3A_1050 = arith.subi %broadcast_in_dim3A_5, %sub3A_1049 : vector<128x128xi32>
    %eq3A_1051 = arith.cmpi eq, %iota3A, %sub3A_1050 : vector<128x128xi32>
    %jit3A_1052 = arith.constant 0.000000e+00 : f32
    %broadcast_in_dim3A_1053 = vector.broadcast %jit3A_1052 : f32 to vector<128x128xf32>
    %select_n3A_1054 = arith.select %eq3A_1051, %get3A_1044, %broadcast_in_dim3A_1053 : vector<128x128xi1>, vector<128x128xf32>
    %add3A_1055 = arith.addf %add3A_1041, %select_n3A_1054 : vector<128x128xf32>
    %get3A_1056 = arith.constant 0 : index
    %get3A_1057 = arith.constant 9600 : index
    %get3A_1058 = vector.load %arg3[%get3A_1056, %get3A_1057] : memref<128x32000xf32, #tpu.memory_space<vmem>>, vector<128x128xf32>
    %exp3A_1059 = math.exp %get3A_1058 : vector<128x128xf32>
    %add3A_1060 = arith.addf %add3A_1046, %exp3A_1059 : vector<128x128xf32>
    %add3A_1061 = arith.addf %add3A_1047, %get3A_1058 : vector<128x128xf32>
    %sub3A_1062 = arith.constant 9600 : i32
    %sub3A_1063 = vector.broadcast %sub3A_1062 : i32 to vector<128x128xi32>
    %sub3A_1064 = arith.subi %broadcast_in_dim3A_5, %sub3A_1063 : vector<128x128xi32>
    %eq3A_1065 = arith.cmpi eq, %iota3A, %sub3A_1064 : vector<128x128xi32>
    %jit3A_1066 = arith.constant 0.000000e+00 : f32
    %broadcast_in_dim3A_1067 = vector.broadcast %jit3A_1066 : f32 to vector<128x128xf32>
    %select_n3A_1068 = arith.select %eq3A_1065, %get3A_1058, %broadcast_in_dim3A_1067 : vector<128x128xi1>, vector<128x128xf32>
    %add3A_1069 = arith.addf %add3A_1055, %select_n3A_1068 : vector<128x128xf32>
    %get3A_1070 = arith.constant 0 : index
    %get3A_1071 = arith.constant 9728 : index
    %get3A_1072 = vector.load %arg3[%get3A_1070, %get3A_1071] : memref<128x32000xf32, #tpu.memory_space<vmem>>, vector<128x128xf32>
    %exp3A_1073 = math.exp %get3A_1072 : vector<128x128xf32>
    %add3A_1074 = arith.addf %add3A_1060, %exp3A_1073 : vector<128x128xf32>
    %add3A_1075 = arith.addf %add3A_1061, %get3A_1072 : vector<128x128xf32>
    %sub3A_1076 = arith.constant 9728 : i32
    %sub3A_1077 = vector.broadcast %sub3A_1076 : i32 to vector<128x128xi32>
    %sub3A_1078 = arith.subi %broadcast_in_dim3A_5, %sub3A_1077 : vector<128x128xi32>
    %eq3A_1079 = arith.cmpi eq, %iota3A, %sub3A_1078 : vector<128x128xi32>
    %jit3A_1080 = arith.constant 0.000000e+00 : f32
    %broadcast_in_dim3A_1081 = vector.broadcast %jit3A_1080 : f32 to vector<128x128xf32>
    %select_n3A_1082 = arith.select %eq3A_1079, %get3A_1072, %broadcast_in_dim3A_1081 : vector<128x128xi1>, vector<128x128xf32>
    %add3A_1083 = arith.addf %add3A_1069, %select_n3A_1082 : vector<128x128xf32>
    %get3A_1084 = arith.constant 0 : index
    %get3A_1085 = arith.constant 9856 : index
    %get3A_1086 = vector.load %arg3[%get3A_1084, %get3A_1085] : memref<128x32000xf32, #tpu.memory_space<vmem>>, vector<128x128xf32>
    %exp3A_1087 = math.exp %get3A_1086 : vector<128x128xf32>
    %add3A_1088 = arith.addf %add3A_1074, %exp3A_1087 : vector<128x128xf32>
    %add3A_1089 = arith.addf %add3A_1075, %get3A_1086 : vector<128x128xf32>
    %sub3A_1090 = arith.constant 9856 : i32
    %sub3A_1091 = vector.broadcast %sub3A_1090 : i32 to vector<128x128xi32>
    %sub3A_1092 = arith.subi %broadcast_in_dim3A_5, %sub3A_1091 : vector<128x128xi32>
    %eq3A_1093 = arith.cmpi eq, %iota3A, %sub3A_1092 : vector<128x128xi32>
    %jit3A_1094 = arith.constant 0.000000e+00 : f32
    %broadcast_in_dim3A_1095 = vector.broadcast %jit3A_1094 : f32 to vector<128x128xf32>
    %select_n3A_1096 = arith.select %eq3A_1093, %get3A_1086, %broadcast_in_dim3A_1095 : vector<128x128xi1>, vector<128x128xf32>
    %add3A_1097 = arith.addf %add3A_1083, %select_n3A_1096 : vector<128x128xf32>
    %get3A_1098 = arith.constant 0 : index
    %get3A_1099 = arith.constant 9984 : index
    %get3A_1100 = vector.load %arg3[%get3A_1098, %get3A_1099] : memref<128x32000xf32, #tpu.memory_space<vmem>>, vector<128x128xf32>
    %exp3A_1101 = math.exp %get3A_1100 : vector<128x128xf32>
    %add3A_1102 = arith.addf %add3A_1088, %exp3A_1101 : vector<128x128xf32>
    %add3A_1103 = arith.addf %add3A_1089, %get3A_1100 : vector<128x128xf32>
    %sub3A_1104 = arith.constant 9984 : i32
    %sub3A_1105 = vector.broadcast %sub3A_1104 : i32 to vector<128x128xi32>
    %sub3A_1106 = arith.subi %broadcast_in_dim3A_5, %sub3A_1105 : vector<128x128xi32>
    %eq3A_1107 = arith.cmpi eq, %iota3A, %sub3A_1106 : vector<128x128xi32>
    %jit3A_1108 = arith.constant 0.000000e+00 : f32
    %broadcast_in_dim3A_1109 = vector.broadcast %jit3A_1108 : f32 to vector<128x128xf32>
    %select_n3A_1110 = arith.select %eq3A_1107, %get3A_1100, %broadcast_in_dim3A_1109 : vector<128x128xi1>, vector<128x128xf32>
    %add3A_1111 = arith.addf %add3A_1097, %select_n3A_1110 : vector<128x128xf32>
    %get3A_1112 = arith.constant 0 : index
    %get3A_1113 = arith.constant 10112 : index
    %get3A_1114 = vector.load %arg3[%get3A_1112, %get3A_1113] : memref<128x32000xf32, #tpu.memory_space<vmem>>, vector<128x128xf32>
    %exp3A_1115 = math.exp %get3A_1114 : vector<128x128xf32>
    %add3A_1116 = arith.addf %add3A_1102, %exp3A_1115 : vector<128x128xf32>
    %add3A_1117 = arith.addf %add3A_1103, %get3A_1114 : vector<128x128xf32>
    %sub3A_1118 = arith.constant 10112 : i32
    %sub3A_1119 = vector.broadcast %sub3A_1118 : i32 to vector<128x128xi32>
    %sub3A_1120 = arith.subi %broadcast_in_dim3A_5, %sub3A_1119 : vector<128x128xi32>
    %eq3A_1121 = arith.cmpi eq, %iota3A, %sub3A_1120 : vector<128x128xi32>
    %jit3A_1122 = arith.constant 0.000000e+00 : f32
    %broadcast_in_dim3A_1123 = vector.broadcast %jit3A_1122 : f32 to vector<128x128xf32>
    %select_n3A_1124 = arith.select %eq3A_1121, %get3A_1114, %broadcast_in_dim3A_1123 : vector<128x128xi1>, vector<128x128xf32>
    %add3A_1125 = arith.addf %add3A_1111, %select_n3A_1124 : vector<128x128xf32>
    %get3A_1126 = arith.constant 0 : index
    %get3A_1127 = arith.constant 10240 : index
    %get3A_1128 = vector.load %arg3[%get3A_1126, %get3A_1127] : memref<128x32000xf32, #tpu.memory_space<vmem>>, vector<128x128xf32>
    %exp3A_1129 = math.exp %get3A_1128 : vector<128x128xf32>
    %add3A_1130 = arith.addf %add3A_1116, %exp3A_1129 : vector<128x128xf32>
    %add3A_1131 = arith.addf %add3A_1117, %get3A_1128 : vector<128x128xf32>
    %sub3A_1132 = arith.constant 10240 : i32
    %sub3A_1133 = vector.broadcast %sub3A_1132 : i32 to vector<128x128xi32>
    %sub3A_1134 = arith.subi %broadcast_in_dim3A_5, %sub3A_1133 : vector<128x128xi32>
    %eq3A_1135 = arith.cmpi eq, %iota3A, %sub3A_1134 : vector<128x128xi32>
    %jit3A_1136 = arith.constant 0.000000e+00 : f32
    %broadcast_in_dim3A_1137 = vector.broadcast %jit3A_1136 : f32 to vector<128x128xf32>
    %select_n3A_1138 = arith.select %eq3A_1135, %get3A_1128, %broadcast_in_dim3A_1137 : vector<128x128xi1>, vector<128x128xf32>
    %add3A_1139 = arith.addf %add3A_1125, %select_n3A_1138 : vector<128x128xf32>
    %get3A_1140 = arith.constant 0 : index
    %get3A_1141 = arith.constant 10368 : index
    %get3A_1142 = vector.load %arg3[%get3A_1140, %get3A_1141] : memref<128x32000xf32, #tpu.memory_space<vmem>>, vector<128x128xf32>
    %exp3A_1143 = math.exp %get3A_1142 : vector<128x128xf32>
    %add3A_1144 = arith.addf %add3A_1130, %exp3A_1143 : vector<128x128xf32>
    %add3A_1145 = arith.addf %add3A_1131, %get3A_1142 : vector<128x128xf32>
    %sub3A_1146 = arith.constant 10368 : i32
    %sub3A_1147 = vector.broadcast %sub3A_1146 : i32 to vector<128x128xi32>
    %sub3A_1148 = arith.subi %broadcast_in_dim3A_5, %sub3A_1147 : vector<128x128xi32>
    %eq3A_1149 = arith.cmpi eq, %iota3A, %sub3A_1148 : vector<128x128xi32>
    %jit3A_1150 = arith.constant 0.000000e+00 : f32
    %broadcast_in_dim3A_1151 = vector.broadcast %jit3A_1150 : f32 to vector<128x128xf32>
    %select_n3A_1152 = arith.select %eq3A_1149, %get3A_1142, %broadcast_in_dim3A_1151 : vector<128x128xi1>, vector<128x128xf32>
    %add3A_1153 = arith.addf %add3A_1139, %select_n3A_1152 : vector<128x128xf32>
    %get3A_1154 = arith.constant 0 : index
    %get3A_1155 = arith.constant 10496 : index
    %get3A_1156 = vector.load %arg3[%get3A_1154, %get3A_1155] : memref<128x32000xf32, #tpu.memory_space<vmem>>, vector<128x128xf32>
    %exp3A_1157 = math.exp %get3A_1156 : vector<128x128xf32>
    %add3A_1158 = arith.addf %add3A_1144, %exp3A_1157 : vector<128x128xf32>
    %add3A_1159 = arith.addf %add3A_1145, %get3A_1156 : vector<128x128xf32>
    %sub3A_1160 = arith.constant 10496 : i32
    %sub3A_1161 = vector.broadcast %sub3A_1160 : i32 to vector<128x128xi32>
    %sub3A_1162 = arith.subi %broadcast_in_dim3A_5, %sub3A_1161 : vector<128x128xi32>
    %eq3A_1163 = arith.cmpi eq, %iota3A, %sub3A_1162 : vector<128x128xi32>
    %jit3A_1164 = arith.constant 0.000000e+00 : f32
    %broadcast_in_dim3A_1165 = vector.broadcast %jit3A_1164 : f32 to vector<128x128xf32>
    %select_n3A_1166 = arith.select %eq3A_1163, %get3A_1156, %broadcast_in_dim3A_1165 : vector<128x128xi1>, vector<128x128xf32>
    %add3A_1167 = arith.addf %add3A_1153, %select_n3A_1166 : vector<128x128xf32>
    %get3A_1168 = arith.constant 0 : index
    %get3A_1169 = arith.constant 10624 : index
    %get3A_1170 = vector.load %arg3[%get3A_1168, %get3A_1169] : memref<128x32000xf32, #tpu.memory_space<vmem>>, vector<128x128xf32>
    %exp3A_1171 = math.exp %get3A_1170 : vector<128x128xf32>
    %add3A_1172 = arith.addf %add3A_1158, %exp3A_1171 : vector<128x128xf32>
    %add3A_1173 = arith.addf %add3A_1159, %get3A_1170 : vector<128x128xf32>
    %sub3A_1174 = arith.constant 10624 : i32
    %sub3A_1175 = vector.broadcast %sub3A_1174 : i32 to vector<128x128xi32>
    %sub3A_1176 = arith.subi %broadcast_in_dim3A_5, %sub3A_1175 : vector<128x128xi32>
    %eq3A_1177 = arith.cmpi eq, %iota3A, %sub3A_1176 : vector<128x128xi32>
    %jit3A_1178 = arith.constant 0.000000e+00 : f32
    %broadcast_in_dim3A_1179 = vector.broadcast %jit3A_1178 : f32 to vector<128x128xf32>
    %select_n3A_1180 = arith.select %eq3A_1177, %get3A_1170, %broadcast_in_dim3A_1179 : vector<128x128xi1>, vector<128x128xf32>
    %add3A_1181 = arith.addf %add3A_1167, %select_n3A_1180 : vector<128x128xf32>
    %get3A_1182 = arith.constant 0 : index
    %get3A_1183 = arith.constant 10752 : index
    %get3A_1184 = vector.load %arg3[%get3A_1182, %get3A_1183] : memref<128x32000xf32, #tpu.memory_space<vmem>>, vector<128x128xf32>
    %exp3A_1185 = math.exp %get3A_1184 : vector<128x128xf32>
    %add3A_1186 = arith.addf %add3A_1172, %exp3A_1185 : vector<128x128xf32>
    %add3A_1187 = arith.addf %add3A_1173, %get3A_1184 : vector<128x128xf32>
    %sub3A_1188 = arith.constant 10752 : i32
    %sub3A_1189 = vector.broadcast %sub3A_1188 : i32 to vector<128x128xi32>
    %sub3A_1190 = arith.subi %broadcast_in_dim3A_5, %sub3A_1189 : vector<128x128xi32>
    %eq3A_1191 = arith.cmpi eq, %iota3A, %sub3A_1190 : vector<128x128xi32>
    %jit3A_1192 = arith.constant 0.000000e+00 : f32
    %broadcast_in_dim3A_1193 = vector.broadcast %jit3A_1192 : f32 to vector<128x128xf32>
    %select_n3A_1194 = arith.select %eq3A_1191, %get3A_1184, %broadcast_in_dim3A_1193 : vector<128x128xi1>, vector<128x128xf32>
    %add3A_1195 = arith.addf %add3A_1181, %select_n3A_1194 : vector<128x128xf32>
    %get3A_1196 = arith.constant 0 : index
    %get3A_1197 = arith.constant 10880 : index
    %get3A_1198 = vector.load %arg3[%get3A_1196, %get3A_1197] : memref<128x32000xf32, #tpu.memory_space<vmem>>, vector<128x128xf32>
    %exp3A_1199 = math.exp %get3A_1198 : vector<128x128xf32>
    %add3A_1200 = arith.addf %add3A_1186, %exp3A_1199 : vector<128x128xf32>
    %add3A_1201 = arith.addf %add3A_1187, %get3A_1198 : vector<128x128xf32>
    %sub3A_1202 = arith.constant 10880 : i32
    %sub3A_1203 = vector.broadcast %sub3A_1202 : i32 to vector<128x128xi32>
    %sub3A_1204 = arith.subi %broadcast_in_dim3A_5, %sub3A_1203 : vector<128x128xi32>
    %eq3A_1205 = arith.cmpi eq, %iota3A, %sub3A_1204 : vector<128x128xi32>
    %jit3A_1206 = arith.constant 0.000000e+00 : f32
    %broadcast_in_dim3A_1207 = vector.broadcast %jit3A_1206 : f32 to vector<128x128xf32>
    %select_n3A_1208 = arith.select %eq3A_1205, %get3A_1198, %broadcast_in_dim3A_1207 : vector<128x128xi1>, vector<128x128xf32>
    %add3A_1209 = arith.addf %add3A_1195, %select_n3A_1208 : vector<128x128xf32>
    %get3A_1210 = arith.constant 0 : index
    %get3A_1211 = arith.constant 11008 : index
    %get3A_1212 = vector.load %arg3[%get3A_1210, %get3A_1211] : memref<128x32000xf32, #tpu.memory_space<vmem>>, vector<128x128xf32>
    %exp3A_1213 = math.exp %get3A_1212 : vector<128x128xf32>
    %add3A_1214 = arith.addf %add3A_1200, %exp3A_1213 : vector<128x128xf32>
    %add3A_1215 = arith.addf %add3A_1201, %get3A_1212 : vector<128x128xf32>
    %sub3A_1216 = arith.constant 11008 : i32
    %sub3A_1217 = vector.broadcast %sub3A_1216 : i32 to vector<128x128xi32>
    %sub3A_1218 = arith.subi %broadcast_in_dim3A_5, %sub3A_1217 : vector<128x128xi32>
    %eq3A_1219 = arith.cmpi eq, %iota3A, %sub3A_1218 : vector<128x128xi32>
    %jit3A_1220 = arith.constant 0.000000e+00 : f32
    %broadcast_in_dim3A_1221 = vector.broadcast %jit3A_1220 : f32 to vector<128x128xf32>
    %select_n3A_1222 = arith.select %eq3A_1219, %get3A_1212, %broadcast_in_dim3A_1221 : vector<128x128xi1>, vector<128x128xf32>
    %add3A_1223 = arith.addf %add3A_1209, %select_n3A_1222 : vector<128x128xf32>
    %get3A_1224 = arith.constant 0 : index
    %get3A_1225 = arith.constant 11136 : index
    %get3A_1226 = vector.load %arg3[%get3A_1224, %get3A_1225] : memref<128x32000xf32, #tpu.memory_space<vmem>>, vector<128x128xf32>
    %exp3A_1227 = math.exp %get3A_1226 : vector<128x128xf32>
    %add3A_1228 = arith.addf %add3A_1214, %exp3A_1227 : vector<128x128xf32>
    %add3A_1229 = arith.addf %add3A_1215, %get3A_1226 : vector<128x128xf32>
    %sub3A_1230 = arith.constant 11136 : i32
    %sub3A_1231 = vector.broadcast %sub3A_1230 : i32 to vector<128x128xi32>
    %sub3A_1232 = arith.subi %broadcast_in_dim3A_5, %sub3A_1231 : vector<128x128xi32>
    %eq3A_1233 = arith.cmpi eq, %iota3A, %sub3A_1232 : vector<128x128xi32>
    %jit3A_1234 = arith.constant 0.000000e+00 : f32
    %broadcast_in_dim3A_1235 = vector.broadcast %jit3A_1234 : f32 to vector<128x128xf32>
    %select_n3A_1236 = arith.select %eq3A_1233, %get3A_1226, %broadcast_in_dim3A_1235 : vector<128x128xi1>, vector<128x128xf32>
    %add3A_1237 = arith.addf %add3A_1223, %select_n3A_1236 : vector<128x128xf32>
    %get3A_1238 = arith.constant 0 : index
    %get3A_1239 = arith.constant 11264 : index
    %get3A_1240 = vector.load %arg3[%get3A_1238, %get3A_1239] : memref<128x32000xf32, #tpu.memory_space<vmem>>, vector<128x128xf32>
    %exp3A_1241 = math.exp %get3A_1240 : vector<128x128xf32>
    %add3A_1242 = arith.addf %add3A_1228, %exp3A_1241 : vector<128x128xf32>
    %add3A_1243 = arith.addf %add3A_1229, %get3A_1240 : vector<128x128xf32>
    %sub3A_1244 = arith.constant 11264 : i32
    %sub3A_1245 = vector.broadcast %sub3A_1244 : i32 to vector<128x128xi32>
    %sub3A_1246 = arith.subi %broadcast_in_dim3A_5, %sub3A_1245 : vector<128x128xi32>
    %eq3A_1247 = arith.cmpi eq, %iota3A, %sub3A_1246 : vector<128x128xi32>
    %jit3A_1248 = arith.constant 0.000000e+00 : f32
    %broadcast_in_dim3A_1249 = vector.broadcast %jit3A_1248 : f32 to vector<128x128xf32>
    %select_n3A_1250 = arith.select %eq3A_1247, %get3A_1240, %broadcast_in_dim3A_1249 : vector<128x128xi1>, vector<128x128xf32>
    %add3A_1251 = arith.addf %add3A_1237, %select_n3A_1250 : vector<128x128xf32>
    %get3A_1252 = arith.constant 0 : index
    %get3A_1253 = arith.constant 11392 : index
    %get3A_1254 = vector.load %arg3[%get3A_1252, %get3A_1253] : memref<128x32000xf32, #tpu.memory_space<vmem>>, vector<128x128xf32>
    %exp3A_1255 = math.exp %get3A_1254 : vector<128x128xf32>
    %add3A_1256 = arith.addf %add3A_1242, %exp3A_1255 : vector<128x128xf32>
    %add3A_1257 = arith.addf %add3A_1243, %get3A_1254 : vector<128x128xf32>
    %sub3A_1258 = arith.constant 11392 : i32
    %sub3A_1259 = vector.broadcast %sub3A_1258 : i32 to vector<128x128xi32>
    %sub3A_1260 = arith.subi %broadcast_in_dim3A_5, %sub3A_1259 : vector<128x128xi32>
    %eq3A_1261 = arith.cmpi eq, %iota3A, %sub3A_1260 : vector<128x128xi32>
    %jit3A_1262 = arith.constant 0.000000e+00 : f32
    %broadcast_in_dim3A_1263 = vector.broadcast %jit3A_1262 : f32 to vector<128x128xf32>
    %select_n3A_1264 = arith.select %eq3A_1261, %get3A_1254, %broadcast_in_dim3A_1263 : vector<128x128xi1>, vector<128x128xf32>
    %add3A_1265 = arith.addf %add3A_1251, %select_n3A_1264 : vector<128x128xf32>
    %get3A_1266 = arith.constant 0 : index
    %get3A_1267 = arith.constant 11520 : index
    %get3A_1268 = vector.load %arg3[%get3A_1266, %get3A_1267] : memref<128x32000xf32, #tpu.memory_space<vmem>>, vector<128x128xf32>
    %exp3A_1269 = math.exp %get3A_1268 : vector<128x128xf32>
    %add3A_1270 = arith.addf %add3A_1256, %exp3A_1269 : vector<128x128xf32>
    %add3A_1271 = arith.addf %add3A_1257, %get3A_1268 : vector<128x128xf32>
    %sub3A_1272 = arith.constant 11520 : i32
    %sub3A_1273 = vector.broadcast %sub3A_1272 : i32 to vector<128x128xi32>
    %sub3A_1274 = arith.subi %broadcast_in_dim3A_5, %sub3A_1273 : vector<128x128xi32>
    %eq3A_1275 = arith.cmpi eq, %iota3A, %sub3A_1274 : vector<128x128xi32>
    %jit3A_1276 = arith.constant 0.000000e+00 : f32
    %broadcast_in_dim3A_1277 = vector.broadcast %jit3A_1276 : f32 to vector<128x128xf32>
    %select_n3A_1278 = arith.select %eq3A_1275, %get3A_1268, %broadcast_in_dim3A_1277 : vector<128x128xi1>, vector<128x128xf32>
    %add3A_1279 = arith.addf %add3A_1265, %select_n3A_1278 : vector<128x128xf32>
    %get3A_1280 = arith.constant 0 : index
    %get3A_1281 = arith.constant 11648 : index
    %get3A_1282 = vector.load %arg3[%get3A_1280, %get3A_1281] : memref<128x32000xf32, #tpu.memory_space<vmem>>, vector<128x128xf32>
    %exp3A_1283 = math.exp %get3A_1282 : vector<128x128xf32>
    %add3A_1284 = arith.addf %add3A_1270, %exp3A_1283 : vector<128x128xf32>
    %add3A_1285 = arith.addf %add3A_1271, %get3A_1282 : vector<128x128xf32>
    %sub3A_1286 = arith.constant 11648 : i32
    %sub3A_1287 = vector.broadcast %sub3A_1286 : i32 to vector<128x128xi32>
    %sub3A_1288 = arith.subi %broadcast_in_dim3A_5, %sub3A_1287 : vector<128x128xi32>
    %eq3A_1289 = arith.cmpi eq, %iota3A, %sub3A_1288 : vector<128x128xi32>
    %jit3A_1290 = arith.constant 0.000000e+00 : f32
    %broadcast_in_dim3A_1291 = vector.broadcast %jit3A_1290 : f32 to vector<128x128xf32>
    %select_n3A_1292 = arith.select %eq3A_1289, %get3A_1282, %broadcast_in_dim3A_1291 : vector<128x128xi1>, vector<128x128xf32>
    %add3A_1293 = arith.addf %add3A_1279, %select_n3A_1292 : vector<128x128xf32>
    %get3A_1294 = arith.constant 0 : index
    %get3A_1295 = arith.constant 11776 : index
    %get3A_1296 = vector.load %arg3[%get3A_1294, %get3A_1295] : memref<128x32000xf32, #tpu.memory_space<vmem>>, vector<128x128xf32>
    %exp3A_1297 = math.exp %get3A_1296 : vector<128x128xf32>
    %add3A_1298 = arith.addf %add3A_1284, %exp3A_1297 : vector<128x128xf32>
    %add3A_1299 = arith.addf %add3A_1285, %get3A_1296 : vector<128x128xf32>
    %sub3A_1300 = arith.constant 11776 : i32
    %sub3A_1301 = vector.broadcast %sub3A_1300 : i32 to vector<128x128xi32>
    %sub3A_1302 = arith.subi %broadcast_in_dim3A_5, %sub3A_1301 : vector<128x128xi32>
    %eq3A_1303 = arith.cmpi eq, %iota3A, %sub3A_1302 : vector<128x128xi32>
    %jit3A_1304 = arith.constant 0.000000e+00 : f32
    %broadcast_in_dim3A_1305 = vector.broadcast %jit3A_1304 : f32 to vector<128x128xf32>
    %select_n3A_1306 = arith.select %eq3A_1303, %get3A_1296, %broadcast_in_dim3A_1305 : vector<128x128xi1>, vector<128x128xf32>
    %add3A_1307 = arith.addf %add3A_1293, %select_n3A_1306 : vector<128x128xf32>
    %get3A_1308 = arith.constant 0 : index
    %get3A_1309 = arith.constant 11904 : index
    %get3A_1310 = vector.load %arg3[%get3A_1308, %get3A_1309] : memref<128x32000xf32, #tpu.memory_space<vmem>>, vector<128x128xf32>
    %exp3A_1311 = math.exp %get3A_1310 : vector<128x128xf32>
    %add3A_1312 = arith.addf %add3A_1298, %exp3A_1311 : vector<128x128xf32>
    %add3A_1313 = arith.addf %add3A_1299, %get3A_1310 : vector<128x128xf32>
    %sub3A_1314 = arith.constant 11904 : i32
    %sub3A_1315 = vector.broadcast %sub3A_1314 : i32 to vector<128x128xi32>
    %sub3A_1316 = arith.subi %broadcast_in_dim3A_5, %sub3A_1315 : vector<128x128xi32>
    %eq3A_1317 = arith.cmpi eq, %iota3A, %sub3A_1316 : vector<128x128xi32>
    %jit3A_1318 = arith.constant 0.000000e+00 : f32
    %broadcast_in_dim3A_1319 = vector.broadcast %jit3A_1318 : f32 to vector<128x128xf32>
    %select_n3A_1320 = arith.select %eq3A_1317, %get3A_1310, %broadcast_in_dim3A_1319 : vector<128x128xi1>, vector<128x128xf32>
    %add3A_1321 = arith.addf %add3A_1307, %select_n3A_1320 : vector<128x128xf32>
    %get3A_1322 = arith.constant 0 : index
    %get3A_1323 = arith.constant 12032 : index
    %get3A_1324 = vector.load %arg3[%get3A_1322, %get3A_1323] : memref<128x32000xf32, #tpu.memory_space<vmem>>, vector<128x128xf32>
    %exp3A_1325 = math.exp %get3A_1324 : vector<128x128xf32>
    %add3A_1326 = arith.addf %add3A_1312, %exp3A_1325 : vector<128x128xf32>
    %add3A_1327 = arith.addf %add3A_1313, %get3A_1324 : vector<128x128xf32>
    %sub3A_1328 = arith.constant 12032 : i32
    %sub3A_1329 = vector.broadcast %sub3A_1328 : i32 to vector<128x128xi32>
    %sub3A_1330 = arith.subi %broadcast_in_dim3A_5, %sub3A_1329 : vector<128x128xi32>
    %eq3A_1331 = arith.cmpi eq, %iota3A, %sub3A_1330 : vector<128x128xi32>
    %jit3A_1332 = arith.constant 0.000000e+00 : f32
    %broadcast_in_dim3A_1333 = vector.broadcast %jit3A_1332 : f32 to vector<128x128xf32>
    %select_n3A_1334 = arith.select %eq3A_1331, %get3A_1324, %broadcast_in_dim3A_1333 : vector<128x128xi1>, vector<128x128xf32>
    %add3A_1335 = arith.addf %add3A_1321, %select_n3A_1334 : vector<128x128xf32>
    %get3A_1336 = arith.constant 0 : index
    %get3A_1337 = arith.constant 12160 : index
    %get3A_1338 = vector.load %arg3[%get3A_1336, %get3A_1337] : memref<128x32000xf32, #tpu.memory_space<vmem>>, vector<128x128xf32>
    %exp3A_1339 = math.exp %get3A_1338 : vector<128x128xf32>
    %add3A_1340 = arith.addf %add3A_1326, %exp3A_1339 : vector<128x128xf32>
    %add3A_1341 = arith.addf %add3A_1327, %get3A_1338 : vector<128x128xf32>
    %sub3A_1342 = arith.constant 12160 : i32
    %sub3A_1343 = vector.broadcast %sub3A_1342 : i32 to vector<128x128xi32>
    %sub3A_1344 = arith.subi %broadcast_in_dim3A_5, %sub3A_1343 : vector<128x128xi32>
    %eq3A_1345 = arith.cmpi eq, %iota3A, %sub3A_1344 : vector<128x128xi32>
    %jit3A_1346 = arith.constant 0.000000e+00 : f32
    %broadcast_in_dim3A_1347 = vector.broadcast %jit3A_1346 : f32 to vector<128x128xf32>
    %select_n3A_1348 = arith.select %eq3A_1345, %get3A_1338, %broadcast_in_dim3A_1347 : vector<128x128xi1>, vector<128x128xf32>
    %add3A_1349 = arith.addf %add3A_1335, %select_n3A_1348 : vector<128x128xf32>
    %get3A_1350 = arith.constant 0 : index
    %get3A_1351 = arith.constant 12288 : index
    %get3A_1352 = vector.load %arg3[%get3A_1350, %get3A_1351] : memref<128x32000xf32, #tpu.memory_space<vmem>>, vector<128x128xf32>
    %exp3A_1353 = math.exp %get3A_1352 : vector<128x128xf32>
    %add3A_1354 = arith.addf %add3A_1340, %exp3A_1353 : vector<128x128xf32>
    %add3A_1355 = arith.addf %add3A_1341, %get3A_1352 : vector<128x128xf32>
    %sub3A_1356 = arith.constant 12288 : i32
    %sub3A_1357 = vector.broadcast %sub3A_1356 : i32 to vector<128x128xi32>
    %sub3A_1358 = arith.subi %broadcast_in_dim3A_5, %sub3A_1357 : vector<128x128xi32>
    %eq3A_1359 = arith.cmpi eq, %iota3A, %sub3A_1358 : vector<128x128xi32>
    %jit3A_1360 = arith.constant 0.000000e+00 : f32
    %broadcast_in_dim3A_1361 = vector.broadcast %jit3A_1360 : f32 to vector<128x128xf32>
    %select_n3A_1362 = arith.select %eq3A_1359, %get3A_1352, %broadcast_in_dim3A_1361 : vector<128x128xi1>, vector<128x128xf32>
    %add3A_1363 = arith.addf %add3A_1349, %select_n3A_1362 : vector<128x128xf32>
    %get3A_1364 = arith.constant 0 : index
    %get3A_1365 = arith.constant 12416 : index
    %get3A_1366 = vector.load %arg3[%get3A_1364, %get3A_1365] : memref<128x32000xf32, #tpu.memory_space<vmem>>, vector<128x128xf32>
    %exp3A_1367 = math.exp %get3A_1366 : vector<128x128xf32>
    %add3A_1368 = arith.addf %add3A_1354, %exp3A_1367 : vector<128x128xf32>
    %add3A_1369 = arith.addf %add3A_1355, %get3A_1366 : vector<128x128xf32>
    %sub3A_1370 = arith.constant 12416 : i32
    %sub3A_1371 = vector.broadcast %sub3A_1370 : i32 to vector<128x128xi32>
    %sub3A_1372 = arith.subi %broadcast_in_dim3A_5, %sub3A_1371 : vector<128x128xi32>
    %eq3A_1373 = arith.cmpi eq, %iota3A, %sub3A_1372 : vector<128x128xi32>
    %jit3A_1374 = arith.constant 0.000000e+00 : f32
    %broadcast_in_dim3A_1375 = vector.broadcast %jit3A_1374 : f32 to vector<128x128xf32>
    %select_n3A_1376 = arith.select %eq3A_1373, %get3A_1366, %broadcast_in_dim3A_1375 : vector<128x128xi1>, vector<128x128xf32>
    %add3A_1377 = arith.addf %add3A_1363, %select_n3A_1376 : vector<128x128xf32>
    %get3A_1378 = arith.constant 0 : index
    %get3A_1379 = arith.constant 12544 : index
    %get3A_1380 = vector.load %arg3[%get3A_1378, %get3A_1379] : memref<128x32000xf32, #tpu.memory_space<vmem>>, vector<128x128xf32>
    %exp3A_1381 = math.exp %get3A_1380 : vector<128x128xf32>
    %add3A_1382 = arith.addf %add3A_1368, %exp3A_1381 : vector<128x128xf32>
    %add3A_1383 = arith.addf %add3A_1369, %get3A_1380 : vector<128x128xf32>
    %sub3A_1384 = arith.constant 12544 : i32
    %sub3A_1385 = vector.broadcast %sub3A_1384 : i32 to vector<128x128xi32>
    %sub3A_1386 = arith.subi %broadcast_in_dim3A_5, %sub3A_1385 : vector<128x128xi32>
    %eq3A_1387 = arith.cmpi eq, %iota3A, %sub3A_1386 : vector<128x128xi32>
    %jit3A_1388 = arith.constant 0.000000e+00 : f32
    %broadcast_in_dim3A_1389 = vector.broadcast %jit3A_1388 : f32 to vector<128x128xf32>
    %select_n3A_1390 = arith.select %eq3A_1387, %get3A_1380, %broadcast_in_dim3A_1389 : vector<128x128xi1>, vector<128x128xf32>
    %add3A_1391 = arith.addf %add3A_1377, %select_n3A_1390 : vector<128x128xf32>
    %get3A_1392 = arith.constant 0 : index
    %get3A_1393 = arith.constant 12672 : index
    %get3A_1394 = vector.load %arg3[%get3A_1392, %get3A_1393] : memref<128x32000xf32, #tpu.memory_space<vmem>>, vector<128x128xf32>
    %exp3A_1395 = math.exp %get3A_1394 : vector<128x128xf32>
    %add3A_1396 = arith.addf %add3A_1382, %exp3A_1395 : vector<128x128xf32>
    %add3A_1397 = arith.addf %add3A_1383, %get3A_1394 : vector<128x128xf32>
    %sub3A_1398 = arith.constant 12672 : i32
    %sub3A_1399 = vector.broadcast %sub3A_1398 : i32 to vector<128x128xi32>
    %sub3A_1400 = arith.subi %broadcast_in_dim3A_5, %sub3A_1399 : vector<128x128xi32>
    %eq3A_1401 = arith.cmpi eq, %iota3A, %sub3A_1400 : vector<128x128xi32>
    %jit3A_1402 = arith.constant 0.000000e+00 : f32
    %broadcast_in_dim3A_1403 = vector.broadcast %jit3A_1402 : f32 to vector<128x128xf32>
    %select_n3A_1404 = arith.select %eq3A_1401, %get3A_1394, %broadcast_in_dim3A_1403 : vector<128x128xi1>, vector<128x128xf32>
    %add3A_1405 = arith.addf %add3A_1391, %select_n3A_1404 : vector<128x128xf32>
    %get3A_1406 = arith.constant 0 : index
    %get3A_1407 = arith.constant 12800 : index
    %get3A_1408 = vector.load %arg3[%get3A_1406, %get3A_1407] : memref<128x32000xf32, #tpu.memory_space<vmem>>, vector<128x128xf32>
    %exp3A_1409 = math.exp %get3A_1408 : vector<128x128xf32>
    %add3A_1410 = arith.addf %add3A_1396, %exp3A_1409 : vector<128x128xf32>
    %add3A_1411 = arith.addf %add3A_1397, %get3A_1408 : vector<128x128xf32>
    %sub3A_1412 = arith.constant 12800 : i32
    %sub3A_1413 = vector.broadcast %sub3A_1412 : i32 to vector<128x128xi32>
    %sub3A_1414 = arith.subi %broadcast_in_dim3A_5, %sub3A_1413 : vector<128x128xi32>
    %eq3A_1415 = arith.cmpi eq, %iota3A, %sub3A_1414 : vector<128x128xi32>
    %jit3A_1416 = arith.constant 0.000000e+00 : f32
    %broadcast_in_dim3A_1417 = vector.broadcast %jit3A_1416 : f32 to vector<128x128xf32>
    %select_n3A_1418 = arith.select %eq3A_1415, %get3A_1408, %broadcast_in_dim3A_1417 : vector<128x128xi1>, vector<128x128xf32>
    %add3A_1419 = arith.addf %add3A_1405, %select_n3A_1418 : vector<128x128xf32>
    %get3A_1420 = arith.constant 0 : index
    %get3A_1421 = arith.constant 12928 : index
    %get3A_1422 = vector.load %arg3[%get3A_1420, %get3A_1421] : memref<128x32000xf32, #tpu.memory_space<vmem>>, vector<128x128xf32>
    %exp3A_1423 = math.exp %get3A_1422 : vector<128x128xf32>
    %add3A_1424 = arith.addf %add3A_1410, %exp3A_1423 : vector<128x128xf32>
    %add3A_1425 = arith.addf %add3A_1411, %get3A_1422 : vector<128x128xf32>
    %sub3A_1426 = arith.constant 12928 : i32
    %sub3A_1427 = vector.broadcast %sub3A_1426 : i32 to vector<128x128xi32>
    %sub3A_1428 = arith.subi %broadcast_in_dim3A_5, %sub3A_1427 : vector<128x128xi32>
    %eq3A_1429 = arith.cmpi eq, %iota3A, %sub3A_1428 : vector<128x128xi32>
    %jit3A_1430 = arith.constant 0.000000e+00 : f32
    %broadcast_in_dim3A_1431 = vector.broadcast %jit3A_1430 : f32 to vector<128x128xf32>
    %select_n3A_1432 = arith.select %eq3A_1429, %get3A_1422, %broadcast_in_dim3A_1431 : vector<128x128xi1>, vector<128x128xf32>
    %add3A_1433 = arith.addf %add3A_1419, %select_n3A_1432 : vector<128x128xf32>
    %get3A_1434 = arith.constant 0 : index
    %get3A_1435 = arith.constant 13056 : index
    %get3A_1436 = vector.load %arg3[%get3A_1434, %get3A_1435] : memref<128x32000xf32, #tpu.memory_space<vmem>>, vector<128x128xf32>
    %exp3A_1437 = math.exp %get3A_1436 : vector<128x128xf32>
    %add3A_1438 = arith.addf %add3A_1424, %exp3A_1437 : vector<128x128xf32>
    %add3A_1439 = arith.addf %add3A_1425, %get3A_1436 : vector<128x128xf32>
    %sub3A_1440 = arith.constant 13056 : i32
    %sub3A_1441 = vector.broadcast %sub3A_1440 : i32 to vector<128x128xi32>
    %sub3A_1442 = arith.subi %broadcast_in_dim3A_5, %sub3A_1441 : vector<128x128xi32>
    %eq3A_1443 = arith.cmpi eq, %iota3A, %sub3A_1442 : vector<128x128xi32>
    %jit3A_1444 = arith.constant 0.000000e+00 : f32
    %broadcast_in_dim3A_1445 = vector.broadcast %jit3A_1444 : f32 to vector<128x128xf32>
    %select_n3A_1446 = arith.select %eq3A_1443, %get3A_1436, %broadcast_in_dim3A_1445 : vector<128x128xi1>, vector<128x128xf32>
    %add3A_1447 = arith.addf %add3A_1433, %select_n3A_1446 : vector<128x128xf32>
    %get3A_1448 = arith.constant 0 : index
    %get3A_1449 = arith.constant 13184 : index
    %get3A_1450 = vector.load %arg3[%get3A_1448, %get3A_1449] : memref<128x32000xf32, #tpu.memory_space<vmem>>, vector<128x128xf32>
    %exp3A_1451 = math.exp %get3A_1450 : vector<128x128xf32>
    %add3A_1452 = arith.addf %add3A_1438, %exp3A_1451 : vector<128x128xf32>
    %add3A_1453 = arith.addf %add3A_1439, %get3A_1450 : vector<128x128xf32>
    %sub3A_1454 = arith.constant 13184 : i32
    %sub3A_1455 = vector.broadcast %sub3A_1454 : i32 to vector<128x128xi32>
    %sub3A_1456 = arith.subi %broadcast_in_dim3A_5, %sub3A_1455 : vector<128x128xi32>
    %eq3A_1457 = arith.cmpi eq, %iota3A, %sub3A_1456 : vector<128x128xi32>
    %jit3A_1458 = arith.constant 0.000000e+00 : f32
    %broadcast_in_dim3A_1459 = vector.broadcast %jit3A_1458 : f32 to vector<128x128xf32>
    %select_n3A_1460 = arith.select %eq3A_1457, %get3A_1450, %broadcast_in_dim3A_1459 : vector<128x128xi1>, vector<128x128xf32>
    %add3A_1461 = arith.addf %add3A_1447, %select_n3A_1460 : vector<128x128xf32>
    %get3A_1462 = arith.constant 0 : index
    %get3A_1463 = arith.constant 13312 : index
    %get3A_1464 = vector.load %arg3[%get3A_1462, %get3A_1463] : memref<128x32000xf32, #tpu.memory_space<vmem>>, vector<128x128xf32>
    %exp3A_1465 = math.exp %get3A_1464 : vector<128x128xf32>
    %add3A_1466 = arith.addf %add3A_1452, %exp3A_1465 : vector<128x128xf32>
    %add3A_1467 = arith.addf %add3A_1453, %get3A_1464 : vector<128x128xf32>
    %sub3A_1468 = arith.constant 13312 : i32
    %sub3A_1469 = vector.broadcast %sub3A_1468 : i32 to vector<128x128xi32>
    %sub3A_1470 = arith.subi %broadcast_in_dim3A_5, %sub3A_1469 : vector<128x128xi32>
    %eq3A_1471 = arith.cmpi eq, %iota3A, %sub3A_1470 : vector<128x128xi32>
    %jit3A_1472 = arith.constant 0.000000e+00 : f32
    %broadcast_in_dim3A_1473 = vector.broadcast %jit3A_1472 : f32 to vector<128x128xf32>
    %select_n3A_1474 = arith.select %eq3A_1471, %get3A_1464, %broadcast_in_dim3A_1473 : vector<128x128xi1>, vector<128x128xf32>
    %add3A_1475 = arith.addf %add3A_1461, %select_n3A_1474 : vector<128x128xf32>
    %get3A_1476 = arith.constant 0 : index
    %get3A_1477 = arith.constant 13440 : index
    %get3A_1478 = vector.load %arg3[%get3A_1476, %get3A_1477] : memref<128x32000xf32, #tpu.memory_space<vmem>>, vector<128x128xf32>
    %exp3A_1479 = math.exp %get3A_1478 : vector<128x128xf32>
    %add3A_1480 = arith.addf %add3A_1466, %exp3A_1479 : vector<128x128xf32>
    %add3A_1481 = arith.addf %add3A_1467, %get3A_1478 : vector<128x128xf32>
    %sub3A_1482 = arith.constant 13440 : i32
    %sub3A_1483 = vector.broadcast %sub3A_1482 : i32 to vector<128x128xi32>
    %sub3A_1484 = arith.subi %broadcast_in_dim3A_5, %sub3A_1483 : vector<128x128xi32>
    %eq3A_1485 = arith.cmpi eq, %iota3A, %sub3A_1484 : vector<128x128xi32>
    %jit3A_1486 = arith.constant 0.000000e+00 : f32
    %broadcast_in_dim3A_1487 = vector.broadcast %jit3A_1486 : f32 to vector<128x128xf32>
    %select_n3A_1488 = arith.select %eq3A_1485, %get3A_1478, %broadcast_in_dim3A_1487 : vector<128x128xi1>, vector<128x128xf32>
    %add3A_1489 = arith.addf %add3A_1475, %select_n3A_1488 : vector<128x128xf32>
    %get3A_1490 = arith.constant 0 : index
    %get3A_1491 = arith.constant 13568 : index
    %get3A_1492 = vector.load %arg3[%get3A_1490, %get3A_1491] : memref<128x32000xf32, #tpu.memory_space<vmem>>, vector<128x128xf32>
    %exp3A_1493 = math.exp %get3A_1492 : vector<128x128xf32>
    %add3A_1494 = arith.addf %add3A_1480, %exp3A_1493 : vector<128x128xf32>
    %add3A_1495 = arith.addf %add3A_1481, %get3A_1492 : vector<128x128xf32>
    %sub3A_1496 = arith.constant 13568 : i32
    %sub3A_1497 = vector.broadcast %sub3A_1496 : i32 to vector<128x128xi32>
    %sub3A_1498 = arith.subi %broadcast_in_dim3A_5, %sub3A_1497 : vector<128x128xi32>
    %eq3A_1499 = arith.cmpi eq, %iota3A, %sub3A_1498 : vector<128x128xi32>
    %jit3A_1500 = arith.constant 0.000000e+00 : f32
    %broadcast_in_dim3A_1501 = vector.broadcast %jit3A_1500 : f32 to vector<128x128xf32>
    %select_n3A_1502 = arith.select %eq3A_1499, %get3A_1492, %broadcast_in_dim3A_1501 : vector<128x128xi1>, vector<128x128xf32>
    %add3A_1503 = arith.addf %add3A_1489, %select_n3A_1502 : vector<128x128xf32>
    %get3A_1504 = arith.constant 0 : index
    %get3A_1505 = arith.constant 13696 : index
    %get3A_1506 = vector.load %arg3[%get3A_1504, %get3A_1505] : memref<128x32000xf32, #tpu.memory_space<vmem>>, vector<128x128xf32>
    %exp3A_1507 = math.exp %get3A_1506 : vector<128x128xf32>
    %add3A_1508 = arith.addf %add3A_1494, %exp3A_1507 : vector<128x128xf32>
    %add3A_1509 = arith.addf %add3A_1495, %get3A_1506 : vector<128x128xf32>
    %sub3A_1510 = arith.constant 13696 : i32
    %sub3A_1511 = vector.broadcast %sub3A_1510 : i32 to vector<128x128xi32>
    %sub3A_1512 = arith.subi %broadcast_in_dim3A_5, %sub3A_1511 : vector<128x128xi32>
    %eq3A_1513 = arith.cmpi eq, %iota3A, %sub3A_1512 : vector<128x128xi32>
    %jit3A_1514 = arith.constant 0.000000e+00 : f32
    %broadcast_in_dim3A_1515 = vector.broadcast %jit3A_1514 : f32 to vector<128x128xf32>
    %select_n3A_1516 = arith.select %eq3A_1513, %get3A_1506, %broadcast_in_dim3A_1515 : vector<128x128xi1>, vector<128x128xf32>
    %add3A_1517 = arith.addf %add3A_1503, %select_n3A_1516 : vector<128x128xf32>
    %get3A_1518 = arith.constant 0 : index
    %get3A_1519 = arith.constant 13824 : index
    %get3A_1520 = vector.load %arg3[%get3A_1518, %get3A_1519] : memref<128x32000xf32, #tpu.memory_space<vmem>>, vector<128x128xf32>
    %exp3A_1521 = math.exp %get3A_1520 : vector<128x128xf32>
    %add3A_1522 = arith.addf %add3A_1508, %exp3A_1521 : vector<128x128xf32>
    %add3A_1523 = arith.addf %add3A_1509, %get3A_1520 : vector<128x128xf32>
    %sub3A_1524 = arith.constant 13824 : i32
    %sub3A_1525 = vector.broadcast %sub3A_1524 : i32 to vector<128x128xi32>
    %sub3A_1526 = arith.subi %broadcast_in_dim3A_5, %sub3A_1525 : vector<128x128xi32>
    %eq3A_1527 = arith.cmpi eq, %iota3A, %sub3A_1526 : vector<128x128xi32>
    %jit3A_1528 = arith.constant 0.000000e+00 : f32
    %broadcast_in_dim3A_1529 = vector.broadcast %jit3A_1528 : f32 to vector<128x128xf32>
    %select_n3A_1530 = arith.select %eq3A_1527, %get3A_1520, %broadcast_in_dim3A_1529 : vector<128x128xi1>, vector<128x128xf32>
    %add3A_1531 = arith.addf %add3A_1517, %select_n3A_1530 : vector<128x128xf32>
    %get3A_1532 = arith.constant 0 : index
    %get3A_1533 = arith.constant 13952 : index
    %get3A_1534 = vector.load %arg3[%get3A_1532, %get3A_1533] : memref<128x32000xf32, #tpu.memory_space<vmem>>, vector<128x128xf32>
    %exp3A_1535 = math.exp %get3A_1534 : vector<128x128xf32>
    %add3A_1536 = arith.addf %add3A_1522, %exp3A_1535 : vector<128x128xf32>
    %add3A_1537 = arith.addf %add3A_1523, %get3A_1534 : vector<128x128xf32>
    %sub3A_1538 = arith.constant 13952 : i32
    %sub3A_1539 = vector.broadcast %sub3A_1538 : i32 to vector<128x128xi32>
    %sub3A_1540 = arith.subi %broadcast_in_dim3A_5, %sub3A_1539 : vector<128x128xi32>
    %eq3A_1541 = arith.cmpi eq, %iota3A, %sub3A_1540 : vector<128x128xi32>
    %jit3A_1542 = arith.constant 0.000000e+00 : f32
    %broadcast_in_dim3A_1543 = vector.broadcast %jit3A_1542 : f32 to vector<128x128xf32>
    %select_n3A_1544 = arith.select %eq3A_1541, %get3A_1534, %broadcast_in_dim3A_1543 : vector<128x128xi1>, vector<128x128xf32>
    %add3A_1545 = arith.addf %add3A_1531, %select_n3A_1544 : vector<128x128xf32>
    %get3A_1546 = arith.constant 0 : index
    %get3A_1547 = arith.constant 14080 : index
    %get3A_1548 = vector.load %arg3[%get3A_1546, %get3A_1547] : memref<128x32000xf32, #tpu.memory_space<vmem>>, vector<128x128xf32>
    %exp3A_1549 = math.exp %get3A_1548 : vector<128x128xf32>
    %add3A_1550 = arith.addf %add3A_1536, %exp3A_1549 : vector<128x128xf32>
    %add3A_1551 = arith.addf %add3A_1537, %get3A_1548 : vector<128x128xf32>
    %sub3A_1552 = arith.constant 14080 : i32
    %sub3A_1553 = vector.broadcast %sub3A_1552 : i32 to vector<128x128xi32>
    %sub3A_1554 = arith.subi %broadcast_in_dim3A_5, %sub3A_1553 : vector<128x128xi32>
    %eq3A_1555 = arith.cmpi eq, %iota3A, %sub3A_1554 : vector<128x128xi32>
    %jit3A_1556 = arith.constant 0.000000e+00 : f32
    %broadcast_in_dim3A_1557 = vector.broadcast %jit3A_1556 : f32 to vector<128x128xf32>
    %select_n3A_1558 = arith.select %eq3A_1555, %get3A_1548, %broadcast_in_dim3A_1557 : vector<128x128xi1>, vector<128x128xf32>
    %add3A_1559 = arith.addf %add3A_1545, %select_n3A_1558 : vector<128x128xf32>
    %get3A_1560 = arith.constant 0 : index
    %get3A_1561 = arith.constant 14208 : index
    %get3A_1562 = vector.load %arg3[%get3A_1560, %get3A_1561] : memref<128x32000xf32, #tpu.memory_space<vmem>>, vector<128x128xf32>
    %exp3A_1563 = math.exp %get3A_1562 : vector<128x128xf32>
    %add3A_1564 = arith.addf %add3A_1550, %exp3A_1563 : vector<128x128xf32>
    %add3A_1565 = arith.addf %add3A_1551, %get3A_1562 : vector<128x128xf32>
    %sub3A_1566 = arith.constant 14208 : i32
    %sub3A_1567 = vector.broadcast %sub3A_1566 : i32 to vector<128x128xi32>
    %sub3A_1568 = arith.subi %broadcast_in_dim3A_5, %sub3A_1567 : vector<128x128xi32>
    %eq3A_1569 = arith.cmpi eq, %iota3A, %sub3A_1568 : vector<128x128xi32>
    %jit3A_1570 = arith.constant 0.000000e+00 : f32
    %broadcast_in_dim3A_1571 = vector.broadcast %jit3A_1570 : f32 to vector<128x128xf32>
    %select_n3A_1572 = arith.select %eq3A_1569, %get3A_1562, %broadcast_in_dim3A_1571 : vector<128x128xi1>, vector<128x128xf32>
    %add3A_1573 = arith.addf %add3A_1559, %select_n3A_1572 : vector<128x128xf32>
    %get3A_1574 = arith.constant 0 : index
    %get3A_1575 = arith.constant 14336 : index
    %get3A_1576 = vector.load %arg3[%get3A_1574, %get3A_1575] : memref<128x32000xf32, #tpu.memory_space<vmem>>, vector<128x128xf32>
    %exp3A_1577 = math.exp %get3A_1576 : vector<128x128xf32>
    %add3A_1578 = arith.addf %add3A_1564, %exp3A_1577 : vector<128x128xf32>
    %add3A_1579 = arith.addf %add3A_1565, %get3A_1576 : vector<128x128xf32>
    %sub3A_1580 = arith.constant 14336 : i32
    %sub3A_1581 = vector.broadcast %sub3A_1580 : i32 to vector<128x128xi32>
    %sub3A_1582 = arith.subi %broadcast_in_dim3A_5, %sub3A_1581 : vector<128x128xi32>
    %eq3A_1583 = arith.cmpi eq, %iota3A, %sub3A_1582 : vector<128x128xi32>
    %jit3A_1584 = arith.constant 0.000000e+00 : f32
    %broadcast_in_dim3A_1585 = vector.broadcast %jit3A_1584 : f32 to vector<128x128xf32>
    %select_n3A_1586 = arith.select %eq3A_1583, %get3A_1576, %broadcast_in_dim3A_1585 : vector<128x128xi1>, vector<128x128xf32>
    %add3A_1587 = arith.addf %add3A_1573, %select_n3A_1586 : vector<128x128xf32>
    %get3A_1588 = arith.constant 0 : index
    %get3A_1589 = arith.constant 14464 : index
    %get3A_1590 = vector.load %arg3[%get3A_1588, %get3A_1589] : memref<128x32000xf32, #tpu.memory_space<vmem>>, vector<128x128xf32>
    %exp3A_1591 = math.exp %get3A_1590 : vector<128x128xf32>
    %add3A_1592 = arith.addf %add3A_1578, %exp3A_1591 : vector<128x128xf32>
    %add3A_1593 = arith.addf %add3A_1579, %get3A_1590 : vector<128x128xf32>
    %sub3A_1594 = arith.constant 14464 : i32
    %sub3A_1595 = vector.broadcast %sub3A_1594 : i32 to vector<128x128xi32>
    %sub3A_1596 = arith.subi %broadcast_in_dim3A_5, %sub3A_1595 : vector<128x128xi32>
    %eq3A_1597 = arith.cmpi eq, %iota3A, %sub3A_1596 : vector<128x128xi32>
    %jit3A_1598 = arith.constant 0.000000e+00 : f32
    %broadcast_in_dim3A_1599 = vector.broadcast %jit3A_1598 : f32 to vector<128x128xf32>
    %select_n3A_1600 = arith.select %eq3A_1597, %get3A_1590, %broadcast_in_dim3A_1599 : vector<128x128xi1>, vector<128x128xf32>
    %add3A_1601 = arith.addf %add3A_1587, %select_n3A_1600 : vector<128x128xf32>
    %get3A_1602 = arith.constant 0 : index
    %get3A_1603 = arith.constant 14592 : index
    %get3A_1604 = vector.load %arg3[%get3A_1602, %get3A_1603] : memref<128x32000xf32, #tpu.memory_space<vmem>>, vector<128x128xf32>
    %exp3A_1605 = math.exp %get3A_1604 : vector<128x128xf32>
    %add3A_1606 = arith.addf %add3A_1592, %exp3A_1605 : vector<128x128xf32>
    %add3A_1607 = arith.addf %add3A_1593, %get3A_1604 : vector<128x128xf32>
    %sub3A_1608 = arith.constant 14592 : i32
    %sub3A_1609 = vector.broadcast %sub3A_1608 : i32 to vector<128x128xi32>
    %sub3A_1610 = arith.subi %broadcast_in_dim3A_5, %sub3A_1609 : vector<128x128xi32>
    %eq3A_1611 = arith.cmpi eq, %iota3A, %sub3A_1610 : vector<128x128xi32>
    %jit3A_1612 = arith.constant 0.000000e+00 : f32
    %broadcast_in_dim3A_1613 = vector.broadcast %jit3A_1612 : f32 to vector<128x128xf32>
    %select_n3A_1614 = arith.select %eq3A_1611, %get3A_1604, %broadcast_in_dim3A_1613 : vector<128x128xi1>, vector<128x128xf32>
    %add3A_1615 = arith.addf %add3A_1601, %select_n3A_1614 : vector<128x128xf32>
    %get3A_1616 = arith.constant 0 : index
    %get3A_1617 = arith.constant 14720 : index
    %get3A_1618 = vector.load %arg3[%get3A_1616, %get3A_1617] : memref<128x32000xf32, #tpu.memory_space<vmem>>, vector<128x128xf32>
    %exp3A_1619 = math.exp %get3A_1618 : vector<128x128xf32>
    %add3A_1620 = arith.addf %add3A_1606, %exp3A_1619 : vector<128x128xf32>
    %add3A_1621 = arith.addf %add3A_1607, %get3A_1618 : vector<128x128xf32>
    %sub3A_1622 = arith.constant 14720 : i32
    %sub3A_1623 = vector.broadcast %sub3A_1622 : i32 to vector<128x128xi32>
    %sub3A_1624 = arith.subi %broadcast_in_dim3A_5, %sub3A_1623 : vector<128x128xi32>
    %eq3A_1625 = arith.cmpi eq, %iota3A, %sub3A_1624 : vector<128x128xi32>
    %jit3A_1626 = arith.constant 0.000000e+00 : f32
    %broadcast_in_dim3A_1627 = vector.broadcast %jit3A_1626 : f32 to vector<128x128xf32>
    %select_n3A_1628 = arith.select %eq3A_1625, %get3A_1618, %broadcast_in_dim3A_1627 : vector<128x128xi1>, vector<128x128xf32>
    %add3A_1629 = arith.addf %add3A_1615, %select_n3A_1628 : vector<128x128xf32>
    %get3A_1630 = arith.constant 0 : index
    %get3A_1631 = arith.constant 14848 : index
    %get3A_1632 = vector.load %arg3[%get3A_1630, %get3A_1631] : memref<128x32000xf32, #tpu.memory_space<vmem>>, vector<128x128xf32>
    %exp3A_1633 = math.exp %get3A_1632 : vector<128x128xf32>
    %add3A_1634 = arith.addf %add3A_1620, %exp3A_1633 : vector<128x128xf32>
    %add3A_1635 = arith.addf %add3A_1621, %get3A_1632 : vector<128x128xf32>
    %sub3A_1636 = arith.constant 14848 : i32
    %sub3A_1637 = vector.broadcast %sub3A_1636 : i32 to vector<128x128xi32>
    %sub3A_1638 = arith.subi %broadcast_in_dim3A_5, %sub3A_1637 : vector<128x128xi32>
    %eq3A_1639 = arith.cmpi eq, %iota3A, %sub3A_1638 : vector<128x128xi32>
    %jit3A_1640 = arith.constant 0.000000e+00 : f32
    %broadcast_in_dim3A_1641 = vector.broadcast %jit3A_1640 : f32 to vector<128x128xf32>
    %select_n3A_1642 = arith.select %eq3A_1639, %get3A_1632, %broadcast_in_dim3A_1641 : vector<128x128xi1>, vector<128x128xf32>
    %add3A_1643 = arith.addf %add3A_1629, %select_n3A_1642 : vector<128x128xf32>
    %get3A_1644 = arith.constant 0 : index
    %get3A_1645 = arith.constant 14976 : index
    %get3A_1646 = vector.load %arg3[%get3A_1644, %get3A_1645] : memref<128x32000xf32, #tpu.memory_space<vmem>>, vector<128x128xf32>
    %exp3A_1647 = math.exp %get3A_1646 : vector<128x128xf32>
    %add3A_1648 = arith.addf %add3A_1634, %exp3A_1647 : vector<128x128xf32>
    %add3A_1649 = arith.addf %add3A_1635, %get3A_1646 : vector<128x128xf32>
    %sub3A_1650 = arith.constant 14976 : i32
    %sub3A_1651 = vector.broadcast %sub3A_1650 : i32 to vector<128x128xi32>
    %sub3A_1652 = arith.subi %broadcast_in_dim3A_5, %sub3A_1651 : vector<128x128xi32>
    %eq3A_1653 = arith.cmpi eq, %iota3A, %sub3A_1652 : vector<128x128xi32>
    %jit3A_1654 = arith.constant 0.000000e+00 : f32
    %broadcast_in_dim3A_1655 = vector.broadcast %jit3A_1654 : f32 to vector<128x128xf32>
    %select_n3A_1656 = arith.select %eq3A_1653, %get3A_1646, %broadcast_in_dim3A_1655 : vector<128x128xi1>, vector<128x128xf32>
    %add3A_1657 = arith.addf %add3A_1643, %select_n3A_1656 : vector<128x128xf32>
    %get3A_1658 = arith.constant 0 : index
    %get3A_1659 = arith.constant 15104 : index
    %get3A_1660 = vector.load %arg3[%get3A_1658, %get3A_1659] : memref<128x32000xf32, #tpu.memory_space<vmem>>, vector<128x128xf32>
    %exp3A_1661 = math.exp %get3A_1660 : vector<128x128xf32>
    %add3A_1662 = arith.addf %add3A_1648, %exp3A_1661 : vector<128x128xf32>
    %add3A_1663 = arith.addf %add3A_1649, %get3A_1660 : vector<128x128xf32>
    %sub3A_1664 = arith.constant 15104 : i32
    %sub3A_1665 = vector.broadcast %sub3A_1664 : i32 to vector<128x128xi32>
    %sub3A_1666 = arith.subi %broadcast_in_dim3A_5, %sub3A_1665 : vector<128x128xi32>
    %eq3A_1667 = arith.cmpi eq, %iota3A, %sub3A_1666 : vector<128x128xi32>
    %jit3A_1668 = arith.constant 0.000000e+00 : f32
    %broadcast_in_dim3A_1669 = vector.broadcast %jit3A_1668 : f32 to vector<128x128xf32>
    %select_n3A_1670 = arith.select %eq3A_1667, %get3A_1660, %broadcast_in_dim3A_1669 : vector<128x128xi1>, vector<128x128xf32>
    %add3A_1671 = arith.addf %add3A_1657, %select_n3A_1670 : vector<128x128xf32>
    %get3A_1672 = arith.constant 0 : index
    %get3A_1673 = arith.constant 15232 : index
    %get3A_1674 = vector.load %arg3[%get3A_1672, %get3A_1673] : memref<128x32000xf32, #tpu.memory_space<vmem>>, vector<128x128xf32>
    %exp3A_1675 = math.exp %get3A_1674 : vector<128x128xf32>
    %add3A_1676 = arith.addf %add3A_1662, %exp3A_1675 : vector<128x128xf32>
    %add3A_1677 = arith.addf %add3A_1663, %get3A_1674 : vector<128x128xf32>
    %sub3A_1678 = arith.constant 15232 : i32
    %sub3A_1679 = vector.broadcast %sub3A_1678 : i32 to vector<128x128xi32>
    %sub3A_1680 = arith.subi %broadcast_in_dim3A_5, %sub3A_1679 : vector<128x128xi32>
    %eq3A_1681 = arith.cmpi eq, %iota3A, %sub3A_1680 : vector<128x128xi32>
    %jit3A_1682 = arith.constant 0.000000e+00 : f32
    %broadcast_in_dim3A_1683 = vector.broadcast %jit3A_1682 : f32 to vector<128x128xf32>
    %select_n3A_1684 = arith.select %eq3A_1681, %get3A_1674, %broadcast_in_dim3A_1683 : vector<128x128xi1>, vector<128x128xf32>
    %add3A_1685 = arith.addf %add3A_1671, %select_n3A_1684 : vector<128x128xf32>
    %get3A_1686 = arith.constant 0 : index
    %get3A_1687 = arith.constant 15360 : index
    %get3A_1688 = vector.load %arg3[%get3A_1686, %get3A_1687] : memref<128x32000xf32, #tpu.memory_space<vmem>>, vector<128x128xf32>
    %exp3A_1689 = math.exp %get3A_1688 : vector<128x128xf32>
    %add3A_1690 = arith.addf %add3A_1676, %exp3A_1689 : vector<128x128xf32>
    %add3A_1691 = arith.addf %add3A_1677, %get3A_1688 : vector<128x128xf32>
    %sub3A_1692 = arith.constant 15360 : i32
    %sub3A_1693 = vector.broadcast %sub3A_1692 : i32 to vector<128x128xi32>
    %sub3A_1694 = arith.subi %broadcast_in_dim3A_5, %sub3A_1693 : vector<128x128xi32>
    %eq3A_1695 = arith.cmpi eq, %iota3A, %sub3A_1694 : vector<128x128xi32>
    %jit3A_1696 = arith.constant 0.000000e+00 : f32
    %broadcast_in_dim3A_1697 = vector.broadcast %jit3A_1696 : f32 to vector<128x128xf32>
    %select_n3A_1698 = arith.select %eq3A_1695, %get3A_1688, %broadcast_in_dim3A_1697 : vector<128x128xi1>, vector<128x128xf32>
    %add3A_1699 = arith.addf %add3A_1685, %select_n3A_1698 : vector<128x128xf32>
    %get3A_1700 = arith.constant 0 : index
    %get3A_1701 = arith.constant 15488 : index
    %get3A_1702 = vector.load %arg3[%get3A_1700, %get3A_1701] : memref<128x32000xf32, #tpu.memory_space<vmem>>, vector<128x128xf32>
    %exp3A_1703 = math.exp %get3A_1702 : vector<128x128xf32>
    %add3A_1704 = arith.addf %add3A_1690, %exp3A_1703 : vector<128x128xf32>
    %add3A_1705 = arith.addf %add3A_1691, %get3A_1702 : vector<128x128xf32>
    %sub3A_1706 = arith.constant 15488 : i32
    %sub3A_1707 = vector.broadcast %sub3A_1706 : i32 to vector<128x128xi32>
    %sub3A_1708 = arith.subi %broadcast_in_dim3A_5, %sub3A_1707 : vector<128x128xi32>
    %eq3A_1709 = arith.cmpi eq, %iota3A, %sub3A_1708 : vector<128x128xi32>
    %jit3A_1710 = arith.constant 0.000000e+00 : f32
    %broadcast_in_dim3A_1711 = vector.broadcast %jit3A_1710 : f32 to vector<128x128xf32>
    %select_n3A_1712 = arith.select %eq3A_1709, %get3A_1702, %broadcast_in_dim3A_1711 : vector<128x128xi1>, vector<128x128xf32>
    %add3A_1713 = arith.addf %add3A_1699, %select_n3A_1712 : vector<128x128xf32>
    %get3A_1714 = arith.constant 0 : index
    %get3A_1715 = arith.constant 15616 : index
    %get3A_1716 = vector.load %arg3[%get3A_1714, %get3A_1715] : memref<128x32000xf32, #tpu.memory_space<vmem>>, vector<128x128xf32>
    %exp3A_1717 = math.exp %get3A_1716 : vector<128x128xf32>
    %add3A_1718 = arith.addf %add3A_1704, %exp3A_1717 : vector<128x128xf32>
    %add3A_1719 = arith.addf %add3A_1705, %get3A_1716 : vector<128x128xf32>
    %sub3A_1720 = arith.constant 15616 : i32
    %sub3A_1721 = vector.broadcast %sub3A_1720 : i32 to vector<128x128xi32>
    %sub3A_1722 = arith.subi %broadcast_in_dim3A_5, %sub3A_1721 : vector<128x128xi32>
    %eq3A_1723 = arith.cmpi eq, %iota3A, %sub3A_1722 : vector<128x128xi32>
    %jit3A_1724 = arith.constant 0.000000e+00 : f32
    %broadcast_in_dim3A_1725 = vector.broadcast %jit3A_1724 : f32 to vector<128x128xf32>
    %select_n3A_1726 = arith.select %eq3A_1723, %get3A_1716, %broadcast_in_dim3A_1725 : vector<128x128xi1>, vector<128x128xf32>
    %add3A_1727 = arith.addf %add3A_1713, %select_n3A_1726 : vector<128x128xf32>
    %get3A_1728 = arith.constant 0 : index
    %get3A_1729 = arith.constant 15744 : index
    %get3A_1730 = vector.load %arg3[%get3A_1728, %get3A_1729] : memref<128x32000xf32, #tpu.memory_space<vmem>>, vector<128x128xf32>
    %exp3A_1731 = math.exp %get3A_1730 : vector<128x128xf32>
    %add3A_1732 = arith.addf %add3A_1718, %exp3A_1731 : vector<128x128xf32>
    %add3A_1733 = arith.addf %add3A_1719, %get3A_1730 : vector<128x128xf32>
    %sub3A_1734 = arith.constant 15744 : i32
    %sub3A_1735 = vector.broadcast %sub3A_1734 : i32 to vector<128x128xi32>
    %sub3A_1736 = arith.subi %broadcast_in_dim3A_5, %sub3A_1735 : vector<128x128xi32>
    %eq3A_1737 = arith.cmpi eq, %iota3A, %sub3A_1736 : vector<128x128xi32>
    %jit3A_1738 = arith.constant 0.000000e+00 : f32
    %broadcast_in_dim3A_1739 = vector.broadcast %jit3A_1738 : f32 to vector<128x128xf32>
    %select_n3A_1740 = arith.select %eq3A_1737, %get3A_1730, %broadcast_in_dim3A_1739 : vector<128x128xi1>, vector<128x128xf32>
    %add3A_1741 = arith.addf %add3A_1727, %select_n3A_1740 : vector<128x128xf32>
    %get3A_1742 = arith.constant 0 : index
    %get3A_1743 = arith.constant 15872 : index
    %get3A_1744 = vector.load %arg3[%get3A_1742, %get3A_1743] : memref<128x32000xf32, #tpu.memory_space<vmem>>, vector<128x128xf32>
    %exp3A_1745 = math.exp %get3A_1744 : vector<128x128xf32>
    %add3A_1746 = arith.addf %add3A_1732, %exp3A_1745 : vector<128x128xf32>
    %add3A_1747 = arith.addf %add3A_1733, %get3A_1744 : vector<128x128xf32>
    %sub3A_1748 = arith.constant 15872 : i32
    %sub3A_1749 = vector.broadcast %sub3A_1748 : i32 to vector<128x128xi32>
    %sub3A_1750 = arith.subi %broadcast_in_dim3A_5, %sub3A_1749 : vector<128x128xi32>
    %eq3A_1751 = arith.cmpi eq, %iota3A, %sub3A_1750 : vector<128x128xi32>
    %jit3A_1752 = arith.constant 0.000000e+00 : f32
    %broadcast_in_dim3A_1753 = vector.broadcast %jit3A_1752 : f32 to vector<128x128xf32>
    %select_n3A_1754 = arith.select %eq3A_1751, %get3A_1744, %broadcast_in_dim3A_1753 : vector<128x128xi1>, vector<128x128xf32>
    %add3A_1755 = arith.addf %add3A_1741, %select_n3A_1754 : vector<128x128xf32>
    %get3A_1756 = arith.constant 0 : index
    %get3A_1757 = arith.constant 16000 : index
    %get3A_1758 = vector.load %arg3[%get3A_1756, %get3A_1757] : memref<128x32000xf32, #tpu.memory_space<vmem>>, vector<128x128xf32>
    %exp3A_1759 = math.exp %get3A_1758 : vector<128x128xf32>
    %add3A_1760 = arith.addf %add3A_1746, %exp3A_1759 : vector<128x128xf32>
    %add3A_1761 = arith.addf %add3A_1747, %get3A_1758 : vector<128x128xf32>
    %sub3A_1762 = arith.constant 16000 : i32
    %sub3A_1763 = vector.broadcast %sub3A_1762 : i32 to vector<128x128xi32>
    %sub3A_1764 = arith.subi %broadcast_in_dim3A_5, %sub3A_1763 : vector<128x128xi32>
    %eq3A_1765 = arith.cmpi eq, %iota3A, %sub3A_1764 : vector<128x128xi32>
    %jit3A_1766 = arith.constant 0.000000e+00 : f32
    %broadcast_in_dim3A_1767 = vector.broadcast %jit3A_1766 : f32 to vector<128x128xf32>
    %select_n3A_1768 = arith.select %eq3A_1765, %get3A_1758, %broadcast_in_dim3A_1767 : vector<128x128xi1>, vector<128x128xf32>
    %add3A_1769 = arith.addf %add3A_1755, %select_n3A_1768 : vector<128x128xf32>
    %get3A_1770 = arith.constant 0 : index
    %get3A_1771 = arith.constant 16128 : index
    %get3A_1772 = vector.load %arg3[%get3A_1770, %get3A_1771] : memref<128x32000xf32, #tpu.memory_space<vmem>>, vector<128x128xf32>
    %exp3A_1773 = math.exp %get3A_1772 : vector<128x128xf32>
    %add3A_1774 = arith.addf %add3A_1760, %exp3A_1773 : vector<128x128xf32>
    %add3A_1775 = arith.addf %add3A_1761, %get3A_1772 : vector<128x128xf32>
    %sub3A_1776 = arith.constant 16128 : i32
    %sub3A_1777 = vector.broadcast %sub3A_1776 : i32 to vector<128x128xi32>
    %sub3A_1778 = arith.subi %broadcast_in_dim3A_5, %sub3A_1777 : vector<128x128xi32>
    %eq3A_1779 = arith.cmpi eq, %iota3A, %sub3A_1778 : vector<128x128xi32>
    %jit3A_1780 = arith.constant 0.000000e+00 : f32
    %broadcast_in_dim3A_1781 = vector.broadcast %jit3A_1780 : f32 to vector<128x128xf32>
    %select_n3A_1782 = arith.select %eq3A_1779, %get3A_1772, %broadcast_in_dim3A_1781 : vector<128x128xi1>, vector<128x128xf32>
    %add3A_1783 = arith.addf %add3A_1769, %select_n3A_1782 : vector<128x128xf32>
    %get3A_1784 = arith.constant 0 : index
    %get3A_1785 = arith.constant 16256 : index
    %get3A_1786 = vector.load %arg3[%get3A_1784, %get3A_1785] : memref<128x32000xf32, #tpu.memory_space<vmem>>, vector<128x128xf32>
    %exp3A_1787 = math.exp %get3A_1786 : vector<128x128xf32>
    %add3A_1788 = arith.addf %add3A_1774, %exp3A_1787 : vector<128x128xf32>
    %add3A_1789 = arith.addf %add3A_1775, %get3A_1786 : vector<128x128xf32>
    %sub3A_1790 = arith.constant 16256 : i32
    %sub3A_1791 = vector.broadcast %sub3A_1790 : i32 to vector<128x128xi32>
    %sub3A_1792 = arith.subi %broadcast_in_dim3A_5, %sub3A_1791 : vector<128x128xi32>
    %eq3A_1793 = arith.cmpi eq, %iota3A, %sub3A_1792 : vector<128x128xi32>
    %jit3A_1794 = arith.constant 0.000000e+00 : f32
    %broadcast_in_dim3A_1795 = vector.broadcast %jit3A_1794 : f32 to vector<128x128xf32>
    %select_n3A_1796 = arith.select %eq3A_1793, %get3A_1786, %broadcast_in_dim3A_1795 : vector<128x128xi1>, vector<128x128xf32>
    %add3A_1797 = arith.addf %add3A_1783, %select_n3A_1796 : vector<128x128xf32>
    %get3A_1798 = arith.constant 0 : index
    %get3A_1799 = arith.constant 16384 : index
    %get3A_1800 = vector.load %arg3[%get3A_1798, %get3A_1799] : memref<128x32000xf32, #tpu.memory_space<vmem>>, vector<128x128xf32>
    %exp3A_1801 = math.exp %get3A_1800 : vector<128x128xf32>
    %add3A_1802 = arith.addf %add3A_1788, %exp3A_1801 : vector<128x128xf32>
    %add3A_1803 = arith.addf %add3A_1789, %get3A_1800 : vector<128x128xf32>
    %sub3A_1804 = arith.constant 16384 : i32
    %sub3A_1805 = vector.broadcast %sub3A_1804 : i32 to vector<128x128xi32>
    %sub3A_1806 = arith.subi %broadcast_in_dim3A_5, %sub3A_1805 : vector<128x128xi32>
    %eq3A_1807 = arith.cmpi eq, %iota3A, %sub3A_1806 : vector<128x128xi32>
    %jit3A_1808 = arith.constant 0.000000e+00 : f32
    %broadcast_in_dim3A_1809 = vector.broadcast %jit3A_1808 : f32 to vector<128x128xf32>
    %select_n3A_1810 = arith.select %eq3A_1807, %get3A_1800, %broadcast_in_dim3A_1809 : vector<128x128xi1>, vector<128x128xf32>
    %add3A_1811 = arith.addf %add3A_1797, %select_n3A_1810 : vector<128x128xf32>
    %get3A_1812 = arith.constant 0 : index
    %get3A_1813 = arith.constant 16512 : index
    %get3A_1814 = vector.load %arg3[%get3A_1812, %get3A_1813] : memref<128x32000xf32, #tpu.memory_space<vmem>>, vector<128x128xf32>
    %exp3A_1815 = math.exp %get3A_1814 : vector<128x128xf32>
    %add3A_1816 = arith.addf %add3A_1802, %exp3A_1815 : vector<128x128xf32>
    %add3A_1817 = arith.addf %add3A_1803, %get3A_1814 : vector<128x128xf32>
    %sub3A_1818 = arith.constant 16512 : i32
    %sub3A_1819 = vector.broadcast %sub3A_1818 : i32 to vector<128x128xi32>
    %sub3A_1820 = arith.subi %broadcast_in_dim3A_5, %sub3A_1819 : vector<128x128xi32>
    %eq3A_1821 = arith.cmpi eq, %iota3A, %sub3A_1820 : vector<128x128xi32>
    %jit3A_1822 = arith.constant 0.000000e+00 : f32
    %broadcast_in_dim3A_1823 = vector.broadcast %jit3A_1822 : f32 to vector<128x128xf32>
    %select_n3A_1824 = arith.select %eq3A_1821, %get3A_1814, %broadcast_in_dim3A_1823 : vector<128x128xi1>, vector<128x128xf32>
    %add3A_1825 = arith.addf %add3A_1811, %select_n3A_1824 : vector<128x128xf32>
    %get3A_1826 = arith.constant 0 : index
    %get3A_1827 = arith.constant 16640 : index
    %get3A_1828 = vector.load %arg3[%get3A_1826, %get3A_1827] : memref<128x32000xf32, #tpu.memory_space<vmem>>, vector<128x128xf32>
    %exp3A_1829 = math.exp %get3A_1828 : vector<128x128xf32>
    %add3A_1830 = arith.addf %add3A_1816, %exp3A_1829 : vector<128x128xf32>
    %add3A_1831 = arith.addf %add3A_1817, %get3A_1828 : vector<128x128xf32>
    %sub3A_1832 = arith.constant 16640 : i32
    %sub3A_1833 = vector.broadcast %sub3A_1832 : i32 to vector<128x128xi32>
    %sub3A_1834 = arith.subi %broadcast_in_dim3A_5, %sub3A_1833 : vector<128x128xi32>
    %eq3A_1835 = arith.cmpi eq, %iota3A, %sub3A_1834 : vector<128x128xi32>
    %jit3A_1836 = arith.constant 0.000000e+00 : f32
    %broadcast_in_dim3A_1837 = vector.broadcast %jit3A_1836 : f32 to vector<128x128xf32>
    %select_n3A_1838 = arith.select %eq3A_1835, %get3A_1828, %broadcast_in_dim3A_1837 : vector<128x128xi1>, vector<128x128xf32>
    %add3A_1839 = arith.addf %add3A_1825, %select_n3A_1838 : vector<128x128xf32>
    %get3A_1840 = arith.constant 0 : index
    %get3A_1841 = arith.constant 16768 : index
    %get3A_1842 = vector.load %arg3[%get3A_1840, %get3A_1841] : memref<128x32000xf32, #tpu.memory_space<vmem>>, vector<128x128xf32>
    %exp3A_1843 = math.exp %get3A_1842 : vector<128x128xf32>
    %add3A_1844 = arith.addf %add3A_1830, %exp3A_1843 : vector<128x128xf32>
    %add3A_1845 = arith.addf %add3A_1831, %get3A_1842 : vector<128x128xf32>
    %sub3A_1846 = arith.constant 16768 : i32
    %sub3A_1847 = vector.broadcast %sub3A_1846 : i32 to vector<128x128xi32>
    %sub3A_1848 = arith.subi %broadcast_in_dim3A_5, %sub3A_1847 : vector<128x128xi32>
    %eq3A_1849 = arith.cmpi eq, %iota3A, %sub3A_1848 : vector<128x128xi32>
    %jit3A_1850 = arith.constant 0.000000e+00 : f32
    %broadcast_in_dim3A_1851 = vector.broadcast %jit3A_1850 : f32 to vector<128x128xf32>
    %select_n3A_1852 = arith.select %eq3A_1849, %get3A_1842, %broadcast_in_dim3A_1851 : vector<128x128xi1>, vector<128x128xf32>
    %add3A_1853 = arith.addf %add3A_1839, %select_n3A_1852 : vector<128x128xf32>
    %get3A_1854 = arith.constant 0 : index
    %get3A_1855 = arith.constant 16896 : index
    %get3A_1856 = vector.load %arg3[%get3A_1854, %get3A_1855] : memref<128x32000xf32, #tpu.memory_space<vmem>>, vector<128x128xf32>
    %exp3A_1857 = math.exp %get3A_1856 : vector<128x128xf32>
    %add3A_1858 = arith.addf %add3A_1844, %exp3A_1857 : vector<128x128xf32>
    %add3A_1859 = arith.addf %add3A_1845, %get3A_1856 : vector<128x128xf32>
    %sub3A_1860 = arith.constant 16896 : i32
    %sub3A_1861 = vector.broadcast %sub3A_1860 : i32 to vector<128x128xi32>
    %sub3A_1862 = arith.subi %broadcast_in_dim3A_5, %sub3A_1861 : vector<128x128xi32>
    %eq3A_1863 = arith.cmpi eq, %iota3A, %sub3A_1862 : vector<128x128xi32>
    %jit3A_1864 = arith.constant 0.000000e+00 : f32
    %broadcast_in_dim3A_1865 = vector.broadcast %jit3A_1864 : f32 to vector<128x128xf32>
    %select_n3A_1866 = arith.select %eq3A_1863, %get3A_1856, %broadcast_in_dim3A_1865 : vector<128x128xi1>, vector<128x128xf32>
    %add3A_1867 = arith.addf %add3A_1853, %select_n3A_1866 : vector<128x128xf32>
    %get3A_1868 = arith.constant 0 : index
    %get3A_1869 = arith.constant 17024 : index
    %get3A_1870 = vector.load %arg3[%get3A_1868, %get3A_1869] : memref<128x32000xf32, #tpu.memory_space<vmem>>, vector<128x128xf32>
    %exp3A_1871 = math.exp %get3A_1870 : vector<128x128xf32>
    %add3A_1872 = arith.addf %add3A_1858, %exp3A_1871 : vector<128x128xf32>
    %add3A_1873 = arith.addf %add3A_1859, %get3A_1870 : vector<128x128xf32>
    %sub3A_1874 = arith.constant 17024 : i32
    %sub3A_1875 = vector.broadcast %sub3A_1874 : i32 to vector<128x128xi32>
    %sub3A_1876 = arith.subi %broadcast_in_dim3A_5, %sub3A_1875 : vector<128x128xi32>
    %eq3A_1877 = arith.cmpi eq, %iota3A, %sub3A_1876 : vector<128x128xi32>
    %jit3A_1878 = arith.constant 0.000000e+00 : f32
    %broadcast_in_dim3A_1879 = vector.broadcast %jit3A_1878 : f32 to vector<128x128xf32>
    %select_n3A_1880 = arith.select %eq3A_1877, %get3A_1870, %broadcast_in_dim3A_1879 : vector<128x128xi1>, vector<128x128xf32>
    %add3A_1881 = arith.addf %add3A_1867, %select_n3A_1880 : vector<128x128xf32>
    %get3A_1882 = arith.constant 0 : index
    %get3A_1883 = arith.constant 17152 : index
    %get3A_1884 = vector.load %arg3[%get3A_1882, %get3A_1883] : memref<128x32000xf32, #tpu.memory_space<vmem>>, vector<128x128xf32>
    %exp3A_1885 = math.exp %get3A_1884 : vector<128x128xf32>
    %add3A_1886 = arith.addf %add3A_1872, %exp3A_1885 : vector<128x128xf32>
    %add3A_1887 = arith.addf %add3A_1873, %get3A_1884 : vector<128x128xf32>
    %sub3A_1888 = arith.constant 17152 : i32
    %sub3A_1889 = vector.broadcast %sub3A_1888 : i32 to vector<128x128xi32>
    %sub3A_1890 = arith.subi %broadcast_in_dim3A_5, %sub3A_1889 : vector<128x128xi32>
    %eq3A_1891 = arith.cmpi eq, %iota3A, %sub3A_1890 : vector<128x128xi32>
    %jit3A_1892 = arith.constant 0.000000e+00 : f32
    %broadcast_in_dim3A_1893 = vector.broadcast %jit3A_1892 : f32 to vector<128x128xf32>
    %select_n3A_1894 = arith.select %eq3A_1891, %get3A_1884, %broadcast_in_dim3A_1893 : vector<128x128xi1>, vector<128x128xf32>
    %add3A_1895 = arith.addf %add3A_1881, %select_n3A_1894 : vector<128x128xf32>
    %get3A_1896 = arith.constant 0 : index
    %get3A_1897 = arith.constant 17280 : index
    %get3A_1898 = vector.load %arg3[%get3A_1896, %get3A_1897] : memref<128x32000xf32, #tpu.memory_space<vmem>>, vector<128x128xf32>
    %exp3A_1899 = math.exp %get3A_1898 : vector<128x128xf32>
    %add3A_1900 = arith.addf %add3A_1886, %exp3A_1899 : vector<128x128xf32>
    %add3A_1901 = arith.addf %add3A_1887, %get3A_1898 : vector<128x128xf32>
    %sub3A_1902 = arith.constant 17280 : i32
    %sub3A_1903 = vector.broadcast %sub3A_1902 : i32 to vector<128x128xi32>
    %sub3A_1904 = arith.subi %broadcast_in_dim3A_5, %sub3A_1903 : vector<128x128xi32>
    %eq3A_1905 = arith.cmpi eq, %iota3A, %sub3A_1904 : vector<128x128xi32>
    %jit3A_1906 = arith.constant 0.000000e+00 : f32
    %broadcast_in_dim3A_1907 = vector.broadcast %jit3A_1906 : f32 to vector<128x128xf32>
    %select_n3A_1908 = arith.select %eq3A_1905, %get3A_1898, %broadcast_in_dim3A_1907 : vector<128x128xi1>, vector<128x128xf32>
    %add3A_1909 = arith.addf %add3A_1895, %select_n3A_1908 : vector<128x128xf32>
    %get3A_1910 = arith.constant 0 : index
    %get3A_1911 = arith.constant 17408 : index
    %get3A_1912 = vector.load %arg3[%get3A_1910, %get3A_1911] : memref<128x32000xf32, #tpu.memory_space<vmem>>, vector<128x128xf32>
    %exp3A_1913 = math.exp %get3A_1912 : vector<128x128xf32>
    %add3A_1914 = arith.addf %add3A_1900, %exp3A_1913 : vector<128x128xf32>
    %add3A_1915 = arith.addf %add3A_1901, %get3A_1912 : vector<128x128xf32>
    %sub3A_1916 = arith.constant 17408 : i32
    %sub3A_1917 = vector.broadcast %sub3A_1916 : i32 to vector<128x128xi32>
    %sub3A_1918 = arith.subi %broadcast_in_dim3A_5, %sub3A_1917 : vector<128x128xi32>
    %eq3A_1919 = arith.cmpi eq, %iota3A, %sub3A_1918 : vector<128x128xi32>
    %jit3A_1920 = arith.constant 0.000000e+00 : f32
    %broadcast_in_dim3A_1921 = vector.broadcast %jit3A_1920 : f32 to vector<128x128xf32>
    %select_n3A_1922 = arith.select %eq3A_1919, %get3A_1912, %broadcast_in_dim3A_1921 : vector<128x128xi1>, vector<128x128xf32>
    %add3A_1923 = arith.addf %add3A_1909, %select_n3A_1922 : vector<128x128xf32>
    %get3A_1924 = arith.constant 0 : index
    %get3A_1925 = arith.constant 17536 : index
    %get3A_1926 = vector.load %arg3[%get3A_1924, %get3A_1925] : memref<128x32000xf32, #tpu.memory_space<vmem>>, vector<128x128xf32>
    %exp3A_1927 = math.exp %get3A_1926 : vector<128x128xf32>
    %add3A_1928 = arith.addf %add3A_1914, %exp3A_1927 : vector<128x128xf32>
    %add3A_1929 = arith.addf %add3A_1915, %get3A_1926 : vector<128x128xf32>
    %sub3A_1930 = arith.constant 17536 : i32
    %sub3A_1931 = vector.broadcast %sub3A_1930 : i32 to vector<128x128xi32>
    %sub3A_1932 = arith.subi %broadcast_in_dim3A_5, %sub3A_1931 : vector<128x128xi32>
    %eq3A_1933 = arith.cmpi eq, %iota3A, %sub3A_1932 : vector<128x128xi32>
    %jit3A_1934 = arith.constant 0.000000e+00 : f32
    %broadcast_in_dim3A_1935 = vector.broadcast %jit3A_1934 : f32 to vector<128x128xf32>
    %select_n3A_1936 = arith.select %eq3A_1933, %get3A_1926, %broadcast_in_dim3A_1935 : vector<128x128xi1>, vector<128x128xf32>
    %add3A_1937 = arith.addf %add3A_1923, %select_n3A_1936 : vector<128x128xf32>
    %get3A_1938 = arith.constant 0 : index
    %get3A_1939 = arith.constant 17664 : index
    %get3A_1940 = vector.load %arg3[%get3A_1938, %get3A_1939] : memref<128x32000xf32, #tpu.memory_space<vmem>>, vector<128x128xf32>
    %exp3A_1941 = math.exp %get3A_1940 : vector<128x128xf32>
    %add3A_1942 = arith.addf %add3A_1928, %exp3A_1941 : vector<128x128xf32>
    %add3A_1943 = arith.addf %add3A_1929, %get3A_1940 : vector<128x128xf32>
    %sub3A_1944 = arith.constant 17664 : i32
    %sub3A_1945 = vector.broadcast %sub3A_1944 : i32 to vector<128x128xi32>
    %sub3A_1946 = arith.subi %broadcast_in_dim3A_5, %sub3A_1945 : vector<128x128xi32>
    %eq3A_1947 = arith.cmpi eq, %iota3A, %sub3A_1946 : vector<128x128xi32>
    %jit3A_1948 = arith.constant 0.000000e+00 : f32
    %broadcast_in_dim3A_1949 = vector.broadcast %jit3A_1948 : f32 to vector<128x128xf32>
    %select_n3A_1950 = arith.select %eq3A_1947, %get3A_1940, %broadcast_in_dim3A_1949 : vector<128x128xi1>, vector<128x128xf32>
    %add3A_1951 = arith.addf %add3A_1937, %select_n3A_1950 : vector<128x128xf32>
    %get3A_1952 = arith.constant 0 : index
    %get3A_1953 = arith.constant 17792 : index
    %get3A_1954 = vector.load %arg3[%get3A_1952, %get3A_1953] : memref<128x32000xf32, #tpu.memory_space<vmem>>, vector<128x128xf32>
    %exp3A_1955 = math.exp %get3A_1954 : vector<128x128xf32>
    %add3A_1956 = arith.addf %add3A_1942, %exp3A_1955 : vector<128x128xf32>
    %add3A_1957 = arith.addf %add3A_1943, %get3A_1954 : vector<128x128xf32>
    %sub3A_1958 = arith.constant 17792 : i32
    %sub3A_1959 = vector.broadcast %sub3A_1958 : i32 to vector<128x128xi32>
    %sub3A_1960 = arith.subi %broadcast_in_dim3A_5, %sub3A_1959 : vector<128x128xi32>
    %eq3A_1961 = arith.cmpi eq, %iota3A, %sub3A_1960 : vector<128x128xi32>
    %jit3A_1962 = arith.constant 0.000000e+00 : f32
    %broadcast_in_dim3A_1963 = vector.broadcast %jit3A_1962 : f32 to vector<128x128xf32>
    %select_n3A_1964 = arith.select %eq3A_1961, %get3A_1954, %broadcast_in_dim3A_1963 : vector<128x128xi1>, vector<128x128xf32>
    %add3A_1965 = arith.addf %add3A_1951, %select_n3A_1964 : vector<128x128xf32>
    %get3A_1966 = arith.constant 0 : index
    %get3A_1967 = arith.constant 17920 : index
    %get3A_1968 = vector.load %arg3[%get3A_1966, %get3A_1967] : memref<128x32000xf32, #tpu.memory_space<vmem>>, vector<128x128xf32>
    %exp3A_1969 = math.exp %get3A_1968 : vector<128x128xf32>
    %add3A_1970 = arith.addf %add3A_1956, %exp3A_1969 : vector<128x128xf32>
    %add3A_1971 = arith.addf %add3A_1957, %get3A_1968 : vector<128x128xf32>
    %sub3A_1972 = arith.constant 17920 : i32
    %sub3A_1973 = vector.broadcast %sub3A_1972 : i32 to vector<128x128xi32>
    %sub3A_1974 = arith.subi %broadcast_in_dim3A_5, %sub3A_1973 : vector<128x128xi32>
    %eq3A_1975 = arith.cmpi eq, %iota3A, %sub3A_1974 : vector<128x128xi32>
    %jit3A_1976 = arith.constant 0.000000e+00 : f32
    %broadcast_in_dim3A_1977 = vector.broadcast %jit3A_1976 : f32 to vector<128x128xf32>
    %select_n3A_1978 = arith.select %eq3A_1975, %get3A_1968, %broadcast_in_dim3A_1977 : vector<128x128xi1>, vector<128x128xf32>
    %add3A_1979 = arith.addf %add3A_1965, %select_n3A_1978 : vector<128x128xf32>
    %get3A_1980 = arith.constant 0 : index
    %get3A_1981 = arith.constant 18048 : index
    %get3A_1982 = vector.load %arg3[%get3A_1980, %get3A_1981] : memref<128x32000xf32, #tpu.memory_space<vmem>>, vector<128x128xf32>
    %exp3A_1983 = math.exp %get3A_1982 : vector<128x128xf32>
    %add3A_1984 = arith.addf %add3A_1970, %exp3A_1983 : vector<128x128xf32>
    %add3A_1985 = arith.addf %add3A_1971, %get3A_1982 : vector<128x128xf32>
    %sub3A_1986 = arith.constant 18048 : i32
    %sub3A_1987 = vector.broadcast %sub3A_1986 : i32 to vector<128x128xi32>
    %sub3A_1988 = arith.subi %broadcast_in_dim3A_5, %sub3A_1987 : vector<128x128xi32>
    %eq3A_1989 = arith.cmpi eq, %iota3A, %sub3A_1988 : vector<128x128xi32>
    %jit3A_1990 = arith.constant 0.000000e+00 : f32
    %broadcast_in_dim3A_1991 = vector.broadcast %jit3A_1990 : f32 to vector<128x128xf32>
    %select_n3A_1992 = arith.select %eq3A_1989, %get3A_1982, %broadcast_in_dim3A_1991 : vector<128x128xi1>, vector<128x128xf32>
    %add3A_1993 = arith.addf %add3A_1979, %select_n3A_1992 : vector<128x128xf32>
    %get3A_1994 = arith.constant 0 : index
    %get3A_1995 = arith.constant 18176 : index
    %get3A_1996 = vector.load %arg3[%get3A_1994, %get3A_1995] : memref<128x32000xf32, #tpu.memory_space<vmem>>, vector<128x128xf32>
    %exp3A_1997 = math.exp %get3A_1996 : vector<128x128xf32>
    %add3A_1998 = arith.addf %add3A_1984, %exp3A_1997 : vector<128x128xf32>
    %add3A_1999 = arith.addf %add3A_1985, %get3A_1996 : vector<128x128xf32>
    %sub3A_2000 = arith.constant 18176 : i32
    %sub3A_2001 = vector.broadcast %sub3A_2000 : i32 to vector<128x128xi32>
    %sub3A_2002 = arith.subi %broadcast_in_dim3A_5, %sub3A_2001 : vector<128x128xi32>
    %eq3A_2003 = arith.cmpi eq, %iota3A, %sub3A_2002 : vector<128x128xi32>
    %jit3A_2004 = arith.constant 0.000000e+00 : f32
    %broadcast_in_dim3A_2005 = vector.broadcast %jit3A_2004 : f32 to vector<128x128xf32>
    %select_n3A_2006 = arith.select %eq3A_2003, %get3A_1996, %broadcast_in_dim3A_2005 : vector<128x128xi1>, vector<128x128xf32>
    %add3A_2007 = arith.addf %add3A_1993, %select_n3A_2006 : vector<128x128xf32>
    %get3A_2008 = arith.constant 0 : index
    %get3A_2009 = arith.constant 18304 : index
    %get3A_2010 = vector.load %arg3[%get3A_2008, %get3A_2009] : memref<128x32000xf32, #tpu.memory_space<vmem>>, vector<128x128xf32>
    %exp3A_2011 = math.exp %get3A_2010 : vector<128x128xf32>
    %add3A_2012 = arith.addf %add3A_1998, %exp3A_2011 : vector<128x128xf32>
    %add3A_2013 = arith.addf %add3A_1999, %get3A_2010 : vector<128x128xf32>
    %sub3A_2014 = arith.constant 18304 : i32
    %sub3A_2015 = vector.broadcast %sub3A_2014 : i32 to vector<128x128xi32>
    %sub3A_2016 = arith.subi %broadcast_in_dim3A_5, %sub3A_2015 : vector<128x128xi32>
    %eq3A_2017 = arith.cmpi eq, %iota3A, %sub3A_2016 : vector<128x128xi32>
    %jit3A_2018 = arith.constant 0.000000e+00 : f32
    %broadcast_in_dim3A_2019 = vector.broadcast %jit3A_2018 : f32 to vector<128x128xf32>
    %select_n3A_2020 = arith.select %eq3A_2017, %get3A_2010, %broadcast_in_dim3A_2019 : vector<128x128xi1>, vector<128x128xf32>
    %add3A_2021 = arith.addf %add3A_2007, %select_n3A_2020 : vector<128x128xf32>
    %get3A_2022 = arith.constant 0 : index
    %get3A_2023 = arith.constant 18432 : index
    %get3A_2024 = vector.load %arg3[%get3A_2022, %get3A_2023] : memref<128x32000xf32, #tpu.memory_space<vmem>>, vector<128x128xf32>
    %exp3A_2025 = math.exp %get3A_2024 : vector<128x128xf32>
    %add3A_2026 = arith.addf %add3A_2012, %exp3A_2025 : vector<128x128xf32>
    %add3A_2027 = arith.addf %add3A_2013, %get3A_2024 : vector<128x128xf32>
    %sub3A_2028 = arith.constant 18432 : i32
    %sub3A_2029 = vector.broadcast %sub3A_2028 : i32 to vector<128x128xi32>
    %sub3A_2030 = arith.subi %broadcast_in_dim3A_5, %sub3A_2029 : vector<128x128xi32>
    %eq3A_2031 = arith.cmpi eq, %iota3A, %sub3A_2030 : vector<128x128xi32>
    %jit3A_2032 = arith.constant 0.000000e+00 : f32
    %broadcast_in_dim3A_2033 = vector.broadcast %jit3A_2032 : f32 to vector<128x128xf32>
    %select_n3A_2034 = arith.select %eq3A_2031, %get3A_2024, %broadcast_in_dim3A_2033 : vector<128x128xi1>, vector<128x128xf32>
    %add3A_2035 = arith.addf %add3A_2021, %select_n3A_2034 : vector<128x128xf32>
    %get3A_2036 = arith.constant 0 : index
    %get3A_2037 = arith.constant 18560 : index
    %get3A_2038 = vector.load %arg3[%get3A_2036, %get3A_2037] : memref<128x32000xf32, #tpu.memory_space<vmem>>, vector<128x128xf32>
    %exp3A_2039 = math.exp %get3A_2038 : vector<128x128xf32>
    %add3A_2040 = arith.addf %add3A_2026, %exp3A_2039 : vector<128x128xf32>
    %add3A_2041 = arith.addf %add3A_2027, %get3A_2038 : vector<128x128xf32>
    %sub3A_2042 = arith.constant 18560 : i32
    %sub3A_2043 = vector.broadcast %sub3A_2042 : i32 to vector<128x128xi32>
    %sub3A_2044 = arith.subi %broadcast_in_dim3A_5, %sub3A_2043 : vector<128x128xi32>
    %eq3A_2045 = arith.cmpi eq, %iota3A, %sub3A_2044 : vector<128x128xi32>
    %jit3A_2046 = arith.constant 0.000000e+00 : f32
    %broadcast_in_dim3A_2047 = vector.broadcast %jit3A_2046 : f32 to vector<128x128xf32>
    %select_n3A_2048 = arith.select %eq3A_2045, %get3A_2038, %broadcast_in_dim3A_2047 : vector<128x128xi1>, vector<128x128xf32>
    %add3A_2049 = arith.addf %add3A_2035, %select_n3A_2048 : vector<128x128xf32>
    %get3A_2050 = arith.constant 0 : index
    %get3A_2051 = arith.constant 18688 : index
    %get3A_2052 = vector.load %arg3[%get3A_2050, %get3A_2051] : memref<128x32000xf32, #tpu.memory_space<vmem>>, vector<128x128xf32>
    %exp3A_2053 = math.exp %get3A_2052 : vector<128x128xf32>
    %add3A_2054 = arith.addf %add3A_2040, %exp3A_2053 : vector<128x128xf32>
    %add3A_2055 = arith.addf %add3A_2041, %get3A_2052 : vector<128x128xf32>
    %sub3A_2056 = arith.constant 18688 : i32
    %sub3A_2057 = vector.broadcast %sub3A_2056 : i32 to vector<128x128xi32>
    %sub3A_2058 = arith.subi %broadcast_in_dim3A_5, %sub3A_2057 : vector<128x128xi32>
    %eq3A_2059 = arith.cmpi eq, %iota3A, %sub3A_2058 : vector<128x128xi32>
    %jit3A_2060 = arith.constant 0.000000e+00 : f32
    %broadcast_in_dim3A_2061 = vector.broadcast %jit3A_2060 : f32 to vector<128x128xf32>
    %select_n3A_2062 = arith.select %eq3A_2059, %get3A_2052, %broadcast_in_dim3A_2061 : vector<128x128xi1>, vector<128x128xf32>
    %add3A_2063 = arith.addf %add3A_2049, %select_n3A_2062 : vector<128x128xf32>
    %get3A_2064 = arith.constant 0 : index
    %get3A_2065 = arith.constant 18816 : index
    %get3A_2066 = vector.load %arg3[%get3A_2064, %get3A_2065] : memref<128x32000xf32, #tpu.memory_space<vmem>>, vector<128x128xf32>
    %exp3A_2067 = math.exp %get3A_2066 : vector<128x128xf32>
    %add3A_2068 = arith.addf %add3A_2054, %exp3A_2067 : vector<128x128xf32>
    %add3A_2069 = arith.addf %add3A_2055, %get3A_2066 : vector<128x128xf32>
    %sub3A_2070 = arith.constant 18816 : i32
    %sub3A_2071 = vector.broadcast %sub3A_2070 : i32 to vector<128x128xi32>
    %sub3A_2072 = arith.subi %broadcast_in_dim3A_5, %sub3A_2071 : vector<128x128xi32>
    %eq3A_2073 = arith.cmpi eq, %iota3A, %sub3A_2072 : vector<128x128xi32>
    %jit3A_2074 = arith.constant 0.000000e+00 : f32
    %broadcast_in_dim3A_2075 = vector.broadcast %jit3A_2074 : f32 to vector<128x128xf32>
    %select_n3A_2076 = arith.select %eq3A_2073, %get3A_2066, %broadcast_in_dim3A_2075 : vector<128x128xi1>, vector<128x128xf32>
    %add3A_2077 = arith.addf %add3A_2063, %select_n3A_2076 : vector<128x128xf32>
    %get3A_2078 = arith.constant 0 : index
    %get3A_2079 = arith.constant 18944 : index
    %get3A_2080 = vector.load %arg3[%get3A_2078, %get3A_2079] : memref<128x32000xf32, #tpu.memory_space<vmem>>, vector<128x128xf32>
    %exp3A_2081 = math.exp %get3A_2080 : vector<128x128xf32>
    %add3A_2082 = arith.addf %add3A_2068, %exp3A_2081 : vector<128x128xf32>
    %add3A_2083 = arith.addf %add3A_2069, %get3A_2080 : vector<128x128xf32>
    %sub3A_2084 = arith.constant 18944 : i32
    %sub3A_2085 = vector.broadcast %sub3A_2084 : i32 to vector<128x128xi32>
    %sub3A_2086 = arith.subi %broadcast_in_dim3A_5, %sub3A_2085 : vector<128x128xi32>
    %eq3A_2087 = arith.cmpi eq, %iota3A, %sub3A_2086 : vector<128x128xi32>
    %jit3A_2088 = arith.constant 0.000000e+00 : f32
    %broadcast_in_dim3A_2089 = vector.broadcast %jit3A_2088 : f32 to vector<128x128xf32>
    %select_n3A_2090 = arith.select %eq3A_2087, %get3A_2080, %broadcast_in_dim3A_2089 : vector<128x128xi1>, vector<128x128xf32>
    %add3A_2091 = arith.addf %add3A_2077, %select_n3A_2090 : vector<128x128xf32>
    %get3A_2092 = arith.constant 0 : index
    %get3A_2093 = arith.constant 19072 : index
    %get3A_2094 = vector.load %arg3[%get3A_2092, %get3A_2093] : memref<128x32000xf32, #tpu.memory_space<vmem>>, vector<128x128xf32>
    %exp3A_2095 = math.exp %get3A_2094 : vector<128x128xf32>
    %add3A_2096 = arith.addf %add3A_2082, %exp3A_2095 : vector<128x128xf32>
    %add3A_2097 = arith.addf %add3A_2083, %get3A_2094 : vector<128x128xf32>
    %sub3A_2098 = arith.constant 19072 : i32
    %sub3A_2099 = vector.broadcast %sub3A_2098 : i32 to vector<128x128xi32>
    %sub3A_2100 = arith.subi %broadcast_in_dim3A_5, %sub3A_2099 : vector<128x128xi32>
    %eq3A_2101 = arith.cmpi eq, %iota3A, %sub3A_2100 : vector<128x128xi32>
    %jit3A_2102 = arith.constant 0.000000e+00 : f32
    %broadcast_in_dim3A_2103 = vector.broadcast %jit3A_2102 : f32 to vector<128x128xf32>
    %select_n3A_2104 = arith.select %eq3A_2101, %get3A_2094, %broadcast_in_dim3A_2103 : vector<128x128xi1>, vector<128x128xf32>
    %add3A_2105 = arith.addf %add3A_2091, %select_n3A_2104 : vector<128x128xf32>
    %get3A_2106 = arith.constant 0 : index
    %get3A_2107 = arith.constant 19200 : index
    %get3A_2108 = vector.load %arg3[%get3A_2106, %get3A_2107] : memref<128x32000xf32, #tpu.memory_space<vmem>>, vector<128x128xf32>
    %exp3A_2109 = math.exp %get3A_2108 : vector<128x128xf32>
    %add3A_2110 = arith.addf %add3A_2096, %exp3A_2109 : vector<128x128xf32>
    %add3A_2111 = arith.addf %add3A_2097, %get3A_2108 : vector<128x128xf32>
    %sub3A_2112 = arith.constant 19200 : i32
    %sub3A_2113 = vector.broadcast %sub3A_2112 : i32 to vector<128x128xi32>
    %sub3A_2114 = arith.subi %broadcast_in_dim3A_5, %sub3A_2113 : vector<128x128xi32>
    %eq3A_2115 = arith.cmpi eq, %iota3A, %sub3A_2114 : vector<128x128xi32>
    %jit3A_2116 = arith.constant 0.000000e+00 : f32
    %broadcast_in_dim3A_2117 = vector.broadcast %jit3A_2116 : f32 to vector<128x128xf32>
    %select_n3A_2118 = arith.select %eq3A_2115, %get3A_2108, %broadcast_in_dim3A_2117 : vector<128x128xi1>, vector<128x128xf32>
    %add3A_2119 = arith.addf %add3A_2105, %select_n3A_2118 : vector<128x128xf32>
    %get3A_2120 = arith.constant 0 : index
    %get3A_2121 = arith.constant 19328 : index
    %get3A_2122 = vector.load %arg3[%get3A_2120, %get3A_2121] : memref<128x32000xf32, #tpu.memory_space<vmem>>, vector<128x128xf32>
    %exp3A_2123 = math.exp %get3A_2122 : vector<128x128xf32>
    %add3A_2124 = arith.addf %add3A_2110, %exp3A_2123 : vector<128x128xf32>
    %add3A_2125 = arith.addf %add3A_2111, %get3A_2122 : vector<128x128xf32>
    %sub3A_2126 = arith.constant 19328 : i32
    %sub3A_2127 = vector.broadcast %sub3A_2126 : i32 to vector<128x128xi32>
    %sub3A_2128 = arith.subi %broadcast_in_dim3A_5, %sub3A_2127 : vector<128x128xi32>
    %eq3A_2129 = arith.cmpi eq, %iota3A, %sub3A_2128 : vector<128x128xi32>
    %jit3A_2130 = arith.constant 0.000000e+00 : f32
    %broadcast_in_dim3A_2131 = vector.broadcast %jit3A_2130 : f32 to vector<128x128xf32>
    %select_n3A_2132 = arith.select %eq3A_2129, %get3A_2122, %broadcast_in_dim3A_2131 : vector<128x128xi1>, vector<128x128xf32>
    %add3A_2133 = arith.addf %add3A_2119, %select_n3A_2132 : vector<128x128xf32>
    %get3A_2134 = arith.constant 0 : index
    %get3A_2135 = arith.constant 19456 : index
    %get3A_2136 = vector.load %arg3[%get3A_2134, %get3A_2135] : memref<128x32000xf32, #tpu.memory_space<vmem>>, vector<128x128xf32>
    %exp3A_2137 = math.exp %get3A_2136 : vector<128x128xf32>
    %add3A_2138 = arith.addf %add3A_2124, %exp3A_2137 : vector<128x128xf32>
    %add3A_2139 = arith.addf %add3A_2125, %get3A_2136 : vector<128x128xf32>
    %sub3A_2140 = arith.constant 19456 : i32
    %sub3A_2141 = vector.broadcast %sub3A_2140 : i32 to vector<128x128xi32>
    %sub3A_2142 = arith.subi %broadcast_in_dim3A_5, %sub3A_2141 : vector<128x128xi32>
    %eq3A_2143 = arith.cmpi eq, %iota3A, %sub3A_2142 : vector<128x128xi32>
    %jit3A_2144 = arith.constant 0.000000e+00 : f32
    %broadcast_in_dim3A_2145 = vector.broadcast %jit3A_2144 : f32 to vector<128x128xf32>
    %select_n3A_2146 = arith.select %eq3A_2143, %get3A_2136, %broadcast_in_dim3A_2145 : vector<128x128xi1>, vector<128x128xf32>
    %add3A_2147 = arith.addf %add3A_2133, %select_n3A_2146 : vector<128x128xf32>
    %get3A_2148 = arith.constant 0 : index
    %get3A_2149 = arith.constant 19584 : index
    %get3A_2150 = vector.load %arg3[%get3A_2148, %get3A_2149] : memref<128x32000xf32, #tpu.memory_space<vmem>>, vector<128x128xf32>
    %exp3A_2151 = math.exp %get3A_2150 : vector<128x128xf32>
    %add3A_2152 = arith.addf %add3A_2138, %exp3A_2151 : vector<128x128xf32>
    %add3A_2153 = arith.addf %add3A_2139, %get3A_2150 : vector<128x128xf32>
    %sub3A_2154 = arith.constant 19584 : i32
    %sub3A_2155 = vector.broadcast %sub3A_2154 : i32 to vector<128x128xi32>
    %sub3A_2156 = arith.subi %broadcast_in_dim3A_5, %sub3A_2155 : vector<128x128xi32>
    %eq3A_2157 = arith.cmpi eq, %iota3A, %sub3A_2156 : vector<128x128xi32>
    %jit3A_2158 = arith.constant 0.000000e+00 : f32
    %broadcast_in_dim3A_2159 = vector.broadcast %jit3A_2158 : f32 to vector<128x128xf32>
    %select_n3A_2160 = arith.select %eq3A_2157, %get3A_2150, %broadcast_in_dim3A_2159 : vector<128x128xi1>, vector<128x128xf32>
    %add3A_2161 = arith.addf %add3A_2147, %select_n3A_2160 : vector<128x128xf32>
    %get3A_2162 = arith.constant 0 : index
    %get3A_2163 = arith.constant 19712 : index
    %get3A_2164 = vector.load %arg3[%get3A_2162, %get3A_2163] : memref<128x32000xf32, #tpu.memory_space<vmem>>, vector<128x128xf32>
    %exp3A_2165 = math.exp %get3A_2164 : vector<128x128xf32>
    %add3A_2166 = arith.addf %add3A_2152, %exp3A_2165 : vector<128x128xf32>
    %add3A_2167 = arith.addf %add3A_2153, %get3A_2164 : vector<128x128xf32>
    %sub3A_2168 = arith.constant 19712 : i32
    %sub3A_2169 = vector.broadcast %sub3A_2168 : i32 to vector<128x128xi32>
    %sub3A_2170 = arith.subi %broadcast_in_dim3A_5, %sub3A_2169 : vector<128x128xi32>
    %eq3A_2171 = arith.cmpi eq, %iota3A, %sub3A_2170 : vector<128x128xi32>
    %jit3A_2172 = arith.constant 0.000000e+00 : f32
    %broadcast_in_dim3A_2173 = vector.broadcast %jit3A_2172 : f32 to vector<128x128xf32>
    %select_n3A_2174 = arith.select %eq3A_2171, %get3A_2164, %broadcast_in_dim3A_2173 : vector<128x128xi1>, vector<128x128xf32>
    %add3A_2175 = arith.addf %add3A_2161, %select_n3A_2174 : vector<128x128xf32>
    %get3A_2176 = arith.constant 0 : index
    %get3A_2177 = arith.constant 19840 : index
    %get3A_2178 = vector.load %arg3[%get3A_2176, %get3A_2177] : memref<128x32000xf32, #tpu.memory_space<vmem>>, vector<128x128xf32>
    %exp3A_2179 = math.exp %get3A_2178 : vector<128x128xf32>
    %add3A_2180 = arith.addf %add3A_2166, %exp3A_2179 : vector<128x128xf32>
    %add3A_2181 = arith.addf %add3A_2167, %get3A_2178 : vector<128x128xf32>
    %sub3A_2182 = arith.constant 19840 : i32
    %sub3A_2183 = vector.broadcast %sub3A_2182 : i32 to vector<128x128xi32>
    %sub3A_2184 = arith.subi %broadcast_in_dim3A_5, %sub3A_2183 : vector<128x128xi32>
    %eq3A_2185 = arith.cmpi eq, %iota3A, %sub3A_2184 : vector<128x128xi32>
    %jit3A_2186 = arith.constant 0.000000e+00 : f32
    %broadcast_in_dim3A_2187 = vector.broadcast %jit3A_2186 : f32 to vector<128x128xf32>
    %select_n3A_2188 = arith.select %eq3A_2185, %get3A_2178, %broadcast_in_dim3A_2187 : vector<128x128xi1>, vector<128x128xf32>
    %add3A_2189 = arith.addf %add3A_2175, %select_n3A_2188 : vector<128x128xf32>
    %get3A_2190 = arith.constant 0 : index
    %get3A_2191 = arith.constant 19968 : index
    %get3A_2192 = vector.load %arg3[%get3A_2190, %get3A_2191] : memref<128x32000xf32, #tpu.memory_space<vmem>>, vector<128x128xf32>
    %exp3A_2193 = math.exp %get3A_2192 : vector<128x128xf32>
    %add3A_2194 = arith.addf %add3A_2180, %exp3A_2193 : vector<128x128xf32>
    %add3A_2195 = arith.addf %add3A_2181, %get3A_2192 : vector<128x128xf32>
    %sub3A_2196 = arith.constant 19968 : i32
    %sub3A_2197 = vector.broadcast %sub3A_2196 : i32 to vector<128x128xi32>
    %sub3A_2198 = arith.subi %broadcast_in_dim3A_5, %sub3A_2197 : vector<128x128xi32>
    %eq3A_2199 = arith.cmpi eq, %iota3A, %sub3A_2198 : vector<128x128xi32>
    %jit3A_2200 = arith.constant 0.000000e+00 : f32
    %broadcast_in_dim3A_2201 = vector.broadcast %jit3A_2200 : f32 to vector<128x128xf32>
    %select_n3A_2202 = arith.select %eq3A_2199, %get3A_2192, %broadcast_in_dim3A_2201 : vector<128x128xi1>, vector<128x128xf32>
    %add3A_2203 = arith.addf %add3A_2189, %select_n3A_2202 : vector<128x128xf32>
    %get3A_2204 = arith.constant 0 : index
    %get3A_2205 = arith.constant 20096 : index
    %get3A_2206 = vector.load %arg3[%get3A_2204, %get3A_2205] : memref<128x32000xf32, #tpu.memory_space<vmem>>, vector<128x128xf32>
    %exp3A_2207 = math.exp %get3A_2206 : vector<128x128xf32>
    %add3A_2208 = arith.addf %add3A_2194, %exp3A_2207 : vector<128x128xf32>
    %add3A_2209 = arith.addf %add3A_2195, %get3A_2206 : vector<128x128xf32>
    %sub3A_2210 = arith.constant 20096 : i32
    %sub3A_2211 = vector.broadcast %sub3A_2210 : i32 to vector<128x128xi32>
    %sub3A_2212 = arith.subi %broadcast_in_dim3A_5, %sub3A_2211 : vector<128x128xi32>
    %eq3A_2213 = arith.cmpi eq, %iota3A, %sub3A_2212 : vector<128x128xi32>
    %jit3A_2214 = arith.constant 0.000000e+00 : f32
    %broadcast_in_dim3A_2215 = vector.broadcast %jit3A_2214 : f32 to vector<128x128xf32>
    %select_n3A_2216 = arith.select %eq3A_2213, %get3A_2206, %broadcast_in_dim3A_2215 : vector<128x128xi1>, vector<128x128xf32>
    %add3A_2217 = arith.addf %add3A_2203, %select_n3A_2216 : vector<128x128xf32>
    %get3A_2218 = arith.constant 0 : index
    %get3A_2219 = arith.constant 20224 : index
    %get3A_2220 = vector.load %arg3[%get3A_2218, %get3A_2219] : memref<128x32000xf32, #tpu.memory_space<vmem>>, vector<128x128xf32>
    %exp3A_2221 = math.exp %get3A_2220 : vector<128x128xf32>
    %add3A_2222 = arith.addf %add3A_2208, %exp3A_2221 : vector<128x128xf32>
    %add3A_2223 = arith.addf %add3A_2209, %get3A_2220 : vector<128x128xf32>
    %sub3A_2224 = arith.constant 20224 : i32
    %sub3A_2225 = vector.broadcast %sub3A_2224 : i32 to vector<128x128xi32>
    %sub3A_2226 = arith.subi %broadcast_in_dim3A_5, %sub3A_2225 : vector<128x128xi32>
    %eq3A_2227 = arith.cmpi eq, %iota3A, %sub3A_2226 : vector<128x128xi32>
    %jit3A_2228 = arith.constant 0.000000e+00 : f32
    %broadcast_in_dim3A_2229 = vector.broadcast %jit3A_2228 : f32 to vector<128x128xf32>
    %select_n3A_2230 = arith.select %eq3A_2227, %get3A_2220, %broadcast_in_dim3A_2229 : vector<128x128xi1>, vector<128x128xf32>
    %add3A_2231 = arith.addf %add3A_2217, %select_n3A_2230 : vector<128x128xf32>
    %get3A_2232 = arith.constant 0 : index
    %get3A_2233 = arith.constant 20352 : index
    %get3A_2234 = vector.load %arg3[%get3A_2232, %get3A_2233] : memref<128x32000xf32, #tpu.memory_space<vmem>>, vector<128x128xf32>
    %exp3A_2235 = math.exp %get3A_2234 : vector<128x128xf32>
    %add3A_2236 = arith.addf %add3A_2222, %exp3A_2235 : vector<128x128xf32>
    %add3A_2237 = arith.addf %add3A_2223, %get3A_2234 : vector<128x128xf32>
    %sub3A_2238 = arith.constant 20352 : i32
    %sub3A_2239 = vector.broadcast %sub3A_2238 : i32 to vector<128x128xi32>
    %sub3A_2240 = arith.subi %broadcast_in_dim3A_5, %sub3A_2239 : vector<128x128xi32>
    %eq3A_2241 = arith.cmpi eq, %iota3A, %sub3A_2240 : vector<128x128xi32>
    %jit3A_2242 = arith.constant 0.000000e+00 : f32
    %broadcast_in_dim3A_2243 = vector.broadcast %jit3A_2242 : f32 to vector<128x128xf32>
    %select_n3A_2244 = arith.select %eq3A_2241, %get3A_2234, %broadcast_in_dim3A_2243 : vector<128x128xi1>, vector<128x128xf32>
    %add3A_2245 = arith.addf %add3A_2231, %select_n3A_2244 : vector<128x128xf32>
    %get3A_2246 = arith.constant 0 : index
    %get3A_2247 = arith.constant 20480 : index
    %get3A_2248 = vector.load %arg3[%get3A_2246, %get3A_2247] : memref<128x32000xf32, #tpu.memory_space<vmem>>, vector<128x128xf32>
    %exp3A_2249 = math.exp %get3A_2248 : vector<128x128xf32>
    %add3A_2250 = arith.addf %add3A_2236, %exp3A_2249 : vector<128x128xf32>
    %add3A_2251 = arith.addf %add3A_2237, %get3A_2248 : vector<128x128xf32>
    %sub3A_2252 = arith.constant 20480 : i32
    %sub3A_2253 = vector.broadcast %sub3A_2252 : i32 to vector<128x128xi32>
    %sub3A_2254 = arith.subi %broadcast_in_dim3A_5, %sub3A_2253 : vector<128x128xi32>
    %eq3A_2255 = arith.cmpi eq, %iota3A, %sub3A_2254 : vector<128x128xi32>
    %jit3A_2256 = arith.constant 0.000000e+00 : f32
    %broadcast_in_dim3A_2257 = vector.broadcast %jit3A_2256 : f32 to vector<128x128xf32>
    %select_n3A_2258 = arith.select %eq3A_2255, %get3A_2248, %broadcast_in_dim3A_2257 : vector<128x128xi1>, vector<128x128xf32>
    %add3A_2259 = arith.addf %add3A_2245, %select_n3A_2258 : vector<128x128xf32>
    %get3A_2260 = arith.constant 0 : index
    %get3A_2261 = arith.constant 20608 : index
    %get3A_2262 = vector.load %arg3[%get3A_2260, %get3A_2261] : memref<128x32000xf32, #tpu.memory_space<vmem>>, vector<128x128xf32>
    %exp3A_2263 = math.exp %get3A_2262 : vector<128x128xf32>
    %add3A_2264 = arith.addf %add3A_2250, %exp3A_2263 : vector<128x128xf32>
    %add3A_2265 = arith.addf %add3A_2251, %get3A_2262 : vector<128x128xf32>
    %sub3A_2266 = arith.constant 20608 : i32
    %sub3A_2267 = vector.broadcast %sub3A_2266 : i32 to vector<128x128xi32>
    %sub3A_2268 = arith.subi %broadcast_in_dim3A_5, %sub3A_2267 : vector<128x128xi32>
    %eq3A_2269 = arith.cmpi eq, %iota3A, %sub3A_2268 : vector<128x128xi32>
    %jit3A_2270 = arith.constant 0.000000e+00 : f32
    %broadcast_in_dim3A_2271 = vector.broadcast %jit3A_2270 : f32 to vector<128x128xf32>
    %select_n3A_2272 = arith.select %eq3A_2269, %get3A_2262, %broadcast_in_dim3A_2271 : vector<128x128xi1>, vector<128x128xf32>
    %add3A_2273 = arith.addf %add3A_2259, %select_n3A_2272 : vector<128x128xf32>
    %get3A_2274 = arith.constant 0 : index
    %get3A_2275 = arith.constant 20736 : index
    %get3A_2276 = vector.load %arg3[%get3A_2274, %get3A_2275] : memref<128x32000xf32, #tpu.memory_space<vmem>>, vector<128x128xf32>
    %exp3A_2277 = math.exp %get3A_2276 : vector<128x128xf32>
    %add3A_2278 = arith.addf %add3A_2264, %exp3A_2277 : vector<128x128xf32>
    %add3A_2279 = arith.addf %add3A_2265, %get3A_2276 : vector<128x128xf32>
    %sub3A_2280 = arith.constant 20736 : i32
    %sub3A_2281 = vector.broadcast %sub3A_2280 : i32 to vector<128x128xi32>
    %sub3A_2282 = arith.subi %broadcast_in_dim3A_5, %sub3A_2281 : vector<128x128xi32>
    %eq3A_2283 = arith.cmpi eq, %iota3A, %sub3A_2282 : vector<128x128xi32>
    %jit3A_2284 = arith.constant 0.000000e+00 : f32
    %broadcast_in_dim3A_2285 = vector.broadcast %jit3A_2284 : f32 to vector<128x128xf32>
    %select_n3A_2286 = arith.select %eq3A_2283, %get3A_2276, %broadcast_in_dim3A_2285 : vector<128x128xi1>, vector<128x128xf32>
    %add3A_2287 = arith.addf %add3A_2273, %select_n3A_2286 : vector<128x128xf32>
    %get3A_2288 = arith.constant 0 : index
    %get3A_2289 = arith.constant 20864 : index
    %get3A_2290 = vector.load %arg3[%get3A_2288, %get3A_2289] : memref<128x32000xf32, #tpu.memory_space<vmem>>, vector<128x128xf32>
    %exp3A_2291 = math.exp %get3A_2290 : vector<128x128xf32>
    %add3A_2292 = arith.addf %add3A_2278, %exp3A_2291 : vector<128x128xf32>
    %add3A_2293 = arith.addf %add3A_2279, %get3A_2290 : vector<128x128xf32>
    %sub3A_2294 = arith.constant 20864 : i32
    %sub3A_2295 = vector.broadcast %sub3A_2294 : i32 to vector<128x128xi32>
    %sub3A_2296 = arith.subi %broadcast_in_dim3A_5, %sub3A_2295 : vector<128x128xi32>
    %eq3A_2297 = arith.cmpi eq, %iota3A, %sub3A_2296 : vector<128x128xi32>
    %jit3A_2298 = arith.constant 0.000000e+00 : f32
    %broadcast_in_dim3A_2299 = vector.broadcast %jit3A_2298 : f32 to vector<128x128xf32>
    %select_n3A_2300 = arith.select %eq3A_2297, %get3A_2290, %broadcast_in_dim3A_2299 : vector<128x128xi1>, vector<128x128xf32>
    %add3A_2301 = arith.addf %add3A_2287, %select_n3A_2300 : vector<128x128xf32>
    %get3A_2302 = arith.constant 0 : index
    %get3A_2303 = arith.constant 20992 : index
    %get3A_2304 = vector.load %arg3[%get3A_2302, %get3A_2303] : memref<128x32000xf32, #tpu.memory_space<vmem>>, vector<128x128xf32>
    %exp3A_2305 = math.exp %get3A_2304 : vector<128x128xf32>
    %add3A_2306 = arith.addf %add3A_2292, %exp3A_2305 : vector<128x128xf32>
    %add3A_2307 = arith.addf %add3A_2293, %get3A_2304 : vector<128x128xf32>
    %sub3A_2308 = arith.constant 20992 : i32
    %sub3A_2309 = vector.broadcast %sub3A_2308 : i32 to vector<128x128xi32>
    %sub3A_2310 = arith.subi %broadcast_in_dim3A_5, %sub3A_2309 : vector<128x128xi32>
    %eq3A_2311 = arith.cmpi eq, %iota3A, %sub3A_2310 : vector<128x128xi32>
    %jit3A_2312 = arith.constant 0.000000e+00 : f32
    %broadcast_in_dim3A_2313 = vector.broadcast %jit3A_2312 : f32 to vector<128x128xf32>
    %select_n3A_2314 = arith.select %eq3A_2311, %get3A_2304, %broadcast_in_dim3A_2313 : vector<128x128xi1>, vector<128x128xf32>
    %add3A_2315 = arith.addf %add3A_2301, %select_n3A_2314 : vector<128x128xf32>
    %get3A_2316 = arith.constant 0 : index
    %get3A_2317 = arith.constant 21120 : index
    %get3A_2318 = vector.load %arg3[%get3A_2316, %get3A_2317] : memref<128x32000xf32, #tpu.memory_space<vmem>>, vector<128x128xf32>
    %exp3A_2319 = math.exp %get3A_2318 : vector<128x128xf32>
    %add3A_2320 = arith.addf %add3A_2306, %exp3A_2319 : vector<128x128xf32>
    %add3A_2321 = arith.addf %add3A_2307, %get3A_2318 : vector<128x128xf32>
    %sub3A_2322 = arith.constant 21120 : i32
    %sub3A_2323 = vector.broadcast %sub3A_2322 : i32 to vector<128x128xi32>
    %sub3A_2324 = arith.subi %broadcast_in_dim3A_5, %sub3A_2323 : vector<128x128xi32>
    %eq3A_2325 = arith.cmpi eq, %iota3A, %sub3A_2324 : vector<128x128xi32>
    %jit3A_2326 = arith.constant 0.000000e+00 : f32
    %broadcast_in_dim3A_2327 = vector.broadcast %jit3A_2326 : f32 to vector<128x128xf32>
    %select_n3A_2328 = arith.select %eq3A_2325, %get3A_2318, %broadcast_in_dim3A_2327 : vector<128x128xi1>, vector<128x128xf32>
    %add3A_2329 = arith.addf %add3A_2315, %select_n3A_2328 : vector<128x128xf32>
    %get3A_2330 = arith.constant 0 : index
    %get3A_2331 = arith.constant 21248 : index
    %get3A_2332 = vector.load %arg3[%get3A_2330, %get3A_2331] : memref<128x32000xf32, #tpu.memory_space<vmem>>, vector<128x128xf32>
    %exp3A_2333 = math.exp %get3A_2332 : vector<128x128xf32>
    %add3A_2334 = arith.addf %add3A_2320, %exp3A_2333 : vector<128x128xf32>
    %add3A_2335 = arith.addf %add3A_2321, %get3A_2332 : vector<128x128xf32>
    %sub3A_2336 = arith.constant 21248 : i32
    %sub3A_2337 = vector.broadcast %sub3A_2336 : i32 to vector<128x128xi32>
    %sub3A_2338 = arith.subi %broadcast_in_dim3A_5, %sub3A_2337 : vector<128x128xi32>
    %eq3A_2339 = arith.cmpi eq, %iota3A, %sub3A_2338 : vector<128x128xi32>
    %jit3A_2340 = arith.constant 0.000000e+00 : f32
    %broadcast_in_dim3A_2341 = vector.broadcast %jit3A_2340 : f32 to vector<128x128xf32>
    %select_n3A_2342 = arith.select %eq3A_2339, %get3A_2332, %broadcast_in_dim3A_2341 : vector<128x128xi1>, vector<128x128xf32>
    %add3A_2343 = arith.addf %add3A_2329, %select_n3A_2342 : vector<128x128xf32>
    %get3A_2344 = arith.constant 0 : index
    %get3A_2345 = arith.constant 21376 : index
    %get3A_2346 = vector.load %arg3[%get3A_2344, %get3A_2345] : memref<128x32000xf32, #tpu.memory_space<vmem>>, vector<128x128xf32>
    %exp3A_2347 = math.exp %get3A_2346 : vector<128x128xf32>
    %add3A_2348 = arith.addf %add3A_2334, %exp3A_2347 : vector<128x128xf32>
    %add3A_2349 = arith.addf %add3A_2335, %get3A_2346 : vector<128x128xf32>
    %sub3A_2350 = arith.constant 21376 : i32
    %sub3A_2351 = vector.broadcast %sub3A_2350 : i32 to vector<128x128xi32>
    %sub3A_2352 = arith.subi %broadcast_in_dim3A_5, %sub3A_2351 : vector<128x128xi32>
    %eq3A_2353 = arith.cmpi eq, %iota3A, %sub3A_2352 : vector<128x128xi32>
    %jit3A_2354 = arith.constant 0.000000e+00 : f32
    %broadcast_in_dim3A_2355 = vector.broadcast %jit3A_2354 : f32 to vector<128x128xf32>
    %select_n3A_2356 = arith.select %eq3A_2353, %get3A_2346, %broadcast_in_dim3A_2355 : vector<128x128xi1>, vector<128x128xf32>
    %add3A_2357 = arith.addf %add3A_2343, %select_n3A_2356 : vector<128x128xf32>
    %get3A_2358 = arith.constant 0 : index
    %get3A_2359 = arith.constant 21504 : index
    %get3A_2360 = vector.load %arg3[%get3A_2358, %get3A_2359] : memref<128x32000xf32, #tpu.memory_space<vmem>>, vector<128x128xf32>
    %exp3A_2361 = math.exp %get3A_2360 : vector<128x128xf32>
    %add3A_2362 = arith.addf %add3A_2348, %exp3A_2361 : vector<128x128xf32>
    %add3A_2363 = arith.addf %add3A_2349, %get3A_2360 : vector<128x128xf32>
    %sub3A_2364 = arith.constant 21504 : i32
    %sub3A_2365 = vector.broadcast %sub3A_2364 : i32 to vector<128x128xi32>
    %sub3A_2366 = arith.subi %broadcast_in_dim3A_5, %sub3A_2365 : vector<128x128xi32>
    %eq3A_2367 = arith.cmpi eq, %iota3A, %sub3A_2366 : vector<128x128xi32>
    %jit3A_2368 = arith.constant 0.000000e+00 : f32
    %broadcast_in_dim3A_2369 = vector.broadcast %jit3A_2368 : f32 to vector<128x128xf32>
    %select_n3A_2370 = arith.select %eq3A_2367, %get3A_2360, %broadcast_in_dim3A_2369 : vector<128x128xi1>, vector<128x128xf32>
    %add3A_2371 = arith.addf %add3A_2357, %select_n3A_2370 : vector<128x128xf32>
    %get3A_2372 = arith.constant 0 : index
    %get3A_2373 = arith.constant 21632 : index
    %get3A_2374 = vector.load %arg3[%get3A_2372, %get3A_2373] : memref<128x32000xf32, #tpu.memory_space<vmem>>, vector<128x128xf32>
    %exp3A_2375 = math.exp %get3A_2374 : vector<128x128xf32>
    %add3A_2376 = arith.addf %add3A_2362, %exp3A_2375 : vector<128x128xf32>
    %add3A_2377 = arith.addf %add3A_2363, %get3A_2374 : vector<128x128xf32>
    %sub3A_2378 = arith.constant 21632 : i32
    %sub3A_2379 = vector.broadcast %sub3A_2378 : i32 to vector<128x128xi32>
    %sub3A_2380 = arith.subi %broadcast_in_dim3A_5, %sub3A_2379 : vector<128x128xi32>
    %eq3A_2381 = arith.cmpi eq, %iota3A, %sub3A_2380 : vector<128x128xi32>
    %jit3A_2382 = arith.constant 0.000000e+00 : f32
    %broadcast_in_dim3A_2383 = vector.broadcast %jit3A_2382 : f32 to vector<128x128xf32>
    %select_n3A_2384 = arith.select %eq3A_2381, %get3A_2374, %broadcast_in_dim3A_2383 : vector<128x128xi1>, vector<128x128xf32>
    %add3A_2385 = arith.addf %add3A_2371, %select_n3A_2384 : vector<128x128xf32>
    %get3A_2386 = arith.constant 0 : index
    %get3A_2387 = arith.constant 21760 : index
    %get3A_2388 = vector.load %arg3[%get3A_2386, %get3A_2387] : memref<128x32000xf32, #tpu.memory_space<vmem>>, vector<128x128xf32>
    %exp3A_2389 = math.exp %get3A_2388 : vector<128x128xf32>
    %add3A_2390 = arith.addf %add3A_2376, %exp3A_2389 : vector<128x128xf32>
    %add3A_2391 = arith.addf %add3A_2377, %get3A_2388 : vector<128x128xf32>
    %sub3A_2392 = arith.constant 21760 : i32
    %sub3A_2393 = vector.broadcast %sub3A_2392 : i32 to vector<128x128xi32>
    %sub3A_2394 = arith.subi %broadcast_in_dim3A_5, %sub3A_2393 : vector<128x128xi32>
    %eq3A_2395 = arith.cmpi eq, %iota3A, %sub3A_2394 : vector<128x128xi32>
    %jit3A_2396 = arith.constant 0.000000e+00 : f32
    %broadcast_in_dim3A_2397 = vector.broadcast %jit3A_2396 : f32 to vector<128x128xf32>
    %select_n3A_2398 = arith.select %eq3A_2395, %get3A_2388, %broadcast_in_dim3A_2397 : vector<128x128xi1>, vector<128x128xf32>
    %add3A_2399 = arith.addf %add3A_2385, %select_n3A_2398 : vector<128x128xf32>
    %get3A_2400 = arith.constant 0 : index
    %get3A_2401 = arith.constant 21888 : index
    %get3A_2402 = vector.load %arg3[%get3A_2400, %get3A_2401] : memref<128x32000xf32, #tpu.memory_space<vmem>>, vector<128x128xf32>
    %exp3A_2403 = math.exp %get3A_2402 : vector<128x128xf32>
    %add3A_2404 = arith.addf %add3A_2390, %exp3A_2403 : vector<128x128xf32>
    %add3A_2405 = arith.addf %add3A_2391, %get3A_2402 : vector<128x128xf32>
    %sub3A_2406 = arith.constant 21888 : i32
    %sub3A_2407 = vector.broadcast %sub3A_2406 : i32 to vector<128x128xi32>
    %sub3A_2408 = arith.subi %broadcast_in_dim3A_5, %sub3A_2407 : vector<128x128xi32>
    %eq3A_2409 = arith.cmpi eq, %iota3A, %sub3A_2408 : vector<128x128xi32>
    %jit3A_2410 = arith.constant 0.000000e+00 : f32
    %broadcast_in_dim3A_2411 = vector.broadcast %jit3A_2410 : f32 to vector<128x128xf32>
    %select_n3A_2412 = arith.select %eq3A_2409, %get3A_2402, %broadcast_in_dim3A_2411 : vector<128x128xi1>, vector<128x128xf32>
    %add3A_2413 = arith.addf %add3A_2399, %select_n3A_2412 : vector<128x128xf32>
    %get3A_2414 = arith.constant 0 : index
    %get3A_2415 = arith.constant 22016 : index
    %get3A_2416 = vector.load %arg3[%get3A_2414, %get3A_2415] : memref<128x32000xf32, #tpu.memory_space<vmem>>, vector<128x128xf32>
    %exp3A_2417 = math.exp %get3A_2416 : vector<128x128xf32>
    %add3A_2418 = arith.addf %add3A_2404, %exp3A_2417 : vector<128x128xf32>
    %add3A_2419 = arith.addf %add3A_2405, %get3A_2416 : vector<128x128xf32>
    %sub3A_2420 = arith.constant 22016 : i32
    %sub3A_2421 = vector.broadcast %sub3A_2420 : i32 to vector<128x128xi32>
    %sub3A_2422 = arith.subi %broadcast_in_dim3A_5, %sub3A_2421 : vector<128x128xi32>
    %eq3A_2423 = arith.cmpi eq, %iota3A, %sub3A_2422 : vector<128x128xi32>
    %jit3A_2424 = arith.constant 0.000000e+00 : f32
    %broadcast_in_dim3A_2425 = vector.broadcast %jit3A_2424 : f32 to vector<128x128xf32>
    %select_n3A_2426 = arith.select %eq3A_2423, %get3A_2416, %broadcast_in_dim3A_2425 : vector<128x128xi1>, vector<128x128xf32>
    %add3A_2427 = arith.addf %add3A_2413, %select_n3A_2426 : vector<128x128xf32>
    %get3A_2428 = arith.constant 0 : index
    %get3A_2429 = arith.constant 22144 : index
    %get3A_2430 = vector.load %arg3[%get3A_2428, %get3A_2429] : memref<128x32000xf32, #tpu.memory_space<vmem>>, vector<128x128xf32>
    %exp3A_2431 = math.exp %get3A_2430 : vector<128x128xf32>
    %add3A_2432 = arith.addf %add3A_2418, %exp3A_2431 : vector<128x128xf32>
    %add3A_2433 = arith.addf %add3A_2419, %get3A_2430 : vector<128x128xf32>
    %sub3A_2434 = arith.constant 22144 : i32
    %sub3A_2435 = vector.broadcast %sub3A_2434 : i32 to vector<128x128xi32>
    %sub3A_2436 = arith.subi %broadcast_in_dim3A_5, %sub3A_2435 : vector<128x128xi32>
    %eq3A_2437 = arith.cmpi eq, %iota3A, %sub3A_2436 : vector<128x128xi32>
    %jit3A_2438 = arith.constant 0.000000e+00 : f32
    %broadcast_in_dim3A_2439 = vector.broadcast %jit3A_2438 : f32 to vector<128x128xf32>
    %select_n3A_2440 = arith.select %eq3A_2437, %get3A_2430, %broadcast_in_dim3A_2439 : vector<128x128xi1>, vector<128x128xf32>
    %add3A_2441 = arith.addf %add3A_2427, %select_n3A_2440 : vector<128x128xf32>
    %get3A_2442 = arith.constant 0 : index
    %get3A_2443 = arith.constant 22272 : index
    %get3A_2444 = vector.load %arg3[%get3A_2442, %get3A_2443] : memref<128x32000xf32, #tpu.memory_space<vmem>>, vector<128x128xf32>
    %exp3A_2445 = math.exp %get3A_2444 : vector<128x128xf32>
    %add3A_2446 = arith.addf %add3A_2432, %exp3A_2445 : vector<128x128xf32>
    %add3A_2447 = arith.addf %add3A_2433, %get3A_2444 : vector<128x128xf32>
    %sub3A_2448 = arith.constant 22272 : i32
    %sub3A_2449 = vector.broadcast %sub3A_2448 : i32 to vector<128x128xi32>
    %sub3A_2450 = arith.subi %broadcast_in_dim3A_5, %sub3A_2449 : vector<128x128xi32>
    %eq3A_2451 = arith.cmpi eq, %iota3A, %sub3A_2450 : vector<128x128xi32>
    %jit3A_2452 = arith.constant 0.000000e+00 : f32
    %broadcast_in_dim3A_2453 = vector.broadcast %jit3A_2452 : f32 to vector<128x128xf32>
    %select_n3A_2454 = arith.select %eq3A_2451, %get3A_2444, %broadcast_in_dim3A_2453 : vector<128x128xi1>, vector<128x128xf32>
    %add3A_2455 = arith.addf %add3A_2441, %select_n3A_2454 : vector<128x128xf32>
    %get3A_2456 = arith.constant 0 : index
    %get3A_2457 = arith.constant 22400 : index
    %get3A_2458 = vector.load %arg3[%get3A_2456, %get3A_2457] : memref<128x32000xf32, #tpu.memory_space<vmem>>, vector<128x128xf32>
    %exp3A_2459 = math.exp %get3A_2458 : vector<128x128xf32>
    %add3A_2460 = arith.addf %add3A_2446, %exp3A_2459 : vector<128x128xf32>
    %add3A_2461 = arith.addf %add3A_2447, %get3A_2458 : vector<128x128xf32>
    %sub3A_2462 = arith.constant 22400 : i32
    %sub3A_2463 = vector.broadcast %sub3A_2462 : i32 to vector<128x128xi32>
    %sub3A_2464 = arith.subi %broadcast_in_dim3A_5, %sub3A_2463 : vector<128x128xi32>
    %eq3A_2465 = arith.cmpi eq, %iota3A, %sub3A_2464 : vector<128x128xi32>
    %jit3A_2466 = arith.constant 0.000000e+00 : f32
    %broadcast_in_dim3A_2467 = vector.broadcast %jit3A_2466 : f32 to vector<128x128xf32>
    %select_n3A_2468 = arith.select %eq3A_2465, %get3A_2458, %broadcast_in_dim3A_2467 : vector<128x128xi1>, vector<128x128xf32>
    %add3A_2469 = arith.addf %add3A_2455, %select_n3A_2468 : vector<128x128xf32>
    %get3A_2470 = arith.constant 0 : index
    %get3A_2471 = arith.constant 22528 : index
    %get3A_2472 = vector.load %arg3[%get3A_2470, %get3A_2471] : memref<128x32000xf32, #tpu.memory_space<vmem>>, vector<128x128xf32>
    %exp3A_2473 = math.exp %get3A_2472 : vector<128x128xf32>
    %add3A_2474 = arith.addf %add3A_2460, %exp3A_2473 : vector<128x128xf32>
    %add3A_2475 = arith.addf %add3A_2461, %get3A_2472 : vector<128x128xf32>
    %sub3A_2476 = arith.constant 22528 : i32
    %sub3A_2477 = vector.broadcast %sub3A_2476 : i32 to vector<128x128xi32>
    %sub3A_2478 = arith.subi %broadcast_in_dim3A_5, %sub3A_2477 : vector<128x128xi32>
    %eq3A_2479 = arith.cmpi eq, %iota3A, %sub3A_2478 : vector<128x128xi32>
    %jit3A_2480 = arith.constant 0.000000e+00 : f32
    %broadcast_in_dim3A_2481 = vector.broadcast %jit3A_2480 : f32 to vector<128x128xf32>
    %select_n3A_2482 = arith.select %eq3A_2479, %get3A_2472, %broadcast_in_dim3A_2481 : vector<128x128xi1>, vector<128x128xf32>
    %add3A_2483 = arith.addf %add3A_2469, %select_n3A_2482 : vector<128x128xf32>
    %get3A_2484 = arith.constant 0 : index
    %get3A_2485 = arith.constant 22656 : index
    %get3A_2486 = vector.load %arg3[%get3A_2484, %get3A_2485] : memref<128x32000xf32, #tpu.memory_space<vmem>>, vector<128x128xf32>
    %exp3A_2487 = math.exp %get3A_2486 : vector<128x128xf32>
    %add3A_2488 = arith.addf %add3A_2474, %exp3A_2487 : vector<128x128xf32>
    %add3A_2489 = arith.addf %add3A_2475, %get3A_2486 : vector<128x128xf32>
    %sub3A_2490 = arith.constant 22656 : i32
    %sub3A_2491 = vector.broadcast %sub3A_2490 : i32 to vector<128x128xi32>
    %sub3A_2492 = arith.subi %broadcast_in_dim3A_5, %sub3A_2491 : vector<128x128xi32>
    %eq3A_2493 = arith.cmpi eq, %iota3A, %sub3A_2492 : vector<128x128xi32>
    %jit3A_2494 = arith.constant 0.000000e+00 : f32
    %broadcast_in_dim3A_2495 = vector.broadcast %jit3A_2494 : f32 to vector<128x128xf32>
    %select_n3A_2496 = arith.select %eq3A_2493, %get3A_2486, %broadcast_in_dim3A_2495 : vector<128x128xi1>, vector<128x128xf32>
    %add3A_2497 = arith.addf %add3A_2483, %select_n3A_2496 : vector<128x128xf32>
    %get3A_2498 = arith.constant 0 : index
    %get3A_2499 = arith.constant 22784 : index
    %get3A_2500 = vector.load %arg3[%get3A_2498, %get3A_2499] : memref<128x32000xf32, #tpu.memory_space<vmem>>, vector<128x128xf32>
    %exp3A_2501 = math.exp %get3A_2500 : vector<128x128xf32>
    %add3A_2502 = arith.addf %add3A_2488, %exp3A_2501 : vector<128x128xf32>
    %add3A_2503 = arith.addf %add3A_2489, %get3A_2500 : vector<128x128xf32>
    %sub3A_2504 = arith.constant 22784 : i32
    %sub3A_2505 = vector.broadcast %sub3A_2504 : i32 to vector<128x128xi32>
    %sub3A_2506 = arith.subi %broadcast_in_dim3A_5, %sub3A_2505 : vector<128x128xi32>
    %eq3A_2507 = arith.cmpi eq, %iota3A, %sub3A_2506 : vector<128x128xi32>
    %jit3A_2508 = arith.constant 0.000000e+00 : f32
    %broadcast_in_dim3A_2509 = vector.broadcast %jit3A_2508 : f32 to vector<128x128xf32>
    %select_n3A_2510 = arith.select %eq3A_2507, %get3A_2500, %broadcast_in_dim3A_2509 : vector<128x128xi1>, vector<128x128xf32>
    %add3A_2511 = arith.addf %add3A_2497, %select_n3A_2510 : vector<128x128xf32>
    %get3A_2512 = arith.constant 0 : index
    %get3A_2513 = arith.constant 22912 : index
    %get3A_2514 = vector.load %arg3[%get3A_2512, %get3A_2513] : memref<128x32000xf32, #tpu.memory_space<vmem>>, vector<128x128xf32>
    %exp3A_2515 = math.exp %get3A_2514 : vector<128x128xf32>
    %add3A_2516 = arith.addf %add3A_2502, %exp3A_2515 : vector<128x128xf32>
    %add3A_2517 = arith.addf %add3A_2503, %get3A_2514 : vector<128x128xf32>
    %sub3A_2518 = arith.constant 22912 : i32
    %sub3A_2519 = vector.broadcast %sub3A_2518 : i32 to vector<128x128xi32>
    %sub3A_2520 = arith.subi %broadcast_in_dim3A_5, %sub3A_2519 : vector<128x128xi32>
    %eq3A_2521 = arith.cmpi eq, %iota3A, %sub3A_2520 : vector<128x128xi32>
    %jit3A_2522 = arith.constant 0.000000e+00 : f32
    %broadcast_in_dim3A_2523 = vector.broadcast %jit3A_2522 : f32 to vector<128x128xf32>
    %select_n3A_2524 = arith.select %eq3A_2521, %get3A_2514, %broadcast_in_dim3A_2523 : vector<128x128xi1>, vector<128x128xf32>
    %add3A_2525 = arith.addf %add3A_2511, %select_n3A_2524 : vector<128x128xf32>
    %get3A_2526 = arith.constant 0 : index
    %get3A_2527 = arith.constant 23040 : index
    %get3A_2528 = vector.load %arg3[%get3A_2526, %get3A_2527] : memref<128x32000xf32, #tpu.memory_space<vmem>>, vector<128x128xf32>
    %exp3A_2529 = math.exp %get3A_2528 : vector<128x128xf32>
    %add3A_2530 = arith.addf %add3A_2516, %exp3A_2529 : vector<128x128xf32>
    %add3A_2531 = arith.addf %add3A_2517, %get3A_2528 : vector<128x128xf32>
    %sub3A_2532 = arith.constant 23040 : i32
    %sub3A_2533 = vector.broadcast %sub3A_2532 : i32 to vector<128x128xi32>
    %sub3A_2534 = arith.subi %broadcast_in_dim3A_5, %sub3A_2533 : vector<128x128xi32>
    %eq3A_2535 = arith.cmpi eq, %iota3A, %sub3A_2534 : vector<128x128xi32>
    %jit3A_2536 = arith.constant 0.000000e+00 : f32
    %broadcast_in_dim3A_2537 = vector.broadcast %jit3A_2536 : f32 to vector<128x128xf32>
    %select_n3A_2538 = arith.select %eq3A_2535, %get3A_2528, %broadcast_in_dim3A_2537 : vector<128x128xi1>, vector<128x128xf32>
    %add3A_2539 = arith.addf %add3A_2525, %select_n3A_2538 : vector<128x128xf32>
    %get3A_2540 = arith.constant 0 : index
    %get3A_2541 = arith.constant 23168 : index
    %get3A_2542 = vector.load %arg3[%get3A_2540, %get3A_2541] : memref<128x32000xf32, #tpu.memory_space<vmem>>, vector<128x128xf32>
    %exp3A_2543 = math.exp %get3A_2542 : vector<128x128xf32>
    %add3A_2544 = arith.addf %add3A_2530, %exp3A_2543 : vector<128x128xf32>
    %add3A_2545 = arith.addf %add3A_2531, %get3A_2542 : vector<128x128xf32>
    %sub3A_2546 = arith.constant 23168 : i32
    %sub3A_2547 = vector.broadcast %sub3A_2546 : i32 to vector<128x128xi32>
    %sub3A_2548 = arith.subi %broadcast_in_dim3A_5, %sub3A_2547 : vector<128x128xi32>
    %eq3A_2549 = arith.cmpi eq, %iota3A, %sub3A_2548 : vector<128x128xi32>
    %jit3A_2550 = arith.constant 0.000000e+00 : f32
    %broadcast_in_dim3A_2551 = vector.broadcast %jit3A_2550 : f32 to vector<128x128xf32>
    %select_n3A_2552 = arith.select %eq3A_2549, %get3A_2542, %broadcast_in_dim3A_2551 : vector<128x128xi1>, vector<128x128xf32>
    %add3A_2553 = arith.addf %add3A_2539, %select_n3A_2552 : vector<128x128xf32>
    %get3A_2554 = arith.constant 0 : index
    %get3A_2555 = arith.constant 23296 : index
    %get3A_2556 = vector.load %arg3[%get3A_2554, %get3A_2555] : memref<128x32000xf32, #tpu.memory_space<vmem>>, vector<128x128xf32>
    %exp3A_2557 = math.exp %get3A_2556 : vector<128x128xf32>
    %add3A_2558 = arith.addf %add3A_2544, %exp3A_2557 : vector<128x128xf32>
    %add3A_2559 = arith.addf %add3A_2545, %get3A_2556 : vector<128x128xf32>
    %sub3A_2560 = arith.constant 23296 : i32
    %sub3A_2561 = vector.broadcast %sub3A_2560 : i32 to vector<128x128xi32>
    %sub3A_2562 = arith.subi %broadcast_in_dim3A_5, %sub3A_2561 : vector<128x128xi32>
    %eq3A_2563 = arith.cmpi eq, %iota3A, %sub3A_2562 : vector<128x128xi32>
    %jit3A_2564 = arith.constant 0.000000e+00 : f32
    %broadcast_in_dim3A_2565 = vector.broadcast %jit3A_2564 : f32 to vector<128x128xf32>
    %select_n3A_2566 = arith.select %eq3A_2563, %get3A_2556, %broadcast_in_dim3A_2565 : vector<128x128xi1>, vector<128x128xf32>
    %add3A_2567 = arith.addf %add3A_2553, %select_n3A_2566 : vector<128x128xf32>
    %get3A_2568 = arith.constant 0 : index
    %get3A_2569 = arith.constant 23424 : index
    %get3A_2570 = vector.load %arg3[%get3A_2568, %get3A_2569] : memref<128x32000xf32, #tpu.memory_space<vmem>>, vector<128x128xf32>
    %exp3A_2571 = math.exp %get3A_2570 : vector<128x128xf32>
    %add3A_2572 = arith.addf %add3A_2558, %exp3A_2571 : vector<128x128xf32>
    %add3A_2573 = arith.addf %add3A_2559, %get3A_2570 : vector<128x128xf32>
    %sub3A_2574 = arith.constant 23424 : i32
    %sub3A_2575 = vector.broadcast %sub3A_2574 : i32 to vector<128x128xi32>
    %sub3A_2576 = arith.subi %broadcast_in_dim3A_5, %sub3A_2575 : vector<128x128xi32>
    %eq3A_2577 = arith.cmpi eq, %iota3A, %sub3A_2576 : vector<128x128xi32>
    %jit3A_2578 = arith.constant 0.000000e+00 : f32
    %broadcast_in_dim3A_2579 = vector.broadcast %jit3A_2578 : f32 to vector<128x128xf32>
    %select_n3A_2580 = arith.select %eq3A_2577, %get3A_2570, %broadcast_in_dim3A_2579 : vector<128x128xi1>, vector<128x128xf32>
    %add3A_2581 = arith.addf %add3A_2567, %select_n3A_2580 : vector<128x128xf32>
    %get3A_2582 = arith.constant 0 : index
    %get3A_2583 = arith.constant 23552 : index
    %get3A_2584 = vector.load %arg3[%get3A_2582, %get3A_2583] : memref<128x32000xf32, #tpu.memory_space<vmem>>, vector<128x128xf32>
    %exp3A_2585 = math.exp %get3A_2584 : vector<128x128xf32>
    %add3A_2586 = arith.addf %add3A_2572, %exp3A_2585 : vector<128x128xf32>
    %add3A_2587 = arith.addf %add3A_2573, %get3A_2584 : vector<128x128xf32>
    %sub3A_2588 = arith.constant 23552 : i32
    %sub3A_2589 = vector.broadcast %sub3A_2588 : i32 to vector<128x128xi32>
    %sub3A_2590 = arith.subi %broadcast_in_dim3A_5, %sub3A_2589 : vector<128x128xi32>
    %eq3A_2591 = arith.cmpi eq, %iota3A, %sub3A_2590 : vector<128x128xi32>
    %jit3A_2592 = arith.constant 0.000000e+00 : f32
    %broadcast_in_dim3A_2593 = vector.broadcast %jit3A_2592 : f32 to vector<128x128xf32>
    %select_n3A_2594 = arith.select %eq3A_2591, %get3A_2584, %broadcast_in_dim3A_2593 : vector<128x128xi1>, vector<128x128xf32>
    %add3A_2595 = arith.addf %add3A_2581, %select_n3A_2594 : vector<128x128xf32>
    %get3A_2596 = arith.constant 0 : index
    %get3A_2597 = arith.constant 23680 : index
    %get3A_2598 = vector.load %arg3[%get3A_2596, %get3A_2597] : memref<128x32000xf32, #tpu.memory_space<vmem>>, vector<128x128xf32>
    %exp3A_2599 = math.exp %get3A_2598 : vector<128x128xf32>
    %add3A_2600 = arith.addf %add3A_2586, %exp3A_2599 : vector<128x128xf32>
    %add3A_2601 = arith.addf %add3A_2587, %get3A_2598 : vector<128x128xf32>
    %sub3A_2602 = arith.constant 23680 : i32
    %sub3A_2603 = vector.broadcast %sub3A_2602 : i32 to vector<128x128xi32>
    %sub3A_2604 = arith.subi %broadcast_in_dim3A_5, %sub3A_2603 : vector<128x128xi32>
    %eq3A_2605 = arith.cmpi eq, %iota3A, %sub3A_2604 : vector<128x128xi32>
    %jit3A_2606 = arith.constant 0.000000e+00 : f32
    %broadcast_in_dim3A_2607 = vector.broadcast %jit3A_2606 : f32 to vector<128x128xf32>
    %select_n3A_2608 = arith.select %eq3A_2605, %get3A_2598, %broadcast_in_dim3A_2607 : vector<128x128xi1>, vector<128x128xf32>
    %add3A_2609 = arith.addf %add3A_2595, %select_n3A_2608 : vector<128x128xf32>
    %get3A_2610 = arith.constant 0 : index
    %get3A_2611 = arith.constant 23808 : index
    %get3A_2612 = vector.load %arg3[%get3A_2610, %get3A_2611] : memref<128x32000xf32, #tpu.memory_space<vmem>>, vector<128x128xf32>
    %exp3A_2613 = math.exp %get3A_2612 : vector<128x128xf32>
    %add3A_2614 = arith.addf %add3A_2600, %exp3A_2613 : vector<128x128xf32>
    %add3A_2615 = arith.addf %add3A_2601, %get3A_2612 : vector<128x128xf32>
    %sub3A_2616 = arith.constant 23808 : i32
    %sub3A_2617 = vector.broadcast %sub3A_2616 : i32 to vector<128x128xi32>
    %sub3A_2618 = arith.subi %broadcast_in_dim3A_5, %sub3A_2617 : vector<128x128xi32>
    %eq3A_2619 = arith.cmpi eq, %iota3A, %sub3A_2618 : vector<128x128xi32>
    %jit3A_2620 = arith.constant 0.000000e+00 : f32
    %broadcast_in_dim3A_2621 = vector.broadcast %jit3A_2620 : f32 to vector<128x128xf32>
    %select_n3A_2622 = arith.select %eq3A_2619, %get3A_2612, %broadcast_in_dim3A_2621 : vector<128x128xi1>, vector<128x128xf32>
    %add3A_2623 = arith.addf %add3A_2609, %select_n3A_2622 : vector<128x128xf32>
    %get3A_2624 = arith.constant 0 : index
    %get3A_2625 = arith.constant 23936 : index
    %get3A_2626 = vector.load %arg3[%get3A_2624, %get3A_2625] : memref<128x32000xf32, #tpu.memory_space<vmem>>, vector<128x128xf32>
    %exp3A_2627 = math.exp %get3A_2626 : vector<128x128xf32>
    %add3A_2628 = arith.addf %add3A_2614, %exp3A_2627 : vector<128x128xf32>
    %add3A_2629 = arith.addf %add3A_2615, %get3A_2626 : vector<128x128xf32>
    %sub3A_2630 = arith.constant 23936 : i32
    %sub3A_2631 = vector.broadcast %sub3A_2630 : i32 to vector<128x128xi32>
    %sub3A_2632 = arith.subi %broadcast_in_dim3A_5, %sub3A_2631 : vector<128x128xi32>
    %eq3A_2633 = arith.cmpi eq, %iota3A, %sub3A_2632 : vector<128x128xi32>
    %jit3A_2634 = arith.constant 0.000000e+00 : f32
    %broadcast_in_dim3A_2635 = vector.broadcast %jit3A_2634 : f32 to vector<128x128xf32>
    %select_n3A_2636 = arith.select %eq3A_2633, %get3A_2626, %broadcast_in_dim3A_2635 : vector<128x128xi1>, vector<128x128xf32>
    %add3A_2637 = arith.addf %add3A_2623, %select_n3A_2636 : vector<128x128xf32>
    %get3A_2638 = arith.constant 0 : index
    %get3A_2639 = arith.constant 24064 : index
    %get3A_2640 = vector.load %arg3[%get3A_2638, %get3A_2639] : memref<128x32000xf32, #tpu.memory_space<vmem>>, vector<128x128xf32>
    %exp3A_2641 = math.exp %get3A_2640 : vector<128x128xf32>
    %add3A_2642 = arith.addf %add3A_2628, %exp3A_2641 : vector<128x128xf32>
    %add3A_2643 = arith.addf %add3A_2629, %get3A_2640 : vector<128x128xf32>
    %sub3A_2644 = arith.constant 24064 : i32
    %sub3A_2645 = vector.broadcast %sub3A_2644 : i32 to vector<128x128xi32>
    %sub3A_2646 = arith.subi %broadcast_in_dim3A_5, %sub3A_2645 : vector<128x128xi32>
    %eq3A_2647 = arith.cmpi eq, %iota3A, %sub3A_2646 : vector<128x128xi32>
    %jit3A_2648 = arith.constant 0.000000e+00 : f32
    %broadcast_in_dim3A_2649 = vector.broadcast %jit3A_2648 : f32 to vector<128x128xf32>
    %select_n3A_2650 = arith.select %eq3A_2647, %get3A_2640, %broadcast_in_dim3A_2649 : vector<128x128xi1>, vector<128x128xf32>
    %add3A_2651 = arith.addf %add3A_2637, %select_n3A_2650 : vector<128x128xf32>
    %get3A_2652 = arith.constant 0 : index
    %get3A_2653 = arith.constant 24192 : index
    %get3A_2654 = vector.load %arg3[%get3A_2652, %get3A_2653] : memref<128x32000xf32, #tpu.memory_space<vmem>>, vector<128x128xf32>
    %exp3A_2655 = math.exp %get3A_2654 : vector<128x128xf32>
    %add3A_2656 = arith.addf %add3A_2642, %exp3A_2655 : vector<128x128xf32>
    %add3A_2657 = arith.addf %add3A_2643, %get3A_2654 : vector<128x128xf32>
    %sub3A_2658 = arith.constant 24192 : i32
    %sub3A_2659 = vector.broadcast %sub3A_2658 : i32 to vector<128x128xi32>
    %sub3A_2660 = arith.subi %broadcast_in_dim3A_5, %sub3A_2659 : vector<128x128xi32>
    %eq3A_2661 = arith.cmpi eq, %iota3A, %sub3A_2660 : vector<128x128xi32>
    %jit3A_2662 = arith.constant 0.000000e+00 : f32
    %broadcast_in_dim3A_2663 = vector.broadcast %jit3A_2662 : f32 to vector<128x128xf32>
    %select_n3A_2664 = arith.select %eq3A_2661, %get3A_2654, %broadcast_in_dim3A_2663 : vector<128x128xi1>, vector<128x128xf32>
    %add3A_2665 = arith.addf %add3A_2651, %select_n3A_2664 : vector<128x128xf32>
    %get3A_2666 = arith.constant 0 : index
    %get3A_2667 = arith.constant 24320 : index
    %get3A_2668 = vector.load %arg3[%get3A_2666, %get3A_2667] : memref<128x32000xf32, #tpu.memory_space<vmem>>, vector<128x128xf32>
    %exp3A_2669 = math.exp %get3A_2668 : vector<128x128xf32>
    %add3A_2670 = arith.addf %add3A_2656, %exp3A_2669 : vector<128x128xf32>
    %add3A_2671 = arith.addf %add3A_2657, %get3A_2668 : vector<128x128xf32>
    %sub3A_2672 = arith.constant 24320 : i32
    %sub3A_2673 = vector.broadcast %sub3A_2672 : i32 to vector<128x128xi32>
    %sub3A_2674 = arith.subi %broadcast_in_dim3A_5, %sub3A_2673 : vector<128x128xi32>
    %eq3A_2675 = arith.cmpi eq, %iota3A, %sub3A_2674 : vector<128x128xi32>
    %jit3A_2676 = arith.constant 0.000000e+00 : f32
    %broadcast_in_dim3A_2677 = vector.broadcast %jit3A_2676 : f32 to vector<128x128xf32>
    %select_n3A_2678 = arith.select %eq3A_2675, %get3A_2668, %broadcast_in_dim3A_2677 : vector<128x128xi1>, vector<128x128xf32>
    %add3A_2679 = arith.addf %add3A_2665, %select_n3A_2678 : vector<128x128xf32>
    %get3A_2680 = arith.constant 0 : index
    %get3A_2681 = arith.constant 24448 : index
    %get3A_2682 = vector.load %arg3[%get3A_2680, %get3A_2681] : memref<128x32000xf32, #tpu.memory_space<vmem>>, vector<128x128xf32>
    %exp3A_2683 = math.exp %get3A_2682 : vector<128x128xf32>
    %add3A_2684 = arith.addf %add3A_2670, %exp3A_2683 : vector<128x128xf32>
    %add3A_2685 = arith.addf %add3A_2671, %get3A_2682 : vector<128x128xf32>
    %sub3A_2686 = arith.constant 24448 : i32
    %sub3A_2687 = vector.broadcast %sub3A_2686 : i32 to vector<128x128xi32>
    %sub3A_2688 = arith.subi %broadcast_in_dim3A_5, %sub3A_2687 : vector<128x128xi32>
    %eq3A_2689 = arith.cmpi eq, %iota3A, %sub3A_2688 : vector<128x128xi32>
    %jit3A_2690 = arith.constant 0.000000e+00 : f32
    %broadcast_in_dim3A_2691 = vector.broadcast %jit3A_2690 : f32 to vector<128x128xf32>
    %select_n3A_2692 = arith.select %eq3A_2689, %get3A_2682, %broadcast_in_dim3A_2691 : vector<128x128xi1>, vector<128x128xf32>
    %add3A_2693 = arith.addf %add3A_2679, %select_n3A_2692 : vector<128x128xf32>
    %get3A_2694 = arith.constant 0 : index
    %get3A_2695 = arith.constant 24576 : index
    %get3A_2696 = vector.load %arg3[%get3A_2694, %get3A_2695] : memref<128x32000xf32, #tpu.memory_space<vmem>>, vector<128x128xf32>
    %exp3A_2697 = math.exp %get3A_2696 : vector<128x128xf32>
    %add3A_2698 = arith.addf %add3A_2684, %exp3A_2697 : vector<128x128xf32>
    %add3A_2699 = arith.addf %add3A_2685, %get3A_2696 : vector<128x128xf32>
    %sub3A_2700 = arith.constant 24576 : i32
    %sub3A_2701 = vector.broadcast %sub3A_2700 : i32 to vector<128x128xi32>
    %sub3A_2702 = arith.subi %broadcast_in_dim3A_5, %sub3A_2701 : vector<128x128xi32>
    %eq3A_2703 = arith.cmpi eq, %iota3A, %sub3A_2702 : vector<128x128xi32>
    %jit3A_2704 = arith.constant 0.000000e+00 : f32
    %broadcast_in_dim3A_2705 = vector.broadcast %jit3A_2704 : f32 to vector<128x128xf32>
    %select_n3A_2706 = arith.select %eq3A_2703, %get3A_2696, %broadcast_in_dim3A_2705 : vector<128x128xi1>, vector<128x128xf32>
    %add3A_2707 = arith.addf %add3A_2693, %select_n3A_2706 : vector<128x128xf32>
    %get3A_2708 = arith.constant 0 : index
    %get3A_2709 = arith.constant 24704 : index
    %get3A_2710 = vector.load %arg3[%get3A_2708, %get3A_2709] : memref<128x32000xf32, #tpu.memory_space<vmem>>, vector<128x128xf32>
    %exp3A_2711 = math.exp %get3A_2710 : vector<128x128xf32>
    %add3A_2712 = arith.addf %add3A_2698, %exp3A_2711 : vector<128x128xf32>
    %add3A_2713 = arith.addf %add3A_2699, %get3A_2710 : vector<128x128xf32>
    %sub3A_2714 = arith.constant 24704 : i32
    %sub3A_2715 = vector.broadcast %sub3A_2714 : i32 to vector<128x128xi32>
    %sub3A_2716 = arith.subi %broadcast_in_dim3A_5, %sub3A_2715 : vector<128x128xi32>
    %eq3A_2717 = arith.cmpi eq, %iota3A, %sub3A_2716 : vector<128x128xi32>
    %jit3A_2718 = arith.constant 0.000000e+00 : f32
    %broadcast_in_dim3A_2719 = vector.broadcast %jit3A_2718 : f32 to vector<128x128xf32>
    %select_n3A_2720 = arith.select %eq3A_2717, %get3A_2710, %broadcast_in_dim3A_2719 : vector<128x128xi1>, vector<128x128xf32>
    %add3A_2721 = arith.addf %add3A_2707, %select_n3A_2720 : vector<128x128xf32>
    %get3A_2722 = arith.constant 0 : index
    %get3A_2723 = arith.constant 24832 : index
    %get3A_2724 = vector.load %arg3[%get3A_2722, %get3A_2723] : memref<128x32000xf32, #tpu.memory_space<vmem>>, vector<128x128xf32>
    %exp3A_2725 = math.exp %get3A_2724 : vector<128x128xf32>
    %add3A_2726 = arith.addf %add3A_2712, %exp3A_2725 : vector<128x128xf32>
    %add3A_2727 = arith.addf %add3A_2713, %get3A_2724 : vector<128x128xf32>
    %sub3A_2728 = arith.constant 24832 : i32
    %sub3A_2729 = vector.broadcast %sub3A_2728 : i32 to vector<128x128xi32>
    %sub3A_2730 = arith.subi %broadcast_in_dim3A_5, %sub3A_2729 : vector<128x128xi32>
    %eq3A_2731 = arith.cmpi eq, %iota3A, %sub3A_2730 : vector<128x128xi32>
    %jit3A_2732 = arith.constant 0.000000e+00 : f32
    %broadcast_in_dim3A_2733 = vector.broadcast %jit3A_2732 : f32 to vector<128x128xf32>
    %select_n3A_2734 = arith.select %eq3A_2731, %get3A_2724, %broadcast_in_dim3A_2733 : vector<128x128xi1>, vector<128x128xf32>
    %add3A_2735 = arith.addf %add3A_2721, %select_n3A_2734 : vector<128x128xf32>
    %get3A_2736 = arith.constant 0 : index
    %get3A_2737 = arith.constant 24960 : index
    %get3A_2738 = vector.load %arg3[%get3A_2736, %get3A_2737] : memref<128x32000xf32, #tpu.memory_space<vmem>>, vector<128x128xf32>
    %exp3A_2739 = math.exp %get3A_2738 : vector<128x128xf32>
    %add3A_2740 = arith.addf %add3A_2726, %exp3A_2739 : vector<128x128xf32>
    %add3A_2741 = arith.addf %add3A_2727, %get3A_2738 : vector<128x128xf32>
    %sub3A_2742 = arith.constant 24960 : i32
    %sub3A_2743 = vector.broadcast %sub3A_2742 : i32 to vector<128x128xi32>
    %sub3A_2744 = arith.subi %broadcast_in_dim3A_5, %sub3A_2743 : vector<128x128xi32>
    %eq3A_2745 = arith.cmpi eq, %iota3A, %sub3A_2744 : vector<128x128xi32>
    %jit3A_2746 = arith.constant 0.000000e+00 : f32
    %broadcast_in_dim3A_2747 = vector.broadcast %jit3A_2746 : f32 to vector<128x128xf32>
    %select_n3A_2748 = arith.select %eq3A_2745, %get3A_2738, %broadcast_in_dim3A_2747 : vector<128x128xi1>, vector<128x128xf32>
    %add3A_2749 = arith.addf %add3A_2735, %select_n3A_2748 : vector<128x128xf32>
    %get3A_2750 = arith.constant 0 : index
    %get3A_2751 = arith.constant 25088 : index
    %get3A_2752 = vector.load %arg3[%get3A_2750, %get3A_2751] : memref<128x32000xf32, #tpu.memory_space<vmem>>, vector<128x128xf32>
    %exp3A_2753 = math.exp %get3A_2752 : vector<128x128xf32>
    %add3A_2754 = arith.addf %add3A_2740, %exp3A_2753 : vector<128x128xf32>
    %add3A_2755 = arith.addf %add3A_2741, %get3A_2752 : vector<128x128xf32>
    %sub3A_2756 = arith.constant 25088 : i32
    %sub3A_2757 = vector.broadcast %sub3A_2756 : i32 to vector<128x128xi32>
    %sub3A_2758 = arith.subi %broadcast_in_dim3A_5, %sub3A_2757 : vector<128x128xi32>
    %eq3A_2759 = arith.cmpi eq, %iota3A, %sub3A_2758 : vector<128x128xi32>
    %jit3A_2760 = arith.constant 0.000000e+00 : f32
    %broadcast_in_dim3A_2761 = vector.broadcast %jit3A_2760 : f32 to vector<128x128xf32>
    %select_n3A_2762 = arith.select %eq3A_2759, %get3A_2752, %broadcast_in_dim3A_2761 : vector<128x128xi1>, vector<128x128xf32>
    %add3A_2763 = arith.addf %add3A_2749, %select_n3A_2762 : vector<128x128xf32>
    %get3A_2764 = arith.constant 0 : index
    %get3A_2765 = arith.constant 25216 : index
    %get3A_2766 = vector.load %arg3[%get3A_2764, %get3A_2765] : memref<128x32000xf32, #tpu.memory_space<vmem>>, vector<128x128xf32>
    %exp3A_2767 = math.exp %get3A_2766 : vector<128x128xf32>
    %add3A_2768 = arith.addf %add3A_2754, %exp3A_2767 : vector<128x128xf32>
    %add3A_2769 = arith.addf %add3A_2755, %get3A_2766 : vector<128x128xf32>
    %sub3A_2770 = arith.constant 25216 : i32
    %sub3A_2771 = vector.broadcast %sub3A_2770 : i32 to vector<128x128xi32>
    %sub3A_2772 = arith.subi %broadcast_in_dim3A_5, %sub3A_2771 : vector<128x128xi32>
    %eq3A_2773 = arith.cmpi eq, %iota3A, %sub3A_2772 : vector<128x128xi32>
    %jit3A_2774 = arith.constant 0.000000e+00 : f32
    %broadcast_in_dim3A_2775 = vector.broadcast %jit3A_2774 : f32 to vector<128x128xf32>
    %select_n3A_2776 = arith.select %eq3A_2773, %get3A_2766, %broadcast_in_dim3A_2775 : vector<128x128xi1>, vector<128x128xf32>
    %add3A_2777 = arith.addf %add3A_2763, %select_n3A_2776 : vector<128x128xf32>
    %get3A_2778 = arith.constant 0 : index
    %get3A_2779 = arith.constant 25344 : index
    %get3A_2780 = vector.load %arg3[%get3A_2778, %get3A_2779] : memref<128x32000xf32, #tpu.memory_space<vmem>>, vector<128x128xf32>
    %exp3A_2781 = math.exp %get3A_2780 : vector<128x128xf32>
    %add3A_2782 = arith.addf %add3A_2768, %exp3A_2781 : vector<128x128xf32>
    %add3A_2783 = arith.addf %add3A_2769, %get3A_2780 : vector<128x128xf32>
    %sub3A_2784 = arith.constant 25344 : i32
    %sub3A_2785 = vector.broadcast %sub3A_2784 : i32 to vector<128x128xi32>
    %sub3A_2786 = arith.subi %broadcast_in_dim3A_5, %sub3A_2785 : vector<128x128xi32>
    %eq3A_2787 = arith.cmpi eq, %iota3A, %sub3A_2786 : vector<128x128xi32>
    %jit3A_2788 = arith.constant 0.000000e+00 : f32
    %broadcast_in_dim3A_2789 = vector.broadcast %jit3A_2788 : f32 to vector<128x128xf32>
    %select_n3A_2790 = arith.select %eq3A_2787, %get3A_2780, %broadcast_in_dim3A_2789 : vector<128x128xi1>, vector<128x128xf32>
    %add3A_2791 = arith.addf %add3A_2777, %select_n3A_2790 : vector<128x128xf32>
    %get3A_2792 = arith.constant 0 : index
    %get3A_2793 = arith.constant 25472 : index
    %get3A_2794 = vector.load %arg3[%get3A_2792, %get3A_2793] : memref<128x32000xf32, #tpu.memory_space<vmem>>, vector<128x128xf32>
    %exp3A_2795 = math.exp %get3A_2794 : vector<128x128xf32>
    %add3A_2796 = arith.addf %add3A_2782, %exp3A_2795 : vector<128x128xf32>
    %add3A_2797 = arith.addf %add3A_2783, %get3A_2794 : vector<128x128xf32>
    %sub3A_2798 = arith.constant 25472 : i32
    %sub3A_2799 = vector.broadcast %sub3A_2798 : i32 to vector<128x128xi32>
    %sub3A_2800 = arith.subi %broadcast_in_dim3A_5, %sub3A_2799 : vector<128x128xi32>
    %eq3A_2801 = arith.cmpi eq, %iota3A, %sub3A_2800 : vector<128x128xi32>
    %jit3A_2802 = arith.constant 0.000000e+00 : f32
    %broadcast_in_dim3A_2803 = vector.broadcast %jit3A_2802 : f32 to vector<128x128xf32>
    %select_n3A_2804 = arith.select %eq3A_2801, %get3A_2794, %broadcast_in_dim3A_2803 : vector<128x128xi1>, vector<128x128xf32>
    %add3A_2805 = arith.addf %add3A_2791, %select_n3A_2804 : vector<128x128xf32>
    %get3A_2806 = arith.constant 0 : index
    %get3A_2807 = arith.constant 25600 : index
    %get3A_2808 = vector.load %arg3[%get3A_2806, %get3A_2807] : memref<128x32000xf32, #tpu.memory_space<vmem>>, vector<128x128xf32>
    %exp3A_2809 = math.exp %get3A_2808 : vector<128x128xf32>
    %add3A_2810 = arith.addf %add3A_2796, %exp3A_2809 : vector<128x128xf32>
    %add3A_2811 = arith.addf %add3A_2797, %get3A_2808 : vector<128x128xf32>
    %sub3A_2812 = arith.constant 25600 : i32
    %sub3A_2813 = vector.broadcast %sub3A_2812 : i32 to vector<128x128xi32>
    %sub3A_2814 = arith.subi %broadcast_in_dim3A_5, %sub3A_2813 : vector<128x128xi32>
    %eq3A_2815 = arith.cmpi eq, %iota3A, %sub3A_2814 : vector<128x128xi32>
    %jit3A_2816 = arith.constant 0.000000e+00 : f32
    %broadcast_in_dim3A_2817 = vector.broadcast %jit3A_2816 : f32 to vector<128x128xf32>
    %select_n3A_2818 = arith.select %eq3A_2815, %get3A_2808, %broadcast_in_dim3A_2817 : vector<128x128xi1>, vector<128x128xf32>
    %add3A_2819 = arith.addf %add3A_2805, %select_n3A_2818 : vector<128x128xf32>
    %get3A_2820 = arith.constant 0 : index
    %get3A_2821 = arith.constant 25728 : index
    %get3A_2822 = vector.load %arg3[%get3A_2820, %get3A_2821] : memref<128x32000xf32, #tpu.memory_space<vmem>>, vector<128x128xf32>
    %exp3A_2823 = math.exp %get3A_2822 : vector<128x128xf32>
    %add3A_2824 = arith.addf %add3A_2810, %exp3A_2823 : vector<128x128xf32>
    %add3A_2825 = arith.addf %add3A_2811, %get3A_2822 : vector<128x128xf32>
    %sub3A_2826 = arith.constant 25728 : i32
    %sub3A_2827 = vector.broadcast %sub3A_2826 : i32 to vector<128x128xi32>
    %sub3A_2828 = arith.subi %broadcast_in_dim3A_5, %sub3A_2827 : vector<128x128xi32>
    %eq3A_2829 = arith.cmpi eq, %iota3A, %sub3A_2828 : vector<128x128xi32>
    %jit3A_2830 = arith.constant 0.000000e+00 : f32
    %broadcast_in_dim3A_2831 = vector.broadcast %jit3A_2830 : f32 to vector<128x128xf32>
    %select_n3A_2832 = arith.select %eq3A_2829, %get3A_2822, %broadcast_in_dim3A_2831 : vector<128x128xi1>, vector<128x128xf32>
    %add3A_2833 = arith.addf %add3A_2819, %select_n3A_2832 : vector<128x128xf32>
    %get3A_2834 = arith.constant 0 : index
    %get3A_2835 = arith.constant 25856 : index
    %get3A_2836 = vector.load %arg3[%get3A_2834, %get3A_2835] : memref<128x32000xf32, #tpu.memory_space<vmem>>, vector<128x128xf32>
    %exp3A_2837 = math.exp %get3A_2836 : vector<128x128xf32>
    %add3A_2838 = arith.addf %add3A_2824, %exp3A_2837 : vector<128x128xf32>
    %add3A_2839 = arith.addf %add3A_2825, %get3A_2836 : vector<128x128xf32>
    %sub3A_2840 = arith.constant 25856 : i32
    %sub3A_2841 = vector.broadcast %sub3A_2840 : i32 to vector<128x128xi32>
    %sub3A_2842 = arith.subi %broadcast_in_dim3A_5, %sub3A_2841 : vector<128x128xi32>
    %eq3A_2843 = arith.cmpi eq, %iota3A, %sub3A_2842 : vector<128x128xi32>
    %jit3A_2844 = arith.constant 0.000000e+00 : f32
    %broadcast_in_dim3A_2845 = vector.broadcast %jit3A_2844 : f32 to vector<128x128xf32>
    %select_n3A_2846 = arith.select %eq3A_2843, %get3A_2836, %broadcast_in_dim3A_2845 : vector<128x128xi1>, vector<128x128xf32>
    %add3A_2847 = arith.addf %add3A_2833, %select_n3A_2846 : vector<128x128xf32>
    %get3A_2848 = arith.constant 0 : index
    %get3A_2849 = arith.constant 25984 : index
    %get3A_2850 = vector.load %arg3[%get3A_2848, %get3A_2849] : memref<128x32000xf32, #tpu.memory_space<vmem>>, vector<128x128xf32>
    %exp3A_2851 = math.exp %get3A_2850 : vector<128x128xf32>
    %add3A_2852 = arith.addf %add3A_2838, %exp3A_2851 : vector<128x128xf32>
    %add3A_2853 = arith.addf %add3A_2839, %get3A_2850 : vector<128x128xf32>
    %sub3A_2854 = arith.constant 25984 : i32
    %sub3A_2855 = vector.broadcast %sub3A_2854 : i32 to vector<128x128xi32>
    %sub3A_2856 = arith.subi %broadcast_in_dim3A_5, %sub3A_2855 : vector<128x128xi32>
    %eq3A_2857 = arith.cmpi eq, %iota3A, %sub3A_2856 : vector<128x128xi32>
    %jit3A_2858 = arith.constant 0.000000e+00 : f32
    %broadcast_in_dim3A_2859 = vector.broadcast %jit3A_2858 : f32 to vector<128x128xf32>
    %select_n3A_2860 = arith.select %eq3A_2857, %get3A_2850, %broadcast_in_dim3A_2859 : vector<128x128xi1>, vector<128x128xf32>
    %add3A_2861 = arith.addf %add3A_2847, %select_n3A_2860 : vector<128x128xf32>
    %get3A_2862 = arith.constant 0 : index
    %get3A_2863 = arith.constant 26112 : index
    %get3A_2864 = vector.load %arg3[%get3A_2862, %get3A_2863] : memref<128x32000xf32, #tpu.memory_space<vmem>>, vector<128x128xf32>
    %exp3A_2865 = math.exp %get3A_2864 : vector<128x128xf32>
    %add3A_2866 = arith.addf %add3A_2852, %exp3A_2865 : vector<128x128xf32>
    %add3A_2867 = arith.addf %add3A_2853, %get3A_2864 : vector<128x128xf32>
    %sub3A_2868 = arith.constant 26112 : i32
    %sub3A_2869 = vector.broadcast %sub3A_2868 : i32 to vector<128x128xi32>
    %sub3A_2870 = arith.subi %broadcast_in_dim3A_5, %sub3A_2869 : vector<128x128xi32>
    %eq3A_2871 = arith.cmpi eq, %iota3A, %sub3A_2870 : vector<128x128xi32>
    %jit3A_2872 = arith.constant 0.000000e+00 : f32
    %broadcast_in_dim3A_2873 = vector.broadcast %jit3A_2872 : f32 to vector<128x128xf32>
    %select_n3A_2874 = arith.select %eq3A_2871, %get3A_2864, %broadcast_in_dim3A_2873 : vector<128x128xi1>, vector<128x128xf32>
    %add3A_2875 = arith.addf %add3A_2861, %select_n3A_2874 : vector<128x128xf32>
    %get3A_2876 = arith.constant 0 : index
    %get3A_2877 = arith.constant 26240 : index
    %get3A_2878 = vector.load %arg3[%get3A_2876, %get3A_2877] : memref<128x32000xf32, #tpu.memory_space<vmem>>, vector<128x128xf32>
    %exp3A_2879 = math.exp %get3A_2878 : vector<128x128xf32>
    %add3A_2880 = arith.addf %add3A_2866, %exp3A_2879 : vector<128x128xf32>
    %add3A_2881 = arith.addf %add3A_2867, %get3A_2878 : vector<128x128xf32>
    %sub3A_2882 = arith.constant 26240 : i32
    %sub3A_2883 = vector.broadcast %sub3A_2882 : i32 to vector<128x128xi32>
    %sub3A_2884 = arith.subi %broadcast_in_dim3A_5, %sub3A_2883 : vector<128x128xi32>
    %eq3A_2885 = arith.cmpi eq, %iota3A, %sub3A_2884 : vector<128x128xi32>
    %jit3A_2886 = arith.constant 0.000000e+00 : f32
    %broadcast_in_dim3A_2887 = vector.broadcast %jit3A_2886 : f32 to vector<128x128xf32>
    %select_n3A_2888 = arith.select %eq3A_2885, %get3A_2878, %broadcast_in_dim3A_2887 : vector<128x128xi1>, vector<128x128xf32>
    %add3A_2889 = arith.addf %add3A_2875, %select_n3A_2888 : vector<128x128xf32>
    %get3A_2890 = arith.constant 0 : index
    %get3A_2891 = arith.constant 26368 : index
    %get3A_2892 = vector.load %arg3[%get3A_2890, %get3A_2891] : memref<128x32000xf32, #tpu.memory_space<vmem>>, vector<128x128xf32>
    %exp3A_2893 = math.exp %get3A_2892 : vector<128x128xf32>
    %add3A_2894 = arith.addf %add3A_2880, %exp3A_2893 : vector<128x128xf32>
    %add3A_2895 = arith.addf %add3A_2881, %get3A_2892 : vector<128x128xf32>
    %sub3A_2896 = arith.constant 26368 : i32
    %sub3A_2897 = vector.broadcast %sub3A_2896 : i32 to vector<128x128xi32>
    %sub3A_2898 = arith.subi %broadcast_in_dim3A_5, %sub3A_2897 : vector<128x128xi32>
    %eq3A_2899 = arith.cmpi eq, %iota3A, %sub3A_2898 : vector<128x128xi32>
    %jit3A_2900 = arith.constant 0.000000e+00 : f32
    %broadcast_in_dim3A_2901 = vector.broadcast %jit3A_2900 : f32 to vector<128x128xf32>
    %select_n3A_2902 = arith.select %eq3A_2899, %get3A_2892, %broadcast_in_dim3A_2901 : vector<128x128xi1>, vector<128x128xf32>
    %add3A_2903 = arith.addf %add3A_2889, %select_n3A_2902 : vector<128x128xf32>
    %get3A_2904 = arith.constant 0 : index
    %get3A_2905 = arith.constant 26496 : index
    %get3A_2906 = vector.load %arg3[%get3A_2904, %get3A_2905] : memref<128x32000xf32, #tpu.memory_space<vmem>>, vector<128x128xf32>
    %exp3A_2907 = math.exp %get3A_2906 : vector<128x128xf32>
    %add3A_2908 = arith.addf %add3A_2894, %exp3A_2907 : vector<128x128xf32>
    %add3A_2909 = arith.addf %add3A_2895, %get3A_2906 : vector<128x128xf32>
    %sub3A_2910 = arith.constant 26496 : i32
    %sub3A_2911 = vector.broadcast %sub3A_2910 : i32 to vector<128x128xi32>
    %sub3A_2912 = arith.subi %broadcast_in_dim3A_5, %sub3A_2911 : vector<128x128xi32>
    %eq3A_2913 = arith.cmpi eq, %iota3A, %sub3A_2912 : vector<128x128xi32>
    %jit3A_2914 = arith.constant 0.000000e+00 : f32
    %broadcast_in_dim3A_2915 = vector.broadcast %jit3A_2914 : f32 to vector<128x128xf32>
    %select_n3A_2916 = arith.select %eq3A_2913, %get3A_2906, %broadcast_in_dim3A_2915 : vector<128x128xi1>, vector<128x128xf32>
    %add3A_2917 = arith.addf %add3A_2903, %select_n3A_2916 : vector<128x128xf32>
    %get3A_2918 = arith.constant 0 : index
    %get3A_2919 = arith.constant 26624 : index
    %get3A_2920 = vector.load %arg3[%get3A_2918, %get3A_2919] : memref<128x32000xf32, #tpu.memory_space<vmem>>, vector<128x128xf32>
    %exp3A_2921 = math.exp %get3A_2920 : vector<128x128xf32>
    %add3A_2922 = arith.addf %add3A_2908, %exp3A_2921 : vector<128x128xf32>
    %add3A_2923 = arith.addf %add3A_2909, %get3A_2920 : vector<128x128xf32>
    %sub3A_2924 = arith.constant 26624 : i32
    %sub3A_2925 = vector.broadcast %sub3A_2924 : i32 to vector<128x128xi32>
    %sub3A_2926 = arith.subi %broadcast_in_dim3A_5, %sub3A_2925 : vector<128x128xi32>
    %eq3A_2927 = arith.cmpi eq, %iota3A, %sub3A_2926 : vector<128x128xi32>
    %jit3A_2928 = arith.constant 0.000000e+00 : f32
    %broadcast_in_dim3A_2929 = vector.broadcast %jit3A_2928 : f32 to vector<128x128xf32>
    %select_n3A_2930 = arith.select %eq3A_2927, %get3A_2920, %broadcast_in_dim3A_2929 : vector<128x128xi1>, vector<128x128xf32>
    %add3A_2931 = arith.addf %add3A_2917, %select_n3A_2930 : vector<128x128xf32>
    %get3A_2932 = arith.constant 0 : index
    %get3A_2933 = arith.constant 26752 : index
    %get3A_2934 = vector.load %arg3[%get3A_2932, %get3A_2933] : memref<128x32000xf32, #tpu.memory_space<vmem>>, vector<128x128xf32>
    %exp3A_2935 = math.exp %get3A_2934 : vector<128x128xf32>
    %add3A_2936 = arith.addf %add3A_2922, %exp3A_2935 : vector<128x128xf32>
    %add3A_2937 = arith.addf %add3A_2923, %get3A_2934 : vector<128x128xf32>
    %sub3A_2938 = arith.constant 26752 : i32
    %sub3A_2939 = vector.broadcast %sub3A_2938 : i32 to vector<128x128xi32>
    %sub3A_2940 = arith.subi %broadcast_in_dim3A_5, %sub3A_2939 : vector<128x128xi32>
    %eq3A_2941 = arith.cmpi eq, %iota3A, %sub3A_2940 : vector<128x128xi32>
    %jit3A_2942 = arith.constant 0.000000e+00 : f32
    %broadcast_in_dim3A_2943 = vector.broadcast %jit3A_2942 : f32 to vector<128x128xf32>
    %select_n3A_2944 = arith.select %eq3A_2941, %get3A_2934, %broadcast_in_dim3A_2943 : vector<128x128xi1>, vector<128x128xf32>
    %add3A_2945 = arith.addf %add3A_2931, %select_n3A_2944 : vector<128x128xf32>
    %get3A_2946 = arith.constant 0 : index
    %get3A_2947 = arith.constant 26880 : index
    %get3A_2948 = vector.load %arg3[%get3A_2946, %get3A_2947] : memref<128x32000xf32, #tpu.memory_space<vmem>>, vector<128x128xf32>
    %exp3A_2949 = math.exp %get3A_2948 : vector<128x128xf32>
    %add3A_2950 = arith.addf %add3A_2936, %exp3A_2949 : vector<128x128xf32>
    %add3A_2951 = arith.addf %add3A_2937, %get3A_2948 : vector<128x128xf32>
    %sub3A_2952 = arith.constant 26880 : i32
    %sub3A_2953 = vector.broadcast %sub3A_2952 : i32 to vector<128x128xi32>
    %sub3A_2954 = arith.subi %broadcast_in_dim3A_5, %sub3A_2953 : vector<128x128xi32>
    %eq3A_2955 = arith.cmpi eq, %iota3A, %sub3A_2954 : vector<128x128xi32>
    %jit3A_2956 = arith.constant 0.000000e+00 : f32
    %broadcast_in_dim3A_2957 = vector.broadcast %jit3A_2956 : f32 to vector<128x128xf32>
    %select_n3A_2958 = arith.select %eq3A_2955, %get3A_2948, %broadcast_in_dim3A_2957 : vector<128x128xi1>, vector<128x128xf32>
    %add3A_2959 = arith.addf %add3A_2945, %select_n3A_2958 : vector<128x128xf32>
    %get3A_2960 = arith.constant 0 : index
    %get3A_2961 = arith.constant 27008 : index
    %get3A_2962 = vector.load %arg3[%get3A_2960, %get3A_2961] : memref<128x32000xf32, #tpu.memory_space<vmem>>, vector<128x128xf32>
    %exp3A_2963 = math.exp %get3A_2962 : vector<128x128xf32>
    %add3A_2964 = arith.addf %add3A_2950, %exp3A_2963 : vector<128x128xf32>
    %add3A_2965 = arith.addf %add3A_2951, %get3A_2962 : vector<128x128xf32>
    %sub3A_2966 = arith.constant 27008 : i32
    %sub3A_2967 = vector.broadcast %sub3A_2966 : i32 to vector<128x128xi32>
    %sub3A_2968 = arith.subi %broadcast_in_dim3A_5, %sub3A_2967 : vector<128x128xi32>
    %eq3A_2969 = arith.cmpi eq, %iota3A, %sub3A_2968 : vector<128x128xi32>
    %jit3A_2970 = arith.constant 0.000000e+00 : f32
    %broadcast_in_dim3A_2971 = vector.broadcast %jit3A_2970 : f32 to vector<128x128xf32>
    %select_n3A_2972 = arith.select %eq3A_2969, %get3A_2962, %broadcast_in_dim3A_2971 : vector<128x128xi1>, vector<128x128xf32>
    %add3A_2973 = arith.addf %add3A_2959, %select_n3A_2972 : vector<128x128xf32>
    %get3A_2974 = arith.constant 0 : index
    %get3A_2975 = arith.constant 27136 : index
    %get3A_2976 = vector.load %arg3[%get3A_2974, %get3A_2975] : memref<128x32000xf32, #tpu.memory_space<vmem>>, vector<128x128xf32>
    %exp3A_2977 = math.exp %get3A_2976 : vector<128x128xf32>
    %add3A_2978 = arith.addf %add3A_2964, %exp3A_2977 : vector<128x128xf32>
    %add3A_2979 = arith.addf %add3A_2965, %get3A_2976 : vector<128x128xf32>
    %sub3A_2980 = arith.constant 27136 : i32
    %sub3A_2981 = vector.broadcast %sub3A_2980 : i32 to vector<128x128xi32>
    %sub3A_2982 = arith.subi %broadcast_in_dim3A_5, %sub3A_2981 : vector<128x128xi32>
    %eq3A_2983 = arith.cmpi eq, %iota3A, %sub3A_2982 : vector<128x128xi32>
    %jit3A_2984 = arith.constant 0.000000e+00 : f32
    %broadcast_in_dim3A_2985 = vector.broadcast %jit3A_2984 : f32 to vector<128x128xf32>
    %select_n3A_2986 = arith.select %eq3A_2983, %get3A_2976, %broadcast_in_dim3A_2985 : vector<128x128xi1>, vector<128x128xf32>
    %add3A_2987 = arith.addf %add3A_2973, %select_n3A_2986 : vector<128x128xf32>
    %get3A_2988 = arith.constant 0 : index
    %get3A_2989 = arith.constant 27264 : index
    %get3A_2990 = vector.load %arg3[%get3A_2988, %get3A_2989] : memref<128x32000xf32, #tpu.memory_space<vmem>>, vector<128x128xf32>
    %exp3A_2991 = math.exp %get3A_2990 : vector<128x128xf32>
    %add3A_2992 = arith.addf %add3A_2978, %exp3A_2991 : vector<128x128xf32>
    %add3A_2993 = arith.addf %add3A_2979, %get3A_2990 : vector<128x128xf32>
    %sub3A_2994 = arith.constant 27264 : i32
    %sub3A_2995 = vector.broadcast %sub3A_2994 : i32 to vector<128x128xi32>
    %sub3A_2996 = arith.subi %broadcast_in_dim3A_5, %sub3A_2995 : vector<128x128xi32>
    %eq3A_2997 = arith.cmpi eq, %iota3A, %sub3A_2996 : vector<128x128xi32>
    %jit3A_2998 = arith.constant 0.000000e+00 : f32
    %broadcast_in_dim3A_2999 = vector.broadcast %jit3A_2998 : f32 to vector<128x128xf32>
    %select_n3A_3000 = arith.select %eq3A_2997, %get3A_2990, %broadcast_in_dim3A_2999 : vector<128x128xi1>, vector<128x128xf32>
    %add3A_3001 = arith.addf %add3A_2987, %select_n3A_3000 : vector<128x128xf32>
    %get3A_3002 = arith.constant 0 : index
    %get3A_3003 = arith.constant 27392 : index
    %get3A_3004 = vector.load %arg3[%get3A_3002, %get3A_3003] : memref<128x32000xf32, #tpu.memory_space<vmem>>, vector<128x128xf32>
    %exp3A_3005 = math.exp %get3A_3004 : vector<128x128xf32>
    %add3A_3006 = arith.addf %add3A_2992, %exp3A_3005 : vector<128x128xf32>
    %add3A_3007 = arith.addf %add3A_2993, %get3A_3004 : vector<128x128xf32>
    %sub3A_3008 = arith.constant 27392 : i32
    %sub3A_3009 = vector.broadcast %sub3A_3008 : i32 to vector<128x128xi32>
    %sub3A_3010 = arith.subi %broadcast_in_dim3A_5, %sub3A_3009 : vector<128x128xi32>
    %eq3A_3011 = arith.cmpi eq, %iota3A, %sub3A_3010 : vector<128x128xi32>
    %jit3A_3012 = arith.constant 0.000000e+00 : f32
    %broadcast_in_dim3A_3013 = vector.broadcast %jit3A_3012 : f32 to vector<128x128xf32>
    %select_n3A_3014 = arith.select %eq3A_3011, %get3A_3004, %broadcast_in_dim3A_3013 : vector<128x128xi1>, vector<128x128xf32>
    %add3A_3015 = arith.addf %add3A_3001, %select_n3A_3014 : vector<128x128xf32>
    %get3A_3016 = arith.constant 0 : index
    %get3A_3017 = arith.constant 27520 : index
    %get3A_3018 = vector.load %arg3[%get3A_3016, %get3A_3017] : memref<128x32000xf32, #tpu.memory_space<vmem>>, vector<128x128xf32>
    %exp3A_3019 = math.exp %get3A_3018 : vector<128x128xf32>
    %add3A_3020 = arith.addf %add3A_3006, %exp3A_3019 : vector<128x128xf32>
    %add3A_3021 = arith.addf %add3A_3007, %get3A_3018 : vector<128x128xf32>
    %sub3A_3022 = arith.constant 27520 : i32
    %sub3A_3023 = vector.broadcast %sub3A_3022 : i32 to vector<128x128xi32>
    %sub3A_3024 = arith.subi %broadcast_in_dim3A_5, %sub3A_3023 : vector<128x128xi32>
    %eq3A_3025 = arith.cmpi eq, %iota3A, %sub3A_3024 : vector<128x128xi32>
    %jit3A_3026 = arith.constant 0.000000e+00 : f32
    %broadcast_in_dim3A_3027 = vector.broadcast %jit3A_3026 : f32 to vector<128x128xf32>
    %select_n3A_3028 = arith.select %eq3A_3025, %get3A_3018, %broadcast_in_dim3A_3027 : vector<128x128xi1>, vector<128x128xf32>
    %add3A_3029 = arith.addf %add3A_3015, %select_n3A_3028 : vector<128x128xf32>
    %get3A_3030 = arith.constant 0 : index
    %get3A_3031 = arith.constant 27648 : index
    %get3A_3032 = vector.load %arg3[%get3A_3030, %get3A_3031] : memref<128x32000xf32, #tpu.memory_space<vmem>>, vector<128x128xf32>
    %exp3A_3033 = math.exp %get3A_3032 : vector<128x128xf32>
    %add3A_3034 = arith.addf %add3A_3020, %exp3A_3033 : vector<128x128xf32>
    %add3A_3035 = arith.addf %add3A_3021, %get3A_3032 : vector<128x128xf32>
    %sub3A_3036 = arith.constant 27648 : i32
    %sub3A_3037 = vector.broadcast %sub3A_3036 : i32 to vector<128x128xi32>
    %sub3A_3038 = arith.subi %broadcast_in_dim3A_5, %sub3A_3037 : vector<128x128xi32>
    %eq3A_3039 = arith.cmpi eq, %iota3A, %sub3A_3038 : vector<128x128xi32>
    %jit3A_3040 = arith.constant 0.000000e+00 : f32
    %broadcast_in_dim3A_3041 = vector.broadcast %jit3A_3040 : f32 to vector<128x128xf32>
    %select_n3A_3042 = arith.select %eq3A_3039, %get3A_3032, %broadcast_in_dim3A_3041 : vector<128x128xi1>, vector<128x128xf32>
    %add3A_3043 = arith.addf %add3A_3029, %select_n3A_3042 : vector<128x128xf32>
    %get3A_3044 = arith.constant 0 : index
    %get3A_3045 = arith.constant 27776 : index
    %get3A_3046 = vector.load %arg3[%get3A_3044, %get3A_3045] : memref<128x32000xf32, #tpu.memory_space<vmem>>, vector<128x128xf32>
    %exp3A_3047 = math.exp %get3A_3046 : vector<128x128xf32>
    %add3A_3048 = arith.addf %add3A_3034, %exp3A_3047 : vector<128x128xf32>
    %add3A_3049 = arith.addf %add3A_3035, %get3A_3046 : vector<128x128xf32>
    %sub3A_3050 = arith.constant 27776 : i32
    %sub3A_3051 = vector.broadcast %sub3A_3050 : i32 to vector<128x128xi32>
    %sub3A_3052 = arith.subi %broadcast_in_dim3A_5, %sub3A_3051 : vector<128x128xi32>
    %eq3A_3053 = arith.cmpi eq, %iota3A, %sub3A_3052 : vector<128x128xi32>
    %jit3A_3054 = arith.constant 0.000000e+00 : f32
    %broadcast_in_dim3A_3055 = vector.broadcast %jit3A_3054 : f32 to vector<128x128xf32>
    %select_n3A_3056 = arith.select %eq3A_3053, %get3A_3046, %broadcast_in_dim3A_3055 : vector<128x128xi1>, vector<128x128xf32>
    %add3A_3057 = arith.addf %add3A_3043, %select_n3A_3056 : vector<128x128xf32>
    %get3A_3058 = arith.constant 0 : index
    %get3A_3059 = arith.constant 27904 : index
    %get3A_3060 = vector.load %arg3[%get3A_3058, %get3A_3059] : memref<128x32000xf32, #tpu.memory_space<vmem>>, vector<128x128xf32>
    %exp3A_3061 = math.exp %get3A_3060 : vector<128x128xf32>
    %add3A_3062 = arith.addf %add3A_3048, %exp3A_3061 : vector<128x128xf32>
    %add3A_3063 = arith.addf %add3A_3049, %get3A_3060 : vector<128x128xf32>
    %sub3A_3064 = arith.constant 27904 : i32
    %sub3A_3065 = vector.broadcast %sub3A_3064 : i32 to vector<128x128xi32>
    %sub3A_3066 = arith.subi %broadcast_in_dim3A_5, %sub3A_3065 : vector<128x128xi32>
    %eq3A_3067 = arith.cmpi eq, %iota3A, %sub3A_3066 : vector<128x128xi32>
    %jit3A_3068 = arith.constant 0.000000e+00 : f32
    %broadcast_in_dim3A_3069 = vector.broadcast %jit3A_3068 : f32 to vector<128x128xf32>
    %select_n3A_3070 = arith.select %eq3A_3067, %get3A_3060, %broadcast_in_dim3A_3069 : vector<128x128xi1>, vector<128x128xf32>
    %add3A_3071 = arith.addf %add3A_3057, %select_n3A_3070 : vector<128x128xf32>
    %get3A_3072 = arith.constant 0 : index
    %get3A_3073 = arith.constant 28032 : index
    %get3A_3074 = vector.load %arg3[%get3A_3072, %get3A_3073] : memref<128x32000xf32, #tpu.memory_space<vmem>>, vector<128x128xf32>
    %exp3A_3075 = math.exp %get3A_3074 : vector<128x128xf32>
    %add3A_3076 = arith.addf %add3A_3062, %exp3A_3075 : vector<128x128xf32>
    %add3A_3077 = arith.addf %add3A_3063, %get3A_3074 : vector<128x128xf32>
    %sub3A_3078 = arith.constant 28032 : i32
    %sub3A_3079 = vector.broadcast %sub3A_3078 : i32 to vector<128x128xi32>
    %sub3A_3080 = arith.subi %broadcast_in_dim3A_5, %sub3A_3079 : vector<128x128xi32>
    %eq3A_3081 = arith.cmpi eq, %iota3A, %sub3A_3080 : vector<128x128xi32>
    %jit3A_3082 = arith.constant 0.000000e+00 : f32
    %broadcast_in_dim3A_3083 = vector.broadcast %jit3A_3082 : f32 to vector<128x128xf32>
    %select_n3A_3084 = arith.select %eq3A_3081, %get3A_3074, %broadcast_in_dim3A_3083 : vector<128x128xi1>, vector<128x128xf32>
    %add3A_3085 = arith.addf %add3A_3071, %select_n3A_3084 : vector<128x128xf32>
    %get3A_3086 = arith.constant 0 : index
    %get3A_3087 = arith.constant 28160 : index
    %get3A_3088 = vector.load %arg3[%get3A_3086, %get3A_3087] : memref<128x32000xf32, #tpu.memory_space<vmem>>, vector<128x128xf32>
    %exp3A_3089 = math.exp %get3A_3088 : vector<128x128xf32>
    %add3A_3090 = arith.addf %add3A_3076, %exp3A_3089 : vector<128x128xf32>
    %add3A_3091 = arith.addf %add3A_3077, %get3A_3088 : vector<128x128xf32>
    %sub3A_3092 = arith.constant 28160 : i32
    %sub3A_3093 = vector.broadcast %sub3A_3092 : i32 to vector<128x128xi32>
    %sub3A_3094 = arith.subi %broadcast_in_dim3A_5, %sub3A_3093 : vector<128x128xi32>
    %eq3A_3095 = arith.cmpi eq, %iota3A, %sub3A_3094 : vector<128x128xi32>
    %jit3A_3096 = arith.constant 0.000000e+00 : f32
    %broadcast_in_dim3A_3097 = vector.broadcast %jit3A_3096 : f32 to vector<128x128xf32>
    %select_n3A_3098 = arith.select %eq3A_3095, %get3A_3088, %broadcast_in_dim3A_3097 : vector<128x128xi1>, vector<128x128xf32>
    %add3A_3099 = arith.addf %add3A_3085, %select_n3A_3098 : vector<128x128xf32>
    %get3A_3100 = arith.constant 0 : index
    %get3A_3101 = arith.constant 28288 : index
    %get3A_3102 = vector.load %arg3[%get3A_3100, %get3A_3101] : memref<128x32000xf32, #tpu.memory_space<vmem>>, vector<128x128xf32>
    %exp3A_3103 = math.exp %get3A_3102 : vector<128x128xf32>
    %add3A_3104 = arith.addf %add3A_3090, %exp3A_3103 : vector<128x128xf32>
    %add3A_3105 = arith.addf %add3A_3091, %get3A_3102 : vector<128x128xf32>
    %sub3A_3106 = arith.constant 28288 : i32
    %sub3A_3107 = vector.broadcast %sub3A_3106 : i32 to vector<128x128xi32>
    %sub3A_3108 = arith.subi %broadcast_in_dim3A_5, %sub3A_3107 : vector<128x128xi32>
    %eq3A_3109 = arith.cmpi eq, %iota3A, %sub3A_3108 : vector<128x128xi32>
    %jit3A_3110 = arith.constant 0.000000e+00 : f32
    %broadcast_in_dim3A_3111 = vector.broadcast %jit3A_3110 : f32 to vector<128x128xf32>
    %select_n3A_3112 = arith.select %eq3A_3109, %get3A_3102, %broadcast_in_dim3A_3111 : vector<128x128xi1>, vector<128x128xf32>
    %add3A_3113 = arith.addf %add3A_3099, %select_n3A_3112 : vector<128x128xf32>
    %get3A_3114 = arith.constant 0 : index
    %get3A_3115 = arith.constant 28416 : index
    %get3A_3116 = vector.load %arg3[%get3A_3114, %get3A_3115] : memref<128x32000xf32, #tpu.memory_space<vmem>>, vector<128x128xf32>
    %exp3A_3117 = math.exp %get3A_3116 : vector<128x128xf32>
    %add3A_3118 = arith.addf %add3A_3104, %exp3A_3117 : vector<128x128xf32>
    %add3A_3119 = arith.addf %add3A_3105, %get3A_3116 : vector<128x128xf32>
    %sub3A_3120 = arith.constant 28416 : i32
    %sub3A_3121 = vector.broadcast %sub3A_3120 : i32 to vector<128x128xi32>
    %sub3A_3122 = arith.subi %broadcast_in_dim3A_5, %sub3A_3121 : vector<128x128xi32>
    %eq3A_3123 = arith.cmpi eq, %iota3A, %sub3A_3122 : vector<128x128xi32>
    %jit3A_3124 = arith.constant 0.000000e+00 : f32
    %broadcast_in_dim3A_3125 = vector.broadcast %jit3A_3124 : f32 to vector<128x128xf32>
    %select_n3A_3126 = arith.select %eq3A_3123, %get3A_3116, %broadcast_in_dim3A_3125 : vector<128x128xi1>, vector<128x128xf32>
    %add3A_3127 = arith.addf %add3A_3113, %select_n3A_3126 : vector<128x128xf32>
    %get3A_3128 = arith.constant 0 : index
    %get3A_3129 = arith.constant 28544 : index
    %get3A_3130 = vector.load %arg3[%get3A_3128, %get3A_3129] : memref<128x32000xf32, #tpu.memory_space<vmem>>, vector<128x128xf32>
    %exp3A_3131 = math.exp %get3A_3130 : vector<128x128xf32>
    %add3A_3132 = arith.addf %add3A_3118, %exp3A_3131 : vector<128x128xf32>
    %add3A_3133 = arith.addf %add3A_3119, %get3A_3130 : vector<128x128xf32>
    %sub3A_3134 = arith.constant 28544 : i32
    %sub3A_3135 = vector.broadcast %sub3A_3134 : i32 to vector<128x128xi32>
    %sub3A_3136 = arith.subi %broadcast_in_dim3A_5, %sub3A_3135 : vector<128x128xi32>
    %eq3A_3137 = arith.cmpi eq, %iota3A, %sub3A_3136 : vector<128x128xi32>
    %jit3A_3138 = arith.constant 0.000000e+00 : f32
    %broadcast_in_dim3A_3139 = vector.broadcast %jit3A_3138 : f32 to vector<128x128xf32>
    %select_n3A_3140 = arith.select %eq3A_3137, %get3A_3130, %broadcast_in_dim3A_3139 : vector<128x128xi1>, vector<128x128xf32>
    %add3A_3141 = arith.addf %add3A_3127, %select_n3A_3140 : vector<128x128xf32>
    %get3A_3142 = arith.constant 0 : index
    %get3A_3143 = arith.constant 28672 : index
    %get3A_3144 = vector.load %arg3[%get3A_3142, %get3A_3143] : memref<128x32000xf32, #tpu.memory_space<vmem>>, vector<128x128xf32>
    %exp3A_3145 = math.exp %get3A_3144 : vector<128x128xf32>
    %add3A_3146 = arith.addf %add3A_3132, %exp3A_3145 : vector<128x128xf32>
    %add3A_3147 = arith.addf %add3A_3133, %get3A_3144 : vector<128x128xf32>
    %sub3A_3148 = arith.constant 28672 : i32
    %sub3A_3149 = vector.broadcast %sub3A_3148 : i32 to vector<128x128xi32>
    %sub3A_3150 = arith.subi %broadcast_in_dim3A_5, %sub3A_3149 : vector<128x128xi32>
    %eq3A_3151 = arith.cmpi eq, %iota3A, %sub3A_3150 : vector<128x128xi32>
    %jit3A_3152 = arith.constant 0.000000e+00 : f32
    %broadcast_in_dim3A_3153 = vector.broadcast %jit3A_3152 : f32 to vector<128x128xf32>
    %select_n3A_3154 = arith.select %eq3A_3151, %get3A_3144, %broadcast_in_dim3A_3153 : vector<128x128xi1>, vector<128x128xf32>
    %add3A_3155 = arith.addf %add3A_3141, %select_n3A_3154 : vector<128x128xf32>
    %get3A_3156 = arith.constant 0 : index
    %get3A_3157 = arith.constant 28800 : index
    %get3A_3158 = vector.load %arg3[%get3A_3156, %get3A_3157] : memref<128x32000xf32, #tpu.memory_space<vmem>>, vector<128x128xf32>
    %exp3A_3159 = math.exp %get3A_3158 : vector<128x128xf32>
    %add3A_3160 = arith.addf %add3A_3146, %exp3A_3159 : vector<128x128xf32>
    %add3A_3161 = arith.addf %add3A_3147, %get3A_3158 : vector<128x128xf32>
    %sub3A_3162 = arith.constant 28800 : i32
    %sub3A_3163 = vector.broadcast %sub3A_3162 : i32 to vector<128x128xi32>
    %sub3A_3164 = arith.subi %broadcast_in_dim3A_5, %sub3A_3163 : vector<128x128xi32>
    %eq3A_3165 = arith.cmpi eq, %iota3A, %sub3A_3164 : vector<128x128xi32>
    %jit3A_3166 = arith.constant 0.000000e+00 : f32
    %broadcast_in_dim3A_3167 = vector.broadcast %jit3A_3166 : f32 to vector<128x128xf32>
    %select_n3A_3168 = arith.select %eq3A_3165, %get3A_3158, %broadcast_in_dim3A_3167 : vector<128x128xi1>, vector<128x128xf32>
    %add3A_3169 = arith.addf %add3A_3155, %select_n3A_3168 : vector<128x128xf32>
    %get3A_3170 = arith.constant 0 : index
    %get3A_3171 = arith.constant 28928 : index
    %get3A_3172 = vector.load %arg3[%get3A_3170, %get3A_3171] : memref<128x32000xf32, #tpu.memory_space<vmem>>, vector<128x128xf32>
    %exp3A_3173 = math.exp %get3A_3172 : vector<128x128xf32>
    %add3A_3174 = arith.addf %add3A_3160, %exp3A_3173 : vector<128x128xf32>
    %add3A_3175 = arith.addf %add3A_3161, %get3A_3172 : vector<128x128xf32>
    %sub3A_3176 = arith.constant 28928 : i32
    %sub3A_3177 = vector.broadcast %sub3A_3176 : i32 to vector<128x128xi32>
    %sub3A_3178 = arith.subi %broadcast_in_dim3A_5, %sub3A_3177 : vector<128x128xi32>
    %eq3A_3179 = arith.cmpi eq, %iota3A, %sub3A_3178 : vector<128x128xi32>
    %jit3A_3180 = arith.constant 0.000000e+00 : f32
    %broadcast_in_dim3A_3181 = vector.broadcast %jit3A_3180 : f32 to vector<128x128xf32>
    %select_n3A_3182 = arith.select %eq3A_3179, %get3A_3172, %broadcast_in_dim3A_3181 : vector<128x128xi1>, vector<128x128xf32>
    %add3A_3183 = arith.addf %add3A_3169, %select_n3A_3182 : vector<128x128xf32>
    %get3A_3184 = arith.constant 0 : index
    %get3A_3185 = arith.constant 29056 : index
    %get3A_3186 = vector.load %arg3[%get3A_3184, %get3A_3185] : memref<128x32000xf32, #tpu.memory_space<vmem>>, vector<128x128xf32>
    %exp3A_3187 = math.exp %get3A_3186 : vector<128x128xf32>
    %add3A_3188 = arith.addf %add3A_3174, %exp3A_3187 : vector<128x128xf32>
    %add3A_3189 = arith.addf %add3A_3175, %get3A_3186 : vector<128x128xf32>
    %sub3A_3190 = arith.constant 29056 : i32
    %sub3A_3191 = vector.broadcast %sub3A_3190 : i32 to vector<128x128xi32>
    %sub3A_3192 = arith.subi %broadcast_in_dim3A_5, %sub3A_3191 : vector<128x128xi32>
    %eq3A_3193 = arith.cmpi eq, %iota3A, %sub3A_3192 : vector<128x128xi32>
    %jit3A_3194 = arith.constant 0.000000e+00 : f32
    %broadcast_in_dim3A_3195 = vector.broadcast %jit3A_3194 : f32 to vector<128x128xf32>
    %select_n3A_3196 = arith.select %eq3A_3193, %get3A_3186, %broadcast_in_dim3A_3195 : vector<128x128xi1>, vector<128x128xf32>
    %add3A_3197 = arith.addf %add3A_3183, %select_n3A_3196 : vector<128x128xf32>
    %get3A_3198 = arith.constant 0 : index
    %get3A_3199 = arith.constant 29184 : index
    %get3A_3200 = vector.load %arg3[%get3A_3198, %get3A_3199] : memref<128x32000xf32, #tpu.memory_space<vmem>>, vector<128x128xf32>
    %exp3A_3201 = math.exp %get3A_3200 : vector<128x128xf32>
    %add3A_3202 = arith.addf %add3A_3188, %exp3A_3201 : vector<128x128xf32>
    %add3A_3203 = arith.addf %add3A_3189, %get3A_3200 : vector<128x128xf32>
    %sub3A_3204 = arith.constant 29184 : i32
    %sub3A_3205 = vector.broadcast %sub3A_3204 : i32 to vector<128x128xi32>
    %sub3A_3206 = arith.subi %broadcast_in_dim3A_5, %sub3A_3205 : vector<128x128xi32>
    %eq3A_3207 = arith.cmpi eq, %iota3A, %sub3A_3206 : vector<128x128xi32>
    %jit3A_3208 = arith.constant 0.000000e+00 : f32
    %broadcast_in_dim3A_3209 = vector.broadcast %jit3A_3208 : f32 to vector<128x128xf32>
    %select_n3A_3210 = arith.select %eq3A_3207, %get3A_3200, %broadcast_in_dim3A_3209 : vector<128x128xi1>, vector<128x128xf32>
    %add3A_3211 = arith.addf %add3A_3197, %select_n3A_3210 : vector<128x128xf32>
    %get3A_3212 = arith.constant 0 : index
    %get3A_3213 = arith.constant 29312 : index
    %get3A_3214 = vector.load %arg3[%get3A_3212, %get3A_3213] : memref<128x32000xf32, #tpu.memory_space<vmem>>, vector<128x128xf32>
    %exp3A_3215 = math.exp %get3A_3214 : vector<128x128xf32>
    %add3A_3216 = arith.addf %add3A_3202, %exp3A_3215 : vector<128x128xf32>
    %add3A_3217 = arith.addf %add3A_3203, %get3A_3214 : vector<128x128xf32>
    %sub3A_3218 = arith.constant 29312 : i32
    %sub3A_3219 = vector.broadcast %sub3A_3218 : i32 to vector<128x128xi32>
    %sub3A_3220 = arith.subi %broadcast_in_dim3A_5, %sub3A_3219 : vector<128x128xi32>
    %eq3A_3221 = arith.cmpi eq, %iota3A, %sub3A_3220 : vector<128x128xi32>
    %jit3A_3222 = arith.constant 0.000000e+00 : f32
    %broadcast_in_dim3A_3223 = vector.broadcast %jit3A_3222 : f32 to vector<128x128xf32>
    %select_n3A_3224 = arith.select %eq3A_3221, %get3A_3214, %broadcast_in_dim3A_3223 : vector<128x128xi1>, vector<128x128xf32>
    %add3A_3225 = arith.addf %add3A_3211, %select_n3A_3224 : vector<128x128xf32>
    %get3A_3226 = arith.constant 0 : index
    %get3A_3227 = arith.constant 29440 : index
    %get3A_3228 = vector.load %arg3[%get3A_3226, %get3A_3227] : memref<128x32000xf32, #tpu.memory_space<vmem>>, vector<128x128xf32>
    %exp3A_3229 = math.exp %get3A_3228 : vector<128x128xf32>
    %add3A_3230 = arith.addf %add3A_3216, %exp3A_3229 : vector<128x128xf32>
    %add3A_3231 = arith.addf %add3A_3217, %get3A_3228 : vector<128x128xf32>
    %sub3A_3232 = arith.constant 29440 : i32
    %sub3A_3233 = vector.broadcast %sub3A_3232 : i32 to vector<128x128xi32>
    %sub3A_3234 = arith.subi %broadcast_in_dim3A_5, %sub3A_3233 : vector<128x128xi32>
    %eq3A_3235 = arith.cmpi eq, %iota3A, %sub3A_3234 : vector<128x128xi32>
    %jit3A_3236 = arith.constant 0.000000e+00 : f32
    %broadcast_in_dim3A_3237 = vector.broadcast %jit3A_3236 : f32 to vector<128x128xf32>
    %select_n3A_3238 = arith.select %eq3A_3235, %get3A_3228, %broadcast_in_dim3A_3237 : vector<128x128xi1>, vector<128x128xf32>
    %add3A_3239 = arith.addf %add3A_3225, %select_n3A_3238 : vector<128x128xf32>
    %get3A_3240 = arith.constant 0 : index
    %get3A_3241 = arith.constant 29568 : index
    %get3A_3242 = vector.load %arg3[%get3A_3240, %get3A_3241] : memref<128x32000xf32, #tpu.memory_space<vmem>>, vector<128x128xf32>
    %exp3A_3243 = math.exp %get3A_3242 : vector<128x128xf32>
    %add3A_3244 = arith.addf %add3A_3230, %exp3A_3243 : vector<128x128xf32>
    %add3A_3245 = arith.addf %add3A_3231, %get3A_3242 : vector<128x128xf32>
    %sub3A_3246 = arith.constant 29568 : i32
    %sub3A_3247 = vector.broadcast %sub3A_3246 : i32 to vector<128x128xi32>
    %sub3A_3248 = arith.subi %broadcast_in_dim3A_5, %sub3A_3247 : vector<128x128xi32>
    %eq3A_3249 = arith.cmpi eq, %iota3A, %sub3A_3248 : vector<128x128xi32>
    %jit3A_3250 = arith.constant 0.000000e+00 : f32
    %broadcast_in_dim3A_3251 = vector.broadcast %jit3A_3250 : f32 to vector<128x128xf32>
    %select_n3A_3252 = arith.select %eq3A_3249, %get3A_3242, %broadcast_in_dim3A_3251 : vector<128x128xi1>, vector<128x128xf32>
    %add3A_3253 = arith.addf %add3A_3239, %select_n3A_3252 : vector<128x128xf32>
    %get3A_3254 = arith.constant 0 : index
    %get3A_3255 = arith.constant 29696 : index
    %get3A_3256 = vector.load %arg3[%get3A_3254, %get3A_3255] : memref<128x32000xf32, #tpu.memory_space<vmem>>, vector<128x128xf32>
    %exp3A_3257 = math.exp %get3A_3256 : vector<128x128xf32>
    %add3A_3258 = arith.addf %add3A_3244, %exp3A_3257 : vector<128x128xf32>
    %add3A_3259 = arith.addf %add3A_3245, %get3A_3256 : vector<128x128xf32>
    %sub3A_3260 = arith.constant 29696 : i32
    %sub3A_3261 = vector.broadcast %sub3A_3260 : i32 to vector<128x128xi32>
    %sub3A_3262 = arith.subi %broadcast_in_dim3A_5, %sub3A_3261 : vector<128x128xi32>
    %eq3A_3263 = arith.cmpi eq, %iota3A, %sub3A_3262 : vector<128x128xi32>
    %jit3A_3264 = arith.constant 0.000000e+00 : f32
    %broadcast_in_dim3A_3265 = vector.broadcast %jit3A_3264 : f32 to vector<128x128xf32>
    %select_n3A_3266 = arith.select %eq3A_3263, %get3A_3256, %broadcast_in_dim3A_3265 : vector<128x128xi1>, vector<128x128xf32>
    %add3A_3267 = arith.addf %add3A_3253, %select_n3A_3266 : vector<128x128xf32>
    %get3A_3268 = arith.constant 0 : index
    %get3A_3269 = arith.constant 29824 : index
    %get3A_3270 = vector.load %arg3[%get3A_3268, %get3A_3269] : memref<128x32000xf32, #tpu.memory_space<vmem>>, vector<128x128xf32>
    %exp3A_3271 = math.exp %get3A_3270 : vector<128x128xf32>
    %add3A_3272 = arith.addf %add3A_3258, %exp3A_3271 : vector<128x128xf32>
    %add3A_3273 = arith.addf %add3A_3259, %get3A_3270 : vector<128x128xf32>
    %sub3A_3274 = arith.constant 29824 : i32
    %sub3A_3275 = vector.broadcast %sub3A_3274 : i32 to vector<128x128xi32>
    %sub3A_3276 = arith.subi %broadcast_in_dim3A_5, %sub3A_3275 : vector<128x128xi32>
    %eq3A_3277 = arith.cmpi eq, %iota3A, %sub3A_3276 : vector<128x128xi32>
    %jit3A_3278 = arith.constant 0.000000e+00 : f32
    %broadcast_in_dim3A_3279 = vector.broadcast %jit3A_3278 : f32 to vector<128x128xf32>
    %select_n3A_3280 = arith.select %eq3A_3277, %get3A_3270, %broadcast_in_dim3A_3279 : vector<128x128xi1>, vector<128x128xf32>
    %add3A_3281 = arith.addf %add3A_3267, %select_n3A_3280 : vector<128x128xf32>
    %get3A_3282 = arith.constant 0 : index
    %get3A_3283 = arith.constant 29952 : index
    %get3A_3284 = vector.load %arg3[%get3A_3282, %get3A_3283] : memref<128x32000xf32, #tpu.memory_space<vmem>>, vector<128x128xf32>
    %exp3A_3285 = math.exp %get3A_3284 : vector<128x128xf32>
    %add3A_3286 = arith.addf %add3A_3272, %exp3A_3285 : vector<128x128xf32>
    %add3A_3287 = arith.addf %add3A_3273, %get3A_3284 : vector<128x128xf32>
    %sub3A_3288 = arith.constant 29952 : i32
    %sub3A_3289 = vector.broadcast %sub3A_3288 : i32 to vector<128x128xi32>
    %sub3A_3290 = arith.subi %broadcast_in_dim3A_5, %sub3A_3289 : vector<128x128xi32>
    %eq3A_3291 = arith.cmpi eq, %iota3A, %sub3A_3290 : vector<128x128xi32>
    %jit3A_3292 = arith.constant 0.000000e+00 : f32
    %broadcast_in_dim3A_3293 = vector.broadcast %jit3A_3292 : f32 to vector<128x128xf32>
    %select_n3A_3294 = arith.select %eq3A_3291, %get3A_3284, %broadcast_in_dim3A_3293 : vector<128x128xi1>, vector<128x128xf32>
    %add3A_3295 = arith.addf %add3A_3281, %select_n3A_3294 : vector<128x128xf32>
    %get3A_3296 = arith.constant 0 : index
    %get3A_3297 = arith.constant 30080 : index
    %get3A_3298 = vector.load %arg3[%get3A_3296, %get3A_3297] : memref<128x32000xf32, #tpu.memory_space<vmem>>, vector<128x128xf32>
    %exp3A_3299 = math.exp %get3A_3298 : vector<128x128xf32>
    %add3A_3300 = arith.addf %add3A_3286, %exp3A_3299 : vector<128x128xf32>
    %add3A_3301 = arith.addf %add3A_3287, %get3A_3298 : vector<128x128xf32>
    %sub3A_3302 = arith.constant 30080 : i32
    %sub3A_3303 = vector.broadcast %sub3A_3302 : i32 to vector<128x128xi32>
    %sub3A_3304 = arith.subi %broadcast_in_dim3A_5, %sub3A_3303 : vector<128x128xi32>
    %eq3A_3305 = arith.cmpi eq, %iota3A, %sub3A_3304 : vector<128x128xi32>
    %jit3A_3306 = arith.constant 0.000000e+00 : f32
    %broadcast_in_dim3A_3307 = vector.broadcast %jit3A_3306 : f32 to vector<128x128xf32>
    %select_n3A_3308 = arith.select %eq3A_3305, %get3A_3298, %broadcast_in_dim3A_3307 : vector<128x128xi1>, vector<128x128xf32>
    %add3A_3309 = arith.addf %add3A_3295, %select_n3A_3308 : vector<128x128xf32>
    %get3A_3310 = arith.constant 0 : index
    %get3A_3311 = arith.constant 30208 : index
    %get3A_3312 = vector.load %arg3[%get3A_3310, %get3A_3311] : memref<128x32000xf32, #tpu.memory_space<vmem>>, vector<128x128xf32>
    %exp3A_3313 = math.exp %get3A_3312 : vector<128x128xf32>
    %add3A_3314 = arith.addf %add3A_3300, %exp3A_3313 : vector<128x128xf32>
    %add3A_3315 = arith.addf %add3A_3301, %get3A_3312 : vector<128x128xf32>
    %sub3A_3316 = arith.constant 30208 : i32
    %sub3A_3317 = vector.broadcast %sub3A_3316 : i32 to vector<128x128xi32>
    %sub3A_3318 = arith.subi %broadcast_in_dim3A_5, %sub3A_3317 : vector<128x128xi32>
    %eq3A_3319 = arith.cmpi eq, %iota3A, %sub3A_3318 : vector<128x128xi32>
    %jit3A_3320 = arith.constant 0.000000e+00 : f32
    %broadcast_in_dim3A_3321 = vector.broadcast %jit3A_3320 : f32 to vector<128x128xf32>
    %select_n3A_3322 = arith.select %eq3A_3319, %get3A_3312, %broadcast_in_dim3A_3321 : vector<128x128xi1>, vector<128x128xf32>
    %add3A_3323 = arith.addf %add3A_3309, %select_n3A_3322 : vector<128x128xf32>
    %get3A_3324 = arith.constant 0 : index
    %get3A_3325 = arith.constant 30336 : index
    %get3A_3326 = vector.load %arg3[%get3A_3324, %get3A_3325] : memref<128x32000xf32, #tpu.memory_space<vmem>>, vector<128x128xf32>
    %exp3A_3327 = math.exp %get3A_3326 : vector<128x128xf32>
    %add3A_3328 = arith.addf %add3A_3314, %exp3A_3327 : vector<128x128xf32>
    %add3A_3329 = arith.addf %add3A_3315, %get3A_3326 : vector<128x128xf32>
    %sub3A_3330 = arith.constant 30336 : i32
    %sub3A_3331 = vector.broadcast %sub3A_3330 : i32 to vector<128x128xi32>
    %sub3A_3332 = arith.subi %broadcast_in_dim3A_5, %sub3A_3331 : vector<128x128xi32>
    %eq3A_3333 = arith.cmpi eq, %iota3A, %sub3A_3332 : vector<128x128xi32>
    %jit3A_3334 = arith.constant 0.000000e+00 : f32
    %broadcast_in_dim3A_3335 = vector.broadcast %jit3A_3334 : f32 to vector<128x128xf32>
    %select_n3A_3336 = arith.select %eq3A_3333, %get3A_3326, %broadcast_in_dim3A_3335 : vector<128x128xi1>, vector<128x128xf32>
    %add3A_3337 = arith.addf %add3A_3323, %select_n3A_3336 : vector<128x128xf32>
    %get3A_3338 = arith.constant 0 : index
    %get3A_3339 = arith.constant 30464 : index
    %get3A_3340 = vector.load %arg3[%get3A_3338, %get3A_3339] : memref<128x32000xf32, #tpu.memory_space<vmem>>, vector<128x128xf32>
    %exp3A_3341 = math.exp %get3A_3340 : vector<128x128xf32>
    %add3A_3342 = arith.addf %add3A_3328, %exp3A_3341 : vector<128x128xf32>
    %add3A_3343 = arith.addf %add3A_3329, %get3A_3340 : vector<128x128xf32>
    %sub3A_3344 = arith.constant 30464 : i32
    %sub3A_3345 = vector.broadcast %sub3A_3344 : i32 to vector<128x128xi32>
    %sub3A_3346 = arith.subi %broadcast_in_dim3A_5, %sub3A_3345 : vector<128x128xi32>
    %eq3A_3347 = arith.cmpi eq, %iota3A, %sub3A_3346 : vector<128x128xi32>
    %jit3A_3348 = arith.constant 0.000000e+00 : f32
    %broadcast_in_dim3A_3349 = vector.broadcast %jit3A_3348 : f32 to vector<128x128xf32>
    %select_n3A_3350 = arith.select %eq3A_3347, %get3A_3340, %broadcast_in_dim3A_3349 : vector<128x128xi1>, vector<128x128xf32>
    %add3A_3351 = arith.addf %add3A_3337, %select_n3A_3350 : vector<128x128xf32>
    %get3A_3352 = arith.constant 0 : index
    %get3A_3353 = arith.constant 30592 : index
    %get3A_3354 = vector.load %arg3[%get3A_3352, %get3A_3353] : memref<128x32000xf32, #tpu.memory_space<vmem>>, vector<128x128xf32>
    %exp3A_3355 = math.exp %get3A_3354 : vector<128x128xf32>
    %add3A_3356 = arith.addf %add3A_3342, %exp3A_3355 : vector<128x128xf32>
    %add3A_3357 = arith.addf %add3A_3343, %get3A_3354 : vector<128x128xf32>
    %sub3A_3358 = arith.constant 30592 : i32
    %sub3A_3359 = vector.broadcast %sub3A_3358 : i32 to vector<128x128xi32>
    %sub3A_3360 = arith.subi %broadcast_in_dim3A_5, %sub3A_3359 : vector<128x128xi32>
    %eq3A_3361 = arith.cmpi eq, %iota3A, %sub3A_3360 : vector<128x128xi32>
    %jit3A_3362 = arith.constant 0.000000e+00 : f32
    %broadcast_in_dim3A_3363 = vector.broadcast %jit3A_3362 : f32 to vector<128x128xf32>
    %select_n3A_3364 = arith.select %eq3A_3361, %get3A_3354, %broadcast_in_dim3A_3363 : vector<128x128xi1>, vector<128x128xf32>
    %add3A_3365 = arith.addf %add3A_3351, %select_n3A_3364 : vector<128x128xf32>
    %get3A_3366 = arith.constant 0 : index
    %get3A_3367 = arith.constant 30720 : index
    %get3A_3368 = vector.load %arg3[%get3A_3366, %get3A_3367] : memref<128x32000xf32, #tpu.memory_space<vmem>>, vector<128x128xf32>
    %exp3A_3369 = math.exp %get3A_3368 : vector<128x128xf32>
    %add3A_3370 = arith.addf %add3A_3356, %exp3A_3369 : vector<128x128xf32>
    %add3A_3371 = arith.addf %add3A_3357, %get3A_3368 : vector<128x128xf32>
    %sub3A_3372 = arith.constant 30720 : i32
    %sub3A_3373 = vector.broadcast %sub3A_3372 : i32 to vector<128x128xi32>
    %sub3A_3374 = arith.subi %broadcast_in_dim3A_5, %sub3A_3373 : vector<128x128xi32>
    %eq3A_3375 = arith.cmpi eq, %iota3A, %sub3A_3374 : vector<128x128xi32>
    %jit3A_3376 = arith.constant 0.000000e+00 : f32
    %broadcast_in_dim3A_3377 = vector.broadcast %jit3A_3376 : f32 to vector<128x128xf32>
    %select_n3A_3378 = arith.select %eq3A_3375, %get3A_3368, %broadcast_in_dim3A_3377 : vector<128x128xi1>, vector<128x128xf32>
    %add3A_3379 = arith.addf %add3A_3365, %select_n3A_3378 : vector<128x128xf32>
    %get3A_3380 = arith.constant 0 : index
    %get3A_3381 = arith.constant 30848 : index
    %get3A_3382 = vector.load %arg3[%get3A_3380, %get3A_3381] : memref<128x32000xf32, #tpu.memory_space<vmem>>, vector<128x128xf32>
    %exp3A_3383 = math.exp %get3A_3382 : vector<128x128xf32>
    %add3A_3384 = arith.addf %add3A_3370, %exp3A_3383 : vector<128x128xf32>
    %add3A_3385 = arith.addf %add3A_3371, %get3A_3382 : vector<128x128xf32>
    %sub3A_3386 = arith.constant 30848 : i32
    %sub3A_3387 = vector.broadcast %sub3A_3386 : i32 to vector<128x128xi32>
    %sub3A_3388 = arith.subi %broadcast_in_dim3A_5, %sub3A_3387 : vector<128x128xi32>
    %eq3A_3389 = arith.cmpi eq, %iota3A, %sub3A_3388 : vector<128x128xi32>
    %jit3A_3390 = arith.constant 0.000000e+00 : f32
    %broadcast_in_dim3A_3391 = vector.broadcast %jit3A_3390 : f32 to vector<128x128xf32>
    %select_n3A_3392 = arith.select %eq3A_3389, %get3A_3382, %broadcast_in_dim3A_3391 : vector<128x128xi1>, vector<128x128xf32>
    %add3A_3393 = arith.addf %add3A_3379, %select_n3A_3392 : vector<128x128xf32>
    %get3A_3394 = arith.constant 0 : index
    %get3A_3395 = arith.constant 30976 : index
    %get3A_3396 = vector.load %arg3[%get3A_3394, %get3A_3395] : memref<128x32000xf32, #tpu.memory_space<vmem>>, vector<128x128xf32>
    %exp3A_3397 = math.exp %get3A_3396 : vector<128x128xf32>
    %add3A_3398 = arith.addf %add3A_3384, %exp3A_3397 : vector<128x128xf32>
    %add3A_3399 = arith.addf %add3A_3385, %get3A_3396 : vector<128x128xf32>
    %sub3A_3400 = arith.constant 30976 : i32
    %sub3A_3401 = vector.broadcast %sub3A_3400 : i32 to vector<128x128xi32>
    %sub3A_3402 = arith.subi %broadcast_in_dim3A_5, %sub3A_3401 : vector<128x128xi32>
    %eq3A_3403 = arith.cmpi eq, %iota3A, %sub3A_3402 : vector<128x128xi32>
    %jit3A_3404 = arith.constant 0.000000e+00 : f32
    %broadcast_in_dim3A_3405 = vector.broadcast %jit3A_3404 : f32 to vector<128x128xf32>
    %select_n3A_3406 = arith.select %eq3A_3403, %get3A_3396, %broadcast_in_dim3A_3405 : vector<128x128xi1>, vector<128x128xf32>
    %add3A_3407 = arith.addf %add3A_3393, %select_n3A_3406 : vector<128x128xf32>
    %get3A_3408 = arith.constant 0 : index
    %get3A_3409 = arith.constant 31104 : index
    %get3A_3410 = vector.load %arg3[%get3A_3408, %get3A_3409] : memref<128x32000xf32, #tpu.memory_space<vmem>>, vector<128x128xf32>
    %exp3A_3411 = math.exp %get3A_3410 : vector<128x128xf32>
    %add3A_3412 = arith.addf %add3A_3398, %exp3A_3411 : vector<128x128xf32>
    %add3A_3413 = arith.addf %add3A_3399, %get3A_3410 : vector<128x128xf32>
    %sub3A_3414 = arith.constant 31104 : i32
    %sub3A_3415 = vector.broadcast %sub3A_3414 : i32 to vector<128x128xi32>
    %sub3A_3416 = arith.subi %broadcast_in_dim3A_5, %sub3A_3415 : vector<128x128xi32>
    %eq3A_3417 = arith.cmpi eq, %iota3A, %sub3A_3416 : vector<128x128xi32>
    %jit3A_3418 = arith.constant 0.000000e+00 : f32
    %broadcast_in_dim3A_3419 = vector.broadcast %jit3A_3418 : f32 to vector<128x128xf32>
    %select_n3A_3420 = arith.select %eq3A_3417, %get3A_3410, %broadcast_in_dim3A_3419 : vector<128x128xi1>, vector<128x128xf32>
    %add3A_3421 = arith.addf %add3A_3407, %select_n3A_3420 : vector<128x128xf32>
    %get3A_3422 = arith.constant 0 : index
    %get3A_3423 = arith.constant 31232 : index
    %get3A_3424 = vector.load %arg3[%get3A_3422, %get3A_3423] : memref<128x32000xf32, #tpu.memory_space<vmem>>, vector<128x128xf32>
    %exp3A_3425 = math.exp %get3A_3424 : vector<128x128xf32>
    %add3A_3426 = arith.addf %add3A_3412, %exp3A_3425 : vector<128x128xf32>
    %add3A_3427 = arith.addf %add3A_3413, %get3A_3424 : vector<128x128xf32>
    %sub3A_3428 = arith.constant 31232 : i32
    %sub3A_3429 = vector.broadcast %sub3A_3428 : i32 to vector<128x128xi32>
    %sub3A_3430 = arith.subi %broadcast_in_dim3A_5, %sub3A_3429 : vector<128x128xi32>
    %eq3A_3431 = arith.cmpi eq, %iota3A, %sub3A_3430 : vector<128x128xi32>
    %jit3A_3432 = arith.constant 0.000000e+00 : f32
    %broadcast_in_dim3A_3433 = vector.broadcast %jit3A_3432 : f32 to vector<128x128xf32>
    %select_n3A_3434 = arith.select %eq3A_3431, %get3A_3424, %broadcast_in_dim3A_3433 : vector<128x128xi1>, vector<128x128xf32>
    %add3A_3435 = arith.addf %add3A_3421, %select_n3A_3434 : vector<128x128xf32>
    %get3A_3436 = arith.constant 0 : index
    %get3A_3437 = arith.constant 31360 : index
    %get3A_3438 = vector.load %arg3[%get3A_3436, %get3A_3437] : memref<128x32000xf32, #tpu.memory_space<vmem>>, vector<128x128xf32>
    %exp3A_3439 = math.exp %get3A_3438 : vector<128x128xf32>
    %add3A_3440 = arith.addf %add3A_3426, %exp3A_3439 : vector<128x128xf32>
    %add3A_3441 = arith.addf %add3A_3427, %get3A_3438 : vector<128x128xf32>
    %sub3A_3442 = arith.constant 31360 : i32
    %sub3A_3443 = vector.broadcast %sub3A_3442 : i32 to vector<128x128xi32>
    %sub3A_3444 = arith.subi %broadcast_in_dim3A_5, %sub3A_3443 : vector<128x128xi32>
    %eq3A_3445 = arith.cmpi eq, %iota3A, %sub3A_3444 : vector<128x128xi32>
    %jit3A_3446 = arith.constant 0.000000e+00 : f32
    %broadcast_in_dim3A_3447 = vector.broadcast %jit3A_3446 : f32 to vector<128x128xf32>
    %select_n3A_3448 = arith.select %eq3A_3445, %get3A_3438, %broadcast_in_dim3A_3447 : vector<128x128xi1>, vector<128x128xf32>
    %add3A_3449 = arith.addf %add3A_3435, %select_n3A_3448 : vector<128x128xf32>
    %get3A_3450 = arith.constant 0 : index
    %get3A_3451 = arith.constant 31488 : index
    %get3A_3452 = vector.load %arg3[%get3A_3450, %get3A_3451] : memref<128x32000xf32, #tpu.memory_space<vmem>>, vector<128x128xf32>
    %exp3A_3453 = math.exp %get3A_3452 : vector<128x128xf32>
    %add3A_3454 = arith.addf %add3A_3440, %exp3A_3453 : vector<128x128xf32>
    %add3A_3455 = arith.addf %add3A_3441, %get3A_3452 : vector<128x128xf32>
    %sub3A_3456 = arith.constant 31488 : i32
    %sub3A_3457 = vector.broadcast %sub3A_3456 : i32 to vector<128x128xi32>
    %sub3A_3458 = arith.subi %broadcast_in_dim3A_5, %sub3A_3457 : vector<128x128xi32>
    %eq3A_3459 = arith.cmpi eq, %iota3A, %sub3A_3458 : vector<128x128xi32>
    %jit3A_3460 = arith.constant 0.000000e+00 : f32
    %broadcast_in_dim3A_3461 = vector.broadcast %jit3A_3460 : f32 to vector<128x128xf32>
    %select_n3A_3462 = arith.select %eq3A_3459, %get3A_3452, %broadcast_in_dim3A_3461 : vector<128x128xi1>, vector<128x128xf32>
    %add3A_3463 = arith.addf %add3A_3449, %select_n3A_3462 : vector<128x128xf32>
    %get3A_3464 = arith.constant 0 : index
    %get3A_3465 = arith.constant 31616 : index
    %get3A_3466 = vector.load %arg3[%get3A_3464, %get3A_3465] : memref<128x32000xf32, #tpu.memory_space<vmem>>, vector<128x128xf32>
    %exp3A_3467 = math.exp %get3A_3466 : vector<128x128xf32>
    %add3A_3468 = arith.addf %add3A_3454, %exp3A_3467 : vector<128x128xf32>
    %add3A_3469 = arith.addf %add3A_3455, %get3A_3466 : vector<128x128xf32>
    %sub3A_3470 = arith.constant 31616 : i32
    %sub3A_3471 = vector.broadcast %sub3A_3470 : i32 to vector<128x128xi32>
    %sub3A_3472 = arith.subi %broadcast_in_dim3A_5, %sub3A_3471 : vector<128x128xi32>
    %eq3A_3473 = arith.cmpi eq, %iota3A, %sub3A_3472 : vector<128x128xi32>
    %jit3A_3474 = arith.constant 0.000000e+00 : f32
    %broadcast_in_dim3A_3475 = vector.broadcast %jit3A_3474 : f32 to vector<128x128xf32>
    %select_n3A_3476 = arith.select %eq3A_3473, %get3A_3466, %broadcast_in_dim3A_3475 : vector<128x128xi1>, vector<128x128xf32>
    %add3A_3477 = arith.addf %add3A_3463, %select_n3A_3476 : vector<128x128xf32>
    %get3A_3478 = arith.constant 0 : index
    %get3A_3479 = arith.constant 31744 : index
    %get3A_3480 = vector.load %arg3[%get3A_3478, %get3A_3479] : memref<128x32000xf32, #tpu.memory_space<vmem>>, vector<128x128xf32>
    %exp3A_3481 = math.exp %get3A_3480 : vector<128x128xf32>
    %add3A_3482 = arith.addf %add3A_3468, %exp3A_3481 : vector<128x128xf32>
    %add3A_3483 = arith.addf %add3A_3469, %get3A_3480 : vector<128x128xf32>
    %sub3A_3484 = arith.constant 31744 : i32
    %sub3A_3485 = vector.broadcast %sub3A_3484 : i32 to vector<128x128xi32>
    %sub3A_3486 = arith.subi %broadcast_in_dim3A_5, %sub3A_3485 : vector<128x128xi32>
    %eq3A_3487 = arith.cmpi eq, %iota3A, %sub3A_3486 : vector<128x128xi32>
    %jit3A_3488 = arith.constant 0.000000e+00 : f32
    %broadcast_in_dim3A_3489 = vector.broadcast %jit3A_3488 : f32 to vector<128x128xf32>
    %select_n3A_3490 = arith.select %eq3A_3487, %get3A_3480, %broadcast_in_dim3A_3489 : vector<128x128xi1>, vector<128x128xf32>
    %add3A_3491 = arith.addf %add3A_3477, %select_n3A_3490 : vector<128x128xf32>
    %get3A_3492 = arith.constant 0 : index
    %get3A_3493 = arith.constant 31872 : index
    %get3A_3494 = vector.load %arg3[%get3A_3492, %get3A_3493] : memref<128x32000xf32, #tpu.memory_space<vmem>>, vector<128x128xf32>
    %exp3A_3495 = math.exp %get3A_3494 : vector<128x128xf32>
    %add3A_3496 = arith.addf %add3A_3482, %exp3A_3495 : vector<128x128xf32>
    %add3A_3497 = arith.addf %add3A_3483, %get3A_3494 : vector<128x128xf32>
    %sub3A_3498 = arith.constant 31872 : i32
    %sub3A_3499 = vector.broadcast %sub3A_3498 : i32 to vector<128x128xi32>
    %sub3A_3500 = arith.subi %broadcast_in_dim3A_5, %sub3A_3499 : vector<128x128xi32>
    %eq3A_3501 = arith.cmpi eq, %iota3A, %sub3A_3500 : vector<128x128xi32>
    %jit3A_3502 = arith.constant 0.000000e+00 : f32
    %broadcast_in_dim3A_3503 = vector.broadcast %jit3A_3502 : f32 to vector<128x128xf32>
    %select_n3A_3504 = arith.select %eq3A_3501, %get3A_3494, %broadcast_in_dim3A_3503 : vector<128x128xi1>, vector<128x128xf32>
    %add3A_3505 = arith.addf %add3A_3491, %select_n3A_3504 : vector<128x128xf32>
    %reduce_sum3A = arith.constant dense<0.000000e+00> : vector<128xf32>
    %reduce_sum3A_3506 = vector.multi_reduction <add>, %add3A_3496, %reduce_sum3A [1] : vector<128x128xf32> to vector<128xf32>
    %reduce_sum3A_3507 = arith.constant dense<0.000000e+00> : vector<128xf32>
    %reduce_sum3A_3508 = vector.multi_reduction <add>, %add3A_3497, %reduce_sum3A_3507 [1] : vector<128x128xf32> to vector<128xf32>
    %reduce_sum3A_3509 = arith.constant dense<0.000000e+00> : vector<128xf32>
    %reduce_sum3A_3510 = vector.multi_reduction <add>, %add3A_3505, %reduce_sum3A_3509 [1] : vector<128x128xf32> to vector<128xf32>
    %log3A = math.log %reduce_sum3A_3506 : vector<128xf32>
    %mul3A = arith.constant 3.12509769E-6 : f32
    %mul3A_3511 = vector.broadcast %mul3A : f32 to vector<128xf32>
    %mul3A_3512 = arith.mulf %mul3A_3511, %reduce_sum3A_3508 : vector<128xf32>
    %sub3A_3513 = arith.constant -1.36242902 : f32
    %sub3A_3514 = vector.broadcast %sub3A_3513 : f32 to vector<128xf32>
    %sub3A_3515 = arith.subf %sub3A_3514, %mul3A_3512 : vector<128xf32>
    %mul3A_3516 = arith.constant 1.000000e+00 : f32
    %mul3A_3517 = vector.broadcast %mul3A_3516 : f32 to vector<128xf32>
    %mul3A_3518 = arith.mulf %mul3A_3517, %log3A : vector<128xf32>
    %add3A_3519 = arith.addf %sub3A_3515, %mul3A_3518 : vector<128xf32>
    %mul3A_3520 = arith.constant 0.899996876 : f32
    %mul3A_3521 = vector.broadcast %mul3A_3520 : f32 to vector<128xf32>
    %mul3A_3522 = arith.mulf %mul3A_3521, %reduce_sum3A_3510 : vector<128xf32>
    %sub3A_3523 = arith.subf %add3A_3519, %mul3A_3522 : vector<128xf32>
    %squeeze3A = vector.shape_cast %get3A_1 : vector<128x1xi32> to vector<128xi32>
    %eq3A_3524 = vector.broadcast %get3A_4 : i32 to vector<128xi32>
    %eq3A_3525 = arith.cmpi eq, %squeeze3A, %eq3A_3524 : vector<128xi32>
    %jit3A_3526 = arith.constant 0.000000e+00 : f32
    %broadcast_in_dim3A_3527 = vector.broadcast %jit3A_3526 : f32 to vector<128xf32>
    %select_n3A_3528 = arith.select %eq3A_3525, %broadcast_in_dim3A_3527, %sub3A_3523 : vector<128xi1>, vector<128xf32>
    %eq3A_3529 = arith.constant 0 : i32
    %eq3A_3530 = arith.cmpi eq, %arg0, %eq3A_3529 : i32
    %convert_element_type3A = arith.extui %eq3A_3530 : i1 to i32
    %cond3A = arith.constant 0 : i32
    %cond3A_3531 = arith.cmpi ne, %convert_element_type3A, %cond3A : i32
    scf.if %cond3A_3531 {
      %broadcast_in_dim3A_3543 = arith.constant 0.000000e+00 : f32
      %broadcast_in_dim3A_3544 = vector.broadcast %broadcast_in_dim3A_3543 : f32 to vector<1x1xf32>
      %swap3A_3545 = arith.constant 0 : index
      %swap3A_3546 = arith.constant 0 : index
      %swap3A_3547 = vector.load %arg4[%swap3A_3545, %swap3A_3546] : memref<1x1xf32, #tpu.memory_space<vmem>>, vector<1x1xf32>
      tpu.vector_store %arg4[%swap3A_3545, %swap3A_3546], %broadcast_in_dim3A_3544 {strides = array<i32>} : memref<1x1xf32, #tpu.memory_space<vmem>>, vector<1x1xf32>,
    } else {
    }
    %get3A_3532 = arith.constant 0 : index
    %get3A_3533 = arith.constant 0 : index
    %get3A_3534 = vector.load %arg4[%get3A_3532, %get3A_3533] : memref<1x1xf32, #tpu.memory_space<vmem>>, vector<1x1xf32>
    %reduce_sum3A_3535 = vector.shape_cast %select_n3A_3528 : vector<128xf32> to vector<1x128xf32>
    %reduce_sum3A_3536 = arith.constant dense<0.000000e+00> : vector<1xf32>
    %reduce_sum3A_3537 = vector.multi_reduction <add>, %reduce_sum3A_3535, %reduce_sum3A_3536 [1] : vector<1x128xf32> to vector<1xf32>
    %reduce_sum3A_3538 = vector.shape_cast %reduce_sum3A_3537 : vector<1xf32> to vector<1x1xf32>
    %reduce_sum3A_3539 = vector.extract %reduce_sum3A_3538[0, 0] : f32 from vector<1x1xf32>
    %reshape3A = vector.broadcast %reduce_sum3A_3539 : f32 to vector<1x1xf32>
    %add3A_3540 = arith.addf %get3A_3534, %reshape3A : vector<1x1xf32>
    %swap3A = arith.constant 0 : index
    %swap3A_3541 = arith.constant 0 : index
    %swap3A_3542 = vector.load %arg4[%swap3A, %swap3A_3541] : memref<1x1xf32, #tpu.memory_space<vmem>>, vector<1x1xf32>
    tpu.vector_store %arg4[%swap3A, %swap3A_3541], %add3A_3540 {strides = array<i32>} : memref<1x1xf32, #tpu.memory_space<vmem>>, vector<1x1xf32>,
    return
  }
  func.func @transform_0(%arg0: i32) -> (i32, i32) {
    %c0_i32 = arith.constant 0 : i32
    %c0_i32_0 = arith.constant 0 : i32
    return %arg0, %c0_i32 : i32, i32
  }
  func.func @transform_1(%arg0: i32) -> (i32, i32) {
    %c0_i32 = arith.constant 0 : i32
    %c0_i32_0 = arith.constant 0 : i32
    %c0_i32_1 = arith.constant 0 : i32
    return %c0_i32, %c0_i32_0 : i32, i32
  }
  func.func @transform_2(%arg0: i32) -> (i32, i32) {
    %c0_i32 = arith.constant 0 : i32
    %c0_i32_0 = arith.constant 0 : i32
    return %arg0, %c0_i32 : i32, i32
  }
  func.func @transform_3(%arg0: i32) -> (i32, i32) {
    %c0_i32 = arith.constant 0 : i32
    %c0_i32_0 = arith.constant 0 : i32
    %c0_i32_1 = arith.constant 0 : i32
    return %c0_i32, %c0_i32_0 : i32, i32
  }
}

</mosaic_0001>

<sc_bundles>
// kernel: kernel.4.cloned.1.call-start
scs
__scs_entry_jumppad:
0x0: {  	(pc) =	sbr.rel $0x88, $3  }
0x1: {  	(tag) =	ssettag $0x0;
	lr =	simm.s32 $0x1  }
0x2: {  	[smem:$0x3F9E] =	sst lr;
	_ =	strace $0xD0000000  }
0x3: {  	_ = 	snop  }
0x4: {  	_ = 	snop  }
0x5: {  	_ = 	snop  }
0x6: {  	_ = 	snop  }
0x7: {  	_ = 	snop  }
__scs_overlays_trampoline_lowered:
0x8: {  	[smem:$0x3FAD] =	sst s0  }
0x9: {  	[smem:$0x3FAE] =	sst s1  }
0xa: {  	[smem:$0x3FAF] =	sst s2  }
0xb: {  	[smem:$0x3FB0] =	sst s3  }
0xc: {  	[smem:$0x3FB1] =	sst s4  }
0xd: {  	[smem:$0x3FB2] =	sst s5  }
0xe: {  	[smem:$0x3FB3] =	sst s6  }
0xf: {  	[smem:$0x3FB4] =	sst s7  }
0x10: {  	[smem:$0x3FB5] =	sst s8  }
0x11: {  	[smem:$0x3FB6] =	sst s9;
	s0 =	simm.s32 @!p0 $0x0  }
0x12: {  	s1 =	sld [smem:$0x3F9C];
	s0 =	simm.s32 @p0 $0x1  }
0x13: {  	[smem:$0x3FB7] =	sst s0;
	s0 =	simm.s32 @!p1 $0x0  }
0x14: {  	s2 =	sld [smem:$0x3F9B];
	s0 =	simm.s32 @p1 $0x1  }
0x15: {  	[smem:$0x3FB8] =	sst s0;
	s0 =	simm.s32 @!p2 $0x0  }
0x16: {  	s3 =	sld [smem:$0x3FDB];
	s0 =	simm.s32 @p2 $0x1  }
0x17: {  	s4 =	simm.s32 $0x1BF5;
	[smem:$0x3FBA] =	sst s0  }
0x18: {  	s0 =	sld [smem:$0x3F9D];
	_ =	swait.ge [sflag:s4], $0x0  }
0x19: {  	s7 =	sld [smem:$0x3F9E]  }
0x1a: {  	s8 =	sadd.s32 $0xFFFFE003, lr  }
0x1b: {  	s9 =	sadd.s32 $0xFFFFFEF7, lr;
	s5 =	simm.s32 $0xFFFFFFFF;
	p2 =	slt.u32 s8, $0xFFFFF086  }
0x1c: {  	p1 =	slt.u32 s9, $0xF7A;
	s5 =	simm.s32 @!p2 $0x0  }
0x1d: {  	s5 =	simm.s32 @p1 $0x1;
	p0 =	seq.s32 s7, s2  }
0x1e: {  	s7 =	smul.u32 @!p0 $0xF7A, s2;
	p2 =	seq.s32 @!p0 s5, $0x0  }
0x1f: {  	s9 =	smul.u32 $0xF7A, s1;
	s8 =	simm.s32 @!p0 $0x1BF5;
	p2 =	por !p2, p0  }
0x20: {  	[sflag:s8] =	ssyncset.s32 @!p0 $0xFFFFF086;
	s6 =	sadd.s32 @!p0 s3, s7;
	s7 =	simm.s32 @!p0 $0x108  }
0x21: {  	s3 =	sadd.s32 s3, s9;
	s6 =	sadd.s32 @!p0 $0x88, s6;
	s7 =	simm.s32 @p2 $0x1082  }
0x22: {  	[simem:s7], [sflag:s8] =	dma.local @!p0 [hbm:s6], $0xF7A  }
0x23: {  	s9 =	sor.u32 $0xD0000000, s2;
	s6 =	simm.s32 $0x108;
	_ =	swait.ge @!p0 [sflag:s8], $0x0  }
0x24: {  	s3 =	sadd.s32 $0x88, s3;
	s6 =	simm.s32 @!p1 $0x1082;
	[sflag:s4] =	ssyncset.s32 $0xFFFFF086  }
0x25: {  	[simem:s6], [sflag:s4] =	dma.local [hbm:s3], $0xF7A  }
0x26: {  	[smem:$0x3F9E] =	sst s1;
	(tag) =	ssettag s2;
	_ =	strace s9  }
0x27: {  	s1 =	sld [smem:$0x3FAE]  }
0x28: {  	s2 =	sld [smem:$0x3FAF]  }
0x29: {  	s4 =	sld [smem:$0x3FB1]  }
0x2a: {  	p0 =	seq.s32 s5, $0x0;
	s5 =	sld [smem:$0x3FB2]  }
0x2b: {  	s6 =	sld [smem:$0x3FB3]  }
0x2c: {  	s7 =	sld [smem:$0x3FB4]  }
0x2d: {  	s3 =	simm.s32 $0x108;
	s8 =	sld [smem:$0x3FB5]  }
0x2e: {  	s3 =	simm.s32 @!p0 $0x1082;
	s9 =	sld [smem:$0x3FB6]  }
0x2f: {  	lr =	sadd.s32 s0, s3;
	s0 =	sld [smem:$0x3FAD]  }
0x30: {  	s3 =	sld [smem:$0x3FB0]  }
0x31: {  	[smem:$0x3FB9] =	sst s10  }
0x32: {  	s10 =	sld [smem:$0x3FB7];
	_ =	sdelay $0x3  }
0x33: {  	p0 =	seq.s32 s10, $0x1;
	s10 =	sld [smem:$0x3FB9];
	_ =	sdelay $0x3  }
0x34: {  	[smem:$0x3FB9] =	sst s10  }
0x35: {  	s10 =	sld [smem:$0x3FB8];
	_ =	sdelay $0x3  }
0x36: {  	p1 =	seq.s32 s10, $0x1;
	s10 =	sld [smem:$0x3FB9];
	_ =	sdelay $0x3  }
0x37: {  	[smem:$0x3FB9] =	sst s10  }
0x38: {  	s10 =	sld [smem:$0x3FBA]  }
0x39: {  	_ = 	snop;
	(pc) =	sbr.ind lr, $3  }
0x3a: {  	_ = 	snop  }
0x3b: {  	_ = 	snop  }
0x3c: {  	p2 =	seq.s32 s10, $0x1;
	s10 =	sld [smem:$0x3FB9]  }
0x3d: {  	_ =	shalt  }
0x3e: {  	_ =	shalt  }
0x3f: {  	_ =	shalt  }
0x40: {  	_ =	shalt  }
0x41: {  	_ =	shalt  }
0x42: {  	_ =	shalt  }
0x43: {  	_ =	shalt  }
0x44: {  	_ =	shalt  }
0x45: {  	_ =	shalt  }
0x46: {  	_ =	shalt  }
0x47: {  	_ =	shalt  }
0x48: {  	_ =	shalt  }
0x49: {  	_ =	shalt  }
0x4a: {  	_ =	shalt  }
0x4b: {  	_ =	shalt  }
0x4c: {  	_ =	shalt  }
0x4d: {  	_ =	shalt  }
0x4e: {  	_ =	shalt  }
0x4f: {  	_ =	shalt  }
0x50: {  	_ =	shalt  }
0x51: {  	_ =	shalt  }
0x52: {  	_ =	shalt  }
0x53: {  	_ =	shalt  }
0x54: {  	_ =	shalt  }
0x55: {  	_ =	shalt  }
0x56: {  	_ =	shalt  }
0x57: {  	_ =	shalt  }
0x58: {  	_ =	shalt  }
0x59: {  	_ =	shalt  }
0x5a: {  	_ =	shalt  }
0x5b: {  	_ =	shalt  }
0x5c: {  	_ =	shalt  }
0x5d: {  	_ =	shalt  }
0x5e: {  	_ =	shalt  }
0x5f: {  	_ =	shalt  }
0x60: {  	_ =	shalt  }
0x61: {  	_ =	shalt  }
0x62: {  	_ =	shalt  }
0x63: {  	_ =	shalt  }
0x64: {  	_ =	shalt  }
0x65: {  	_ =	shalt  }
0x66: {  	_ =	shalt  }
0x67: {  	_ =	shalt  }
0x68: {  	_ =	shalt  }
0x69: {  	_ =	shalt  }
0x6a: {  	_ =	shalt  }
0x6b: {  	_ =	shalt  }
0x6c: {  	_ =	shalt  }
0x6d: {  	_ =	shalt  }
0x6e: {  	_ =	shalt  }
0x6f: {  	_ =	shalt  }
0x70: {  	_ =	shalt  }
0x71: {  	_ =	shalt  }
0x72: {  	_ =	shalt  }
0x73: {  	_ =	shalt  }
0x74: {  	_ =	shalt  }
0x75: {  	_ =	shalt  }
0x76: {  	_ =	shalt  }
0x77: {  	_ =	shalt  }
0x78: {  	_ =	shalt  }
0x79: {  	_ =	shalt  }
0x7a: {  	_ =	shalt  }
0x7b: {  	_ =	shalt  }
0x7c: {  	_ =	shalt  }
0x7d: {  	_ =	shalt  }
0x7e: {  	_ =	shalt  }
0x7f: {  	_ =	shalt  }
0x80: {  	_ =	shalt  }
0x81: {  	_ =	shalt  }
0x82: {  	_ =	shalt  }
0x83: {  	_ =	shalt  }
0x84: {  	_ =	shalt  }
0x85: {  	_ =	shalt  }
0x86: {  	_ =	shalt  }
0x87: {  	_ =	shalt  }
.Lfunc_end0:
.L_simem_size_0:
called_computation_lowered:
.L_overlay_start_0:
0x88: {  	s2 =	sld [smem:$0x3FD9]  }
0x89: {  	s3 =	sld [smem:$0x3FFE];
	_ =	sdelay $0x1  }
0x8a: {  	s1 =	srdreg.scid  }
0x8b: {  	s0 =	sand.u32 $0x1, s1  }
0x8c: {  	s16 =	sshll.u32 s0, $0xA;
	s2 =	sadd.s32 s3, s2  }
0x8d: {  	s2 =	sadd.s32 s2, s16  }
0x8e: {  	[smem:$0x3FC5] =	sst s2  }
0x8f: {  	_ = 	snop  }
0x90: {  	(tm) =	ssettm $0x1  }
0x91: {  	s17 =	sld [smem:$0x3FFB];
	_ =	sdelay $0x3  }
0x92: {  	_ =	strace s17  }
0x93: {  	s2 =	sld [smem:$0x3FFC];
	_ =	sdelay $0x3  }
0x94: {  	_ =	strace s2  }
0x95: {  	s2 =	sld [smem:$0x3FFD];
	_ =	sdelay $0x3  }
0x96: {  	_ =	strace s2  }
0x97: {  	_ =	strace $0x8FFFFFFF  }
0x98: {  	s18 =	sld [smem:$0x3FDB];
	_ =	sdelay $0x1  }
0x99: {  	s19 =	simm.s32 $_scs_section_size  }
0x9a: {  	s4 =	simm.s32 $_size__tile_overlayer_lowered;
	s5 =	simm.s32 $_tile_overlayer_lowered  }
0x9b: {  	s22 =	simm.s32 $0x1BFF;
	s21 =	sshll.u32 s5, $0x1;
	s2 =	sadd.s32 s19, s18  }
0x9c: {  	s6 =	simm.s32 $0x0;
	s20 =	sshll.u32 s4, $0x1;
	s4 =	sadd.s32 s21, s2  }
0x9d: {  	[timem:s6], [sflag:s22] =	dma.local [hbm:s4], s20  }
0x9e: {  	_ =	swait.ge [sflag:s22], s20  }
0x9f: {  	s3 =	ssub.s32 $0x0, s20;
	[sflag:s22] =	ssyncset.done $0x0  }
0xa0: {  	[sflag:s22] =	ssyncadd.s32 s3;
	_ =	sdelay $0x1  }
0xa1: {  	s23 =	simm.s32 $0x1B8B  }
0xa2: {  	_ =	swait.ge [sflag:s23], $0x1  }
0xa3: {  	[sflag:s23] =	ssyncset.done $0x0  }
0xa4: {  	s25 =	simm.s32 $0x1B8E;
	s24 =	sld [smem:$0x3FFE];
	[sflag:s23] =	ssyncadd.s32 $0xFFFFFFFF  }
0xa5: {  	s26 =	simm.s32 $execute0_lowered;
	[smem:$0x3FD2] =	sst s25  }
0xa6: {  	s4 =	sshll.u32 s26, $0x1;
	_ =	strace $0x80000046;
	[dreg:$0x1] =	wrdreg $0xFFFFFFFF  }
0xa7: {  	s28 =	simm.s32 $_size_execute0_lowered;
	s2 =	sadd.s32 s2, s4;
	[dreg:$0x0] =	wrdreg $0x0  }
0xa8: {  	s4 =	sshll.u32 s28, $0x1;
	[dreg:$0x2] =	wrdreg s2  }
0xa9: {  	[dreg:$0x3] =	wrdreg s4  }
0xaa: {  	[dreg:$0x4] =	wrdreg $0xC0  }
0xab: {  	_ =	task [dreg:s6], $0x5FFFF  }
0xac: {  	[dreg:$0x1] =	wrdreg $0xFFFFFFFF  }
0xad: {  	[dreg:$0x0] =	wrdreg $0x60  }
0xae: {  	[dreg:$0x2] =	wrdreg s24  }
0xaf: {  	[dreg:$0x3] =	wrdreg $0x9  }
0xb0: {  	_ =	task.clear_ibuf [dreg:s6], $0x4FFFF;
	_ =	strace $0x90000046  }
0xb1: {  	s29 =	simm.s32 $0x9;
	_ =	strace $0x80000048  }
0xb2: {  	_ =	swait.ge [sflag:s29], $0x1  }
0xb3: {  	[sflag:s29] =	ssyncadd.s32 $0xFFFFFFFF  }
0xb4: {  	_ =	strace $0x90000048  }
0xb5: {  	_ =	sfence  }
0xb6: {  	s30 =	sld [smem:$0x0];
	_ =	sdelay $0x2  }
0xb7: {  	s31 =	sshll.u32 s1, $0xD;
	s1 =	sshrl.u32 s1, $0x2  }
0xb8: {  	s3 =	sand.u32 $0x4000, s31;
	s1 =	sadd.s32 s1, s30  }
0xb9: {  	s0 =	sor.u32 s3, s0;
	s1 =	sshll.u32 s1, $0x11  }
0xba: {  	s0 =	sor.u32 s1, s0  }
0xbb: {  	s0 =	sadd.s32 $0x8F2B, s0  }
0xbc: {  	[sflag:s0] =	ssyncadd.remote.s32 $0x1  }
0xbd: {  	_ =	sfence.sel $0xFFFF  }
0xbe: {  	[dreg:$0x0] =	wrdreg $0xFFFFFFFF;
	(pc) =	sbr.abs _section_cstart, $3  }
0xbf: {  	[dreg:$0x1] =	wrdreg $0xFFFFFFFF  }
0xc0: {  	_ =	task.clear_ibuf [dreg:s6], $0x2FFFF;
	_ =	strace $0x9FFFFFFF  }
0xc1: {  	(tm) =	ssettm $0x7FFFFFFF  }
tec
execute0_lowered:
.L_overlay_start_1:
0x0: {  	(tag) =	ssettag $0x1  }
0x1: {  	s4 =	rddreg [dreg:$0x0];
	s2 =	srdreg.scid  }
0x2: {  	s0 =	rddreg [dreg:$0x1];
	s1 =	stileid.u32;
	s5 =	sand.u32 $0x1, s2  }
0x3: {  	s2 =	simm.s32 $0x0;
	s3 =	sshll.u32 s1, $0x5;
	s6 =	sshll.u32 s5, $0x4  }
0x4: {  	[smem:$0x7FF] =	sst s2;
	s3 =	sor.u32 s6, s3  }
0x5: {  	_ =	strace $0x80000047;
	s6 =	sadd.s32 s4, s3;
	s3 =	simm.s32 $0x1  }
0x6: {  	[tilespmem:s2], [sflag:$0x1] =	stream.linear.gather [hbm4b:s6+s2], $0x80, $0x38;
	[tilespmem:$0x180] =	vst v63  }
0x7: {  	_ =	swait.ge [sflag:s3], $0x80  }
0x8: {  	s8 =	simm.s32 $0x80;
	[sflag:s3] =	ssyncset.done $0x0  }
0x9: {  	s7 =	sadd.s32 $0x200, s4;
	s31 =	ssub.s32 $0x2, s5;
	[sflag:s3] =	ssyncadd.s32 $0xFFFFFF80  }
0xa: {  	[tilespmem:s8], [sflag:$0x1] =	stream.linear.gather [hbm4b:s7+s2], $0x80, $0x38;
	[tilespmem:$0x180] =	vst v63  }
0xb: {  	s5 =	sshrl.u32 s31, $0x1;
	_ =	swait.ge [sflag:s3], $0x80  }
0xc: {  	s4 =	ssub.s32 s31, s5;
	[sflag:s3] =	ssyncset.done $0x0  }
0xd: {  	s9 =	smax.u32 s4, $0x1;
	[sflag:s3] =	ssyncadd.s32 $0xFFFFFF80  }
0xe: {  	p0 =	sne.s32 s9, $0x1;
	v3 =	vld [tilespmem:$0x10]  }
.Ltmp0:
0xf: {  	v5 =	vld [tilespmem:$0x0];
	(pc) =	sbr.rel @!p0 .LBB2_2-.Ltmp0, $4  }
0x10: {  	v1 =	vld [tilespmem:$0x80]  }
0x11: {  	v4 =	vld [tilespmem:$0x20]  }
0x12: {  	v2 =	vld [tilespmem:$0x40]  }
0x13: {  	v0 =	vimm.f32 $1.000000000e+00;
	s5 =	simm.s32 $0x100;
	s4 =	sadd.s32 $0x400, s6;
	s9 =	sadd.s32 $0xFFFFFFFF, s9;
	v6 =	vld [tilespmem:$0x30]  }
.LBB2_1:
0x14: {  	_ = 	snop  }
0x15: {  	p0 =	sne.s32 s9, $0x1;
	s9 =	sadd.s32 $0xFFFFFFFF, s9;
	vm0 =	veq.s32 v5, v1;
	vm1 =	veq.s32 v3, v1  }
0x16: {  	v3 =	vsel vm0, $0x0, v0;
	v5 =	vsel vm1, $0x0, v0;
	vm0 =	veq.s32 v4, v1  }
0x17: {  	v3 =	vadd.f32 v5, v3;
	v4 =	vsel vm0, $0x0, v0;
	v5 =	vld [tilespmem:$0x50]  }
0x18: {  	vm0 =	veq.s32 v6, v1  }
0x19: {  	v3 =	vadd.f32 v4, v3;
	v4 =	vsel vm0, $0x0, v0;
	v6 =	vld [tilespmem:$0x60]  }
0x1a: {  	vm0 =	veq.s32 v2, v1  }
0x1b: {  	v2 =	vadd.f32 v4, v3;
	v3 =	vsel vm0, $0x0, v0;
	v4 =	vld [tilespmem:$0x70]  }
0x1c: {  	vm0 =	veq.s32 v5, v1  }
0x1d: {  	v2 =	vadd.f32 v3, v2;
	v3 =	vsel vm0, $0x0, v0  }
0x1e: {  	vm0 =	veq.s32 v6, v1  }
0x1f: {  	v2 =	vadd.f32 v3, v2;
	v3 =	vsel vm0, $0x0, v0  }
0x20: {  	vm0 =	veq.s32 v4, v1  }
0x21: {  	v1 =	vadd.f32 v3, v2;
	v2 =	vsel vm0, $0x0, v0;
	_ =	sdelay $0x1  }
0x22: {  	v1 =	vadd.f32 v2, v1;
	_ =	sdelay $0x1  }
0x23: {  	[tilespmem:$0x100] =	vst v1  }
0x24: {  	[hbm4b:s4+s2] =	stream.linear.scatter [tilespmem:s5], [sflag:$0x1], $0x80, $0x38;
	[tilespmem:$0x180] =	vst v63  }
0x25: {  	_ =	swait.ge [sflag:s3], $0x80  }
0x26: {  	[sflag:s3] =	ssyncset.done $0x0  }
0x27: {  	[sflag:s3] =	ssyncadd.s32 $0xFFFFFF80  }
0x28: {  	[tilespmem:s2], [sflag:$0x1] =	stream.linear.gather [hbm4b:s6+s2], $0x80, $0x38;
	[tilespmem:$0x180] =	vst v63  }
0x29: {  	_ =	swait.ge [sflag:s3], $0x80  }
0x2a: {  	[sflag:s3] =	ssyncset.done $0x0  }
0x2b: {  	[sflag:s3] =	ssyncadd.s32 $0xFFFFFF80  }
0x2c: {  	[tilespmem:s8], [sflag:$0x1] =	stream.linear.gather [hbm4b:s7+s2], $0x80, $0x38;
	[tilespmem:$0x180] =	vst v63  }
0x2d: {  	_ =	swait.ge [sflag:s3], $0x80  }
0x2e: {  	[sflag:s3] =	ssyncset.done $0x0  }
0x2f: {  	[sflag:s3] =	ssyncadd.s32 $0xFFFFFF80  }
0x30: {  	v3 =	vld [tilespmem:$0x10]  }
.Ltmp1:
0x31: {  	v5 =	vld [tilespmem:$0x0];
	(pc) =	sbr.rel @p0 .LBB2_1-.Ltmp1, $4  }
0x32: {  	v1 =	vld [tilespmem:$0x80]  }
0x33: {  	v4 =	vld [tilespmem:$0x20]  }
0x34: {  	v2 =	vld [tilespmem:$0x40]  }
0x35: {  	v6 =	vld [tilespmem:$0x30]  }
.LBB2_2:
0x36: {  	_ = 	snop  }
0x37: {  	vm0 =	veq.s32 v5, v1;
	vm1 =	veq.s32 v3, v1  }
0x38: {  	v52 =	vsel vm0, $0x0, v0;
	v53 =	vsel vm1, $0x0, v0  }
0x39: {  	vm10 =	veq.s32 v4, v1;
	v3 =	vadd.f32 v53, v52  }
0x3a: {  	v54 =	vld [tilespmem:$0x50];
	v4 =	vsel vm10, $0x0, v0  }
0x3b: {  	vm11 =	veq.s32 v6, v1;
	v3 =	vadd.f32 v4, v3  }
0x3c: {  	v56 =	vld [tilespmem:$0x60];
	v55 =	vsel vm11, $0x0, v0  }
0x3d: {  	vm12 =	veq.s32 v2, v1;
	v57 =	vadd.f32 v55, v3  }
0x3e: {  	v59 =	vld [tilespmem:$0x70];
	v58 =	vsel vm12, $0x0, v0  }
0x3f: {  	vm13 =	veq.s32 v54, v1;
	v2 =	vadd.f32 v58, v57  }
0x40: {  	v60 =	vsel vm13, $0x0, v0  }
0x41: {  	vm14 =	veq.s32 v56, v1;
	v2 =	vadd.f32 v60, v2  }
0x42: {  	v61 =	vsel vm14, $0x0, v0  }
0x43: {  	vm15 =	veq.s32 v59, v1;
	v62 =	vadd.f32 v61, v2  }
0x44: {  	v63 =	vsel vm15, $0x0, v0  }
0x45: {  	v0 =	vadd.f32 v63, v62;
	_ =	sdelay $0x1  }
0x46: {  	[tilespmem:$0x100] =	vst v0  }
0x47: {  	[hbm4b:s4+s2] =	stream.linear.scatter [tilespmem:s5], [sflag:$0x1], $0x80, $0x38;
	[tilespmem:$0x180] =	vst v63  }
0x48: {  	_ =	swait.ge [sflag:s3], $0x80  }
0x49: {  	[sflag:s3] =	ssyncset.done $0x0  }
0x4a: {  	[sflag:s3] =	ssyncadd.s32 $0xFFFFFF80  }
0x4b: {  	_ =	sfence.sel $0x180000  }
0x4c: {  	[bflag:$0x0] =	sbarrier.arrive $0xFFFF  }
0x4d: {  	p0 =	sne.s32 s1, $0x0;
	_ =	strace $0x90000047  }
0x4e: {  	s0 =	sadd.s32 @!p0 $0x100000, s0;
	[bflag:$0x2] =	sbarrier.arrive $0xFFFF  }
0x4f: {  	[sflag:s0] =	ssyncadd.tile.s32 @!p0 $0x1;
	_ =	shalt  }
.Lfunc_end2:
_tile_overlayer_lowered:
.L_overlay_start_2:
0x50: {  	(tag) =	ssettag $0x2  }
0x51: {  	s0 =	rddreg [dreg:$0x0];
	s2 =	stileid.u32  }
0x52: {  	s1 =	rddreg [dreg:$0x1];
	p0 =	sne.s32 s2, $0x0  }
0x53: {  	s3 =	rddreg [dreg:$0x2];
	[bflag:$0x3] =	sbarrier.arrive $0xFFFF;
	s2 =	simm.s32 @!p0 $0x1C01  }
0x54: {  	[timem:s3], [sflag:s2] =	dma.local @!p0 [hbm:s0], s1  }
0x55: {  	s0 =	simm.s32 @!p0 $0x1  }
0x56: {  	_ =	swait.ge @!p0 [sflag:s0], s1  }
0x57: {  	s1 =	ssub.s32 @!p0 $0x0, s1;
	[sflag:s0] =	ssyncset.done @!p0 $0x0  }
0x58: {  	[sflag:s0] =	ssyncadd.s32 @!p0 s1  }
0x59: {  	[bflag:$0x3] =	sbarrier.arrive $0xFFFF  }
0x5a: {  	_ =	shalt  }

</sc_bundles>
